<compile_context>
chip_gen: v7x
topology: tpu7x:2x2x1
jax: 0.10.2.dev20260603
libtpu: 0.0.44.dev20260713+nightly
codegen_flags: <defaults>
</compile_context>

<pallas_src>
import jax
import jax.numpy as jnp
from jax import lax
from jax.experimental import pallas as pl
from jax.experimental.pallas import tpu as pltpu
from jax.experimental.pallas import tpu_sc as plsc

N = 100000
E = 6400000
K = 8

NS = 16
NC = 2
NP = 100096
NT = NP // NS
ER = 50048
EP = ER * 128
ERT = ER // NS
KCH = 17
NCH = ERT // KCH


def _rsqrt_newton(d):
    i = plsc.bitcast(d, jnp.int32)
    i = 0x5F3759DF - lax.shift_right_logical(i, 1)
    y = plsc.bitcast(i, jnp.float32)
    for _ in range(3):
        y = y * (1.5 - 0.5 * d * y * y)
    return y


def _sc_body(*refs):
    (x0, x1, x2, x3, x4, x5, x6, x7, e4_hbm, zro_hbm, one_hbm,
     zro4_hbm) = refs[:12]
    outs = refs[12:12 + 2 * K]
    dis_hbm = refs[12 + 2 * K]
    deg_s = refs[13 + 2 * K]
    zs = refs[14 + 2 * K:14 + 3 * K]
    accs = refs[14 + 3 * K:14 + 4 * K]
    (gi_v, si_v, pay2_v, one_v, xb_v, nd_v,
     dsem, gsem, ssem) = refs[14 + 4 * K:]
    xks = (x0, x1, x2, x3, x4, x5, x6, x7)

    c = lax.axis_index("c")
    s = lax.axis_index("s")
    n0 = s * NT
    e0 = s * ERT

    pltpu.sync_copy(one_hbm, one_v)
    pltpu.sync_copy(zro_hbm, xb_v)
    pltpu.sync_copy(xb_v, deg_s.at[pl.ds(n0, NT)])
    for k in range(K):
        pltpu.sync_copy(xb_v, accs[k].at[pl.ds(n0, NT)])
    plsc.subcore_barrier()

    def deg_chunk(i, _):
        base = e0 + i * KCH
        pltpu.sync_copy(e4_hbm.at[0, pl.ds(base, KCH), :, :],
                        gi_v.at[pl.ds(0, KCH)])

        def inner(j, _):
            pltpu.async_copy(one_v, deg_s.at[gi_v.at[j, 0]], dsem, add=True)
            return 0

        lax.fori_loop(0, KCH, inner, 0)
        pltpu.make_async_copy(e4_hbm.at[0, pl.ds(0, KCH), :, :],
                              gi_v.at[pl.ds(0, KCH)], dsem).wait()
        return 0

    lax.fori_loop(0, NCH, deg_chunk, 0)
    plsc.subcore_barrier()

    pltpu.sync_copy(deg_s.at[pl.ds(n0, NT)], nd_v)

    def dis_step(i, _):
        d = nd_v[pl.ds(i * 16, 16)]
        nd_v[pl.ds(i * 16, 16)] = _rsqrt_newton(d)
        return 0

    lax.fori_loop(0, NT // 16, dis_step, 0)

    @pl.when(c == 0)
    def _():
        pltpu.sync_copy(nd_v, dis_hbm.at[pl.ds(n0, NT)])

    for k in range(K):
        pltpu.sync_copy(xks[k].at[pl.ds(n0, NT)], xb_v)

        def z_step(i, _):
            xv = xb_v[pl.ds(i * 16, 16)]
            dv = nd_v[pl.ds(i * 16, 16)]
            xb_v[pl.ds(i * 16, 16)] = jnp.maximum(xv, 0.0) * dv
            return 0

        lax.fori_loop(0, NT // 16, z_step, 0)
        pltpu.sync_copy(xb_v, zs[k].at[pl.ds(n0, NT)])
    plsc.subcore_barrier()

    gdim = c
    sdim = 1 - c

    def agg_chunk(i, _):
        base = e0 + i * KCH
        p = lax.rem(i, 2) * KCH
        pltpu.sync_copy(e4_hbm.at[gdim, pl.ds(base, KCH), :, :],
                        gi_v.at[pl.ds(p, KCH)])
        pltpu.sync_copy(e4_hbm.at[sdim, pl.ds(base, KCH), :, :],
                        si_v.at[pl.ds(p, KCH)])

        def inner(j, _):
            jj = i * KCH + j
            b = lax.rem(jj, 2)

            @pl.when(jj >= 2)
            def _():
                pltpu.make_async_copy(zro4_hbm, pay2_v.at[pl.ds(0, K)],
                                      ssem).wait()

            descs = [
                pltpu.async_copy(zs[k].at[gi_v.at[p + j, 0]],
                                 pay2_v.at[b * K + k, 0], gsem)
                for k in range(K)
            ]
            for d in descs:
                d.wait()
            for k in range(K):
                pltpu.async_copy(pay2_v.at[b * K + k, 0],
                                 accs[k].at[si_v.at[p + j, 0]], ssem,
                                 add=True)
            return 0

        return lax.fori_loop(0, KCH, inner, 0)

    lax.fori_loop(0, NCH, agg_chunk, 0)
    pltpu.make_async_copy(zro4_hbm, pay2_v.at[pl.ds(0, K)], ssem).wait()
    pltpu.make_async_copy(zro4_hbm, pay2_v.at[pl.ds(0, K)], ssem).wait()
    plsc.subcore_barrier()

    @pl.when(c == 0)
    def _():
        for k in range(K):
            pltpu.sync_copy(accs[k].at[pl.ds(n0, NT)], xb_v)
            pltpu.sync_copy(xb_v, outs[k].at[pl.ds(n0, NT)])

    @pl.when(c == 1)
    def _():
        for k in range(K):
            pltpu.sync_copy(accs[k].at[pl.ds(n0, NT)], xb_v)
            pltpu.sync_copy(xb_v, outs[K + k].at[pl.ds(n0, NT)])


_sc_call = pl.kernel(
    _sc_body,
    out_type=tuple(jax.ShapeDtypeStruct((NP,), jnp.float32)
                   for _ in range(2 * K + 1)),
    mesh=plsc.VectorSubcoreMesh(core_axis_name="c", subcore_axis_name="s"),
    compiler_params=pltpu.CompilerParams(needs_layout_passes=False),
    scratch_types=(
        (pltpu.VMEM_SHARED((NP,), jnp.float32),)
        + tuple(pltpu.VMEM_SHARED((NP,), jnp.float32) for _ in range(K))
        + tuple(pltpu.VMEM_SHARED((NP,), jnp.float32) for _ in range(K))
        + (
            pltpu.VMEM((2 * KCH, 1, 128), jnp.int32),
            pltpu.VMEM((2 * KCH, 1, 128), jnp.int32),
            pltpu.VMEM((2 * K, 1, 128), jnp.float32),
            pltpu.VMEM((128,), jnp.float32),
            pltpu.VMEM((NT,), jnp.float32),
            pltpu.VMEM((NT,), jnp.float32),
            pltpu.SemaphoreType.DMA,
            pltpu.SemaphoreType.DMA,
            pltpu.SemaphoreType.DMA,
        )
    ),
)


def _tc_body(ai_ref, ao_ref, dis_ref, wit_ref, wot_ref, oi_ref, oo_ref):
    dis = dis_ref[...]
    oi_ref[...] = dis * jnp.dot(ai_ref[...], wit_ref[...],
                                preferred_element_type=jnp.float32)
    oo_ref[...] = dis * jnp.dot(ao_ref[...], wot_ref[...],
                                preferred_element_type=jnp.float32)


BN = 5000


def _tc_call(ai, ao, dis, wit, wot):
    grid = (N // BN,)
    return pl.pallas_call(
        _tc_body,
        grid=grid,
        in_specs=[
            pl.BlockSpec((BN, K), lambda i: (i, 0)),
            pl.BlockSpec((BN, K), lambda i: (i, 0)),
            pl.BlockSpec((BN, 1), lambda i: (i, 0)),
            pl.BlockSpec((K, K), lambda i: (0, 0)),
            pl.BlockSpec((K, K), lambda i: (0, 0)),
        ],
        out_specs=[
            pl.BlockSpec((BN, K), lambda i: (i, 0)),
            pl.BlockSpec((BN, K), lambda i: (i, 0)),
        ],
        out_shape=[
            jax.ShapeDtypeStruct((N, K), jnp.float32),
            jax.ShapeDtypeStruct((N, K), jnp.float32),
        ],
    )(ai, ao, dis, wit, wot)


def kernel(x, edge_index, W_in, W_out):
    e4 = jnp.pad(edge_index.astype(jnp.int32), ((0, 0), (0, EP - E)),
                 constant_values=N).reshape(2, ER, 1, 128)
    xp = jnp.pad(x, ((0, NP - N), (0, 0)))
    xks = [xp[:, k] for k in range(K)]
    zro = jnp.zeros((NT,), jnp.float32)
    one = jnp.ones((128,), jnp.float32)
    zro4 = jnp.zeros((K, 1, 128), jnp.float32)
    res = _sc_call(*xks, e4, zro, one, zro4)
    agg_in = jnp.stack(res[:K], axis=1)[:N]
    agg_out = jnp.stack(res[K:2 * K], axis=1)[:N]
    dis = res[2 * K][:N].reshape(N, 1)
    oi, oo = _tc_call(agg_in, agg_out, dis, W_in.T, W_out.T)
    return jnp.concatenate([oi, oo], axis=1)

# --- scband reference (transcript-rebuilt; emitter-appended) ---
"""Pipeline reference for scband-conv-layer-86397562126428 (READ-ONLY COPY).

The authoritative reference and input builder live on the scoring server;
editing this copy changes nothing except your own understanding.
"""

import jax, jax.numpy as jnp
import numpy as np

N = 100000
E = 6400000
K = 8

def setup_inputs(seed: int = 0) -> dict:
    key = jax.random.key(seed)
    k1, k2, k3, k4 = jax.random.split(key, 4)
    x = jax.random.normal(k1, (N, K), dtype=jnp.float32)
    edge_index = jax.random.randint(k2, (2, E), 0, N, dtype=jnp.int64)
    # Linear(in=8, out=8, bias=False) weights, torch layout [out, in]
    lim = 1.0 / np.sqrt(K)
    W_in = jax.random.uniform(k3, (K, K), minval=-lim, maxval=lim, dtype=jnp.float32)
    W_out = jax.random.uniform(k4, (K, K), minval=-lim, maxval=lim, dtype=jnp.float32)
    return {"x": x, "edge_index": edge_index, "W_in": W_in, "W_out": W_out}

def _gcn_norm(edge_index):
    row = edge_index[0]
    col = edge_index[1]
    # degree(row, N): count of each source node over edge_index[0]
    deg = jax.ops.segment_sum(jnp.ones((E,), dtype=jnp.float32), row, num_segments=N)
    deg_inv_sqrt = deg ** -0.5
    norm = deg_inv_sqrt[row] * deg_inv_sqrt[col]
    return row, col, norm

def reference(x, edge_index, W_in, W_out):
    x = jax.nn.relu(x)
    row, col, norm = _gcn_norm(edge_index)
    # conv_in: flow source_to_target -> x_j = x[row], aggregate at col
    xw_in = x @ W_in.T
    msg_in = norm[:, None] * xw_in[row]
    in_x = jax.ops.segment_sum(msg_in, col, num_segments=N)
    # conv_out: flow target_to_source -> x_j = x[col], aggregate at row
    xw_out = x @ W_out.T
    msg_out = norm[:, None] * xw_out[col]
    out_x = jax.ops.segment_sum(msg_out, row, num_segments=N)
    return jnp.concatenate((in_x, out_x), axis=1)

if __name__ == "__main__":
    import jax
    _d = setup_inputs()
    print(jax.jit(kernel)(*tuple(_d.values())))

</pallas_src>

<mosaic_0001>
#map = affine_map<(d0, d1) -> (0)>
#map1 = affine_map<(d0, d1) -> (0, 0, 0, 0)>
#map2 = affine_map<(d0, d1) -> (0, 0, 0)>
module attributes {stable_mosaic.version = 14 : i64} {
  func.func @_sc_body(%arg0: i32, %arg1: i32, %arg2: memref<100096xf32, #tpu.memory_space<hbm>>, %arg3: memref<100096xf32, #tpu.memory_space<hbm>>, %arg4: memref<100096xf32, #tpu.memory_space<hbm>>, %arg5: memref<100096xf32, #tpu.memory_space<hbm>>, %arg6: memref<100096xf32, #tpu.memory_space<hbm>>, %arg7: memref<100096xf32, #tpu.memory_space<hbm>>, %arg8: memref<100096xf32, #tpu.memory_space<hbm>>, %arg9: memref<100096xf32, #tpu.memory_space<hbm>>, %arg10: memref<2x50048x1x128xi32, #tpu.memory_space<hbm>>, %arg11: memref<6256xf32, #tpu.memory_space<hbm>>, %arg12: memref<128xf32, #tpu.memory_space<hbm>>, %arg13: memref<8x1x128xf32, #tpu.memory_space<hbm>>, %arg14: memref<100096xf32, #tpu.memory_space<hbm>>, %arg15: memref<100096xf32, #tpu.memory_space<hbm>>, %arg16: memref<100096xf32, #tpu.memory_space<hbm>>, %arg17: memref<100096xf32, #tpu.memory_space<hbm>>, %arg18: memref<100096xf32, #tpu.memory_space<hbm>>, %arg19: memref<100096xf32, #tpu.memory_space<hbm>>, %arg20: memref<100096xf32, #tpu.memory_space<hbm>>, %arg21: memref<100096xf32, #tpu.memory_space<hbm>>, %arg22: memref<100096xf32, #tpu.memory_space<hbm>>, %arg23: memref<100096xf32, #tpu.memory_space<hbm>>, %arg24: memref<100096xf32, #tpu.memory_space<hbm>>, %arg25: memref<100096xf32, #tpu.memory_space<hbm>>, %arg26: memref<100096xf32, #tpu.memory_space<hbm>>, %arg27: memref<100096xf32, #tpu.memory_space<hbm>>, %arg28: memref<100096xf32, #tpu.memory_space<hbm>>, %arg29: memref<100096xf32, #tpu.memory_space<hbm>>, %arg30: memref<100096xf32, #tpu.memory_space<hbm>>, %arg31: memref<100096xf32, #tpu.memory_space<vmem_shared>>, %arg32: memref<100096xf32, #tpu.memory_space<vmem_shared>>, %arg33: memref<100096xf32, #tpu.memory_space<vmem_shared>>, %arg34: memref<100096xf32, #tpu.memory_space<vmem_shared>>, %arg35: memref<100096xf32, #tpu.memory_space<vmem_shared>>, %arg36: memref<100096xf32, #tpu.memory_space<vmem_shared>>, %arg37: memref<100096xf32, #tpu.memory_space<vmem_shared>>, %arg38: memref<100096xf32, #tpu.memory_space<vmem_shared>>, %arg39: memref<100096xf32, #tpu.memory_space<vmem_shared>>, %arg40: memref<100096xf32, #tpu.memory_space<vmem_shared>>, %arg41: memref<100096xf32, #tpu.memory_space<vmem_shared>>, %arg42: memref<100096xf32, #tpu.memory_space<vmem_shared>>, %arg43: memref<100096xf32, #tpu.memory_space<vmem_shared>>, %arg44: memref<100096xf32, #tpu.memory_space<vmem_shared>>, %arg45: memref<100096xf32, #tpu.memory_space<vmem_shared>>, %arg46: memref<100096xf32, #tpu.memory_space<vmem_shared>>, %arg47: memref<100096xf32, #tpu.memory_space<vmem_shared>>, %arg48: memref<34x1x128xi32, #tpu.memory_space<vmem>>, %arg49: memref<34x1x128xi32, #tpu.memory_space<vmem>>, %arg50: memref<16x1x128xf32, #tpu.memory_space<vmem>>, %arg51: memref<128xf32, #tpu.memory_space<vmem>>, %arg52: memref<6256xf32, #tpu.memory_space<vmem>>, %arg53: memref<6256xf32, #tpu.memory_space<vmem>>, %arg54: memref<!tpu.dma_semaphore, #tpu.memory_space<semaphore_mem>>, %arg55: memref<!tpu.dma_semaphore, #tpu.memory_space<semaphore_mem>>, %arg56: memref<!tpu.dma_semaphore, #tpu.memory_space<semaphore_mem>>) attributes {dimension_semantics = [#tpu.dimension_semantics<core_parallel>, #tpu.dimension_semantics<subcore_parallel>], iteration_bounds = array<i64: 2, 16>, scalar_prefetch = 0 : i64, scratch_operands = 26 : i64, tpu.core_type = #tpu.core_type<sc_vector_subcore>, window_params = [{transform_indices = #map}, {transform_indices = #map}, {transform_indices = #map}, {transform_indices = #map}, {transform_indices = #map}, {transform_indices = #map}, {transform_indices = #map}, {transform_indices = #map}, {transform_indices = #map1}, {transform_indices = #map}, {transform_indices = #map}, {transform_indices = #map2}, {transform_indices = #map}, {transform_indices = #map}, {transform_indices = #map}, {transform_indices = #map}, {transform_indices = #map}, {transform_indices = #map}, {transform_indices = #map}, {transform_indices = #map}, {transform_indices = #map}, {transform_indices = #map}, {transform_indices = #map}, {transform_indices = #map}, {transform_indices = #map}, {transform_indices = #map}, {transform_indices = #map}, {transform_indices = #map}, {transform_indices = #map}]} {
    %mul3A = arith.constant 6256 : i32
    %mul3A_0 = arith.muli %arg1, %mul3A : i32
    %mul3A_1 = arith.constant 3128 : i32
    %mul3A_2 = arith.muli %arg1, %mul3A_1 : i32
    "tpu.region"() ({
      %run_scoped3A = tpu.sem_alloc : memref<!tpu.dma_semaphore, #tpu.memory_space<semaphore_mem>>
      tpu.enqueue_dma source(%arg12 : memref<128xf32, #tpu.memory_space<hbm>>) target(%arg51 : memref<128xf32, #tpu.memory_space<vmem>>) target_semaphore(%run_scoped3A : memref<!tpu.dma_semaphore, #tpu.memory_space<semaphore_mem>>)
      tpu.wait_dma2 semaphore(%run_scoped3A : memref<!tpu.dma_semaphore, #tpu.memory_space<semaphore_mem>>) src(%arg12 : memref<128xf32, #tpu.memory_space<hbm>>) dst(%arg51 : memref<128xf32, #tpu.memory_space<vmem>>)
      tpu.yield
    }) : () -> ()
    "tpu.region"() ({
      %run_scoped3A = tpu.sem_alloc : memref<!tpu.dma_semaphore, #tpu.memory_space<semaphore_mem>>
      tpu.enqueue_dma source(%arg11 : memref<6256xf32, #tpu.memory_space<hbm>>) target(%arg52 : memref<6256xf32, #tpu.memory_space<vmem>>) target_semaphore(%run_scoped3A : memref<!tpu.dma_semaphore, #tpu.memory_space<semaphore_mem>>)
      tpu.wait_dma2 semaphore(%run_scoped3A : memref<!tpu.dma_semaphore, #tpu.memory_space<semaphore_mem>>) src(%arg11 : memref<6256xf32, #tpu.memory_space<hbm>>) dst(%arg52 : memref<6256xf32, #tpu.memory_space<vmem>>)
      tpu.yield
    }) : () -> ()
    "tpu.region"() ({
      %run_scoped3A = tpu.sem_alloc : memref<!tpu.dma_semaphore, #tpu.memory_space<semaphore_mem>>
      %dma_start3A = tpu.memref_slice %arg31[%mul3A_0] : memref<100096xf32, #tpu.memory_space<vmem_shared>> -> memref<6256xf32, #tpu.memory_space<vmem_shared>>
      %dma_start3A_110 = tpu.memref_slice %arg31[%mul3A_0] : memref<100096xf32, #tpu.memory_space<vmem_shared>> -> memref<6256xf32, #tpu.memory_space<vmem_shared>>
      tpu.enqueue_dma source(%arg52 : memref<6256xf32, #tpu.memory_space<vmem>>) target(%dma_start3A_110 : memref<6256xf32, #tpu.memory_space<vmem_shared>>) target_semaphore(%run_scoped3A : memref<!tpu.dma_semaphore, #tpu.memory_space<semaphore_mem>>)
      %dma_wait3A_111 = tpu.memref_slice %arg31[%mul3A_0] : memref<100096xf32, #tpu.memory_space<vmem_shared>> -> memref<6256xf32, #tpu.memory_space<vmem_shared>>
      %dma_wait3A_112 = tpu.memref_slice %arg31[%mul3A_0] : memref<100096xf32, #tpu.memory_space<vmem_shared>> -> memref<6256xf32, #tpu.memory_space<vmem_shared>>
      tpu.wait_dma2 semaphore(%run_scoped3A : memref<!tpu.dma_semaphore, #tpu.memory_space<semaphore_mem>>) src(%arg52 : memref<6256xf32, #tpu.memory_space<vmem>>) dst(%dma_wait3A_112 : memref<6256xf32, #tpu.memory_space<vmem_shared>>)
      tpu.yield
    }) : () -> ()
    "tpu.region"() ({
      %run_scoped3A = tpu.sem_alloc : memref<!tpu.dma_semaphore, #tpu.memory_space<semaphore_mem>>
      %dma_start3A = tpu.memref_slice %arg40[%mul3A_0] : memref<100096xf32, #tpu.memory_space<vmem_shared>> -> memref<6256xf32, #tpu.memory_space<vmem_shared>>
      %dma_start3A_110 = tpu.memref_slice %arg40[%mul3A_0] : memref<100096xf32, #tpu.memory_space<vmem_shared>> -> memref<6256xf32, #tpu.memory_space<vmem_shared>>
      tpu.enqueue_dma source(%arg52 : memref<6256xf32, #tpu.memory_space<vmem>>) target(%dma_start3A_110 : memref<6256xf32, #tpu.memory_space<vmem_shared>>) target_semaphore(%run_scoped3A : memref<!tpu.dma_semaphore, #tpu.memory_space<semaphore_mem>>)
      %dma_wait3A_111 = tpu.memref_slice %arg40[%mul3A_0] : memref<100096xf32, #tpu.memory_space<vmem_shared>> -> memref<6256xf32, #tpu.memory_space<vmem_shared>>
      %dma_wait3A_112 = tpu.memref_slice %arg40[%mul3A_0] : memref<100096xf32, #tpu.memory_space<vmem_shared>> -> memref<6256xf32, #tpu.memory_space<vmem_shared>>
      tpu.wait_dma2 semaphore(%run_scoped3A : memref<!tpu.dma_semaphore, #tpu.memory_space<semaphore_mem>>) src(%arg52 : memref<6256xf32, #tpu.memory_space<vmem>>) dst(%dma_wait3A_112 : memref<6256xf32, #tpu.memory_space<vmem_shared>>)
      tpu.yield
    }) : () -> ()
    "tpu.region"() ({
      %run_scoped3A = tpu.sem_alloc : memref<!tpu.dma_semaphore, #tpu.memory_space<semaphore_mem>>
      %dma_start3A = tpu.memref_slice %arg41[%mul3A_0] : memref<100096xf32, #tpu.memory_space<vmem_shared>> -> memref<6256xf32, #tpu.memory_space<vmem_shared>>
      %dma_start3A_110 = tpu.memref_slice %arg41[%mul3A_0] : memref<100096xf32, #tpu.memory_space<vmem_shared>> -> memref<6256xf32, #tpu.memory_space<vmem_shared>>
      tpu.enqueue_dma source(%arg52 : memref<6256xf32, #tpu.memory_space<vmem>>) target(%dma_start3A_110 : memref<6256xf32, #tpu.memory_space<vmem_shared>>) target_semaphore(%run_scoped3A : memref<!tpu.dma_semaphore, #tpu.memory_space<semaphore_mem>>)
      %dma_wait3A_111 = tpu.memref_slice %arg41[%mul3A_0] : memref<100096xf32, #tpu.memory_space<vmem_shared>> -> memref<6256xf32, #tpu.memory_space<vmem_shared>>
      %dma_wait3A_112 = tpu.memref_slice %arg41[%mul3A_0] : memref<100096xf32, #tpu.memory_space<vmem_shared>> -> memref<6256xf32, #tpu.memory_space<vmem_shared>>
      tpu.wait_dma2 semaphore(%run_scoped3A : memref<!tpu.dma_semaphore, #tpu.memory_space<semaphore_mem>>) src(%arg52 : memref<6256xf32, #tpu.memory_space<vmem>>) dst(%dma_wait3A_112 : memref<6256xf32, #tpu.memory_space<vmem_shared>>)
      tpu.yield
    }) : () -> ()
    "tpu.region"() ({
      %run_scoped3A = tpu.sem_alloc : memref<!tpu.dma_semaphore, #tpu.memory_space<semaphore_mem>>
      %dma_start3A = tpu.memref_slice %arg42[%mul3A_0] : memref<100096xf32, #tpu.memory_space<vmem_shared>> -> memref<6256xf32, #tpu.memory_space<vmem_shared>>
      %dma_start3A_110 = tpu.memref_slice %arg42[%mul3A_0] : memref<100096xf32, #tpu.memory_space<vmem_shared>> -> memref<6256xf32, #tpu.memory_space<vmem_shared>>
      tpu.enqueue_dma source(%arg52 : memref<6256xf32, #tpu.memory_space<vmem>>) target(%dma_start3A_110 : memref<6256xf32, #tpu.memory_space<vmem_shared>>) target_semaphore(%run_scoped3A : memref<!tpu.dma_semaphore, #tpu.memory_space<semaphore_mem>>)
      %dma_wait3A_111 = tpu.memref_slice %arg42[%mul3A_0] : memref<100096xf32, #tpu.memory_space<vmem_shared>> -> memref<6256xf32, #tpu.memory_space<vmem_shared>>
      %dma_wait3A_112 = tpu.memref_slice %arg42[%mul3A_0] : memref<100096xf32, #tpu.memory_space<vmem_shared>> -> memref<6256xf32, #tpu.memory_space<vmem_shared>>
      tpu.wait_dma2 semaphore(%run_scoped3A : memref<!tpu.dma_semaphore, #tpu.memory_space<semaphore_mem>>) src(%arg52 : memref<6256xf32, #tpu.memory_space<vmem>>) dst(%dma_wait3A_112 : memref<6256xf32, #tpu.memory_space<vmem_shared>>)
      tpu.yield
    }) : () -> ()
    "tpu.region"() ({
      %run_scoped3A = tpu.sem_alloc : memref<!tpu.dma_semaphore, #tpu.memory_space<semaphore_mem>>
      %dma_start3A = tpu.memref_slice %arg43[%mul3A_0] : memref<100096xf32, #tpu.memory_space<vmem_shared>> -> memref<6256xf32, #tpu.memory_space<vmem_shared>>
      %dma_start3A_110 = tpu.memref_slice %arg43[%mul3A_0] : memref<100096xf32, #tpu.memory_space<vmem_shared>> -> memref<6256xf32, #tpu.memory_space<vmem_shared>>
      tpu.enqueue_dma source(%arg52 : memref<6256xf32, #tpu.memory_space<vmem>>) target(%dma_start3A_110 : memref<6256xf32, #tpu.memory_space<vmem_shared>>) target_semaphore(%run_scoped3A : memref<!tpu.dma_semaphore, #tpu.memory_space<semaphore_mem>>)
      %dma_wait3A_111 = tpu.memref_slice %arg43[%mul3A_0] : memref<100096xf32, #tpu.memory_space<vmem_shared>> -> memref<6256xf32, #tpu.memory_space<vmem_shared>>
      %dma_wait3A_112 = tpu.memref_slice %arg43[%mul3A_0] : memref<100096xf32, #tpu.memory_space<vmem_shared>> -> memref<6256xf32, #tpu.memory_space<vmem_shared>>
      tpu.wait_dma2 semaphore(%run_scoped3A : memref<!tpu.dma_semaphore, #tpu.memory_space<semaphore_mem>>) src(%arg52 : memref<6256xf32, #tpu.memory_space<vmem>>) dst(%dma_wait3A_112 : memref<6256xf32, #tpu.memory_space<vmem_shared>>)
      tpu.yield
    }) : () -> ()
    "tpu.region"() ({
      %run_scoped3A = tpu.sem_alloc : memref<!tpu.dma_semaphore, #tpu.memory_space<semaphore_mem>>
      %dma_start3A = tpu.memref_slice %arg44[%mul3A_0] : memref<100096xf32, #tpu.memory_space<vmem_shared>> -> memref<6256xf32, #tpu.memory_space<vmem_shared>>
      %dma_start3A_110 = tpu.memref_slice %arg44[%mul3A_0] : memref<100096xf32, #tpu.memory_space<vmem_shared>> -> memref<6256xf32, #tpu.memory_space<vmem_shared>>
      tpu.enqueue_dma source(%arg52 : memref<6256xf32, #tpu.memory_space<vmem>>) target(%dma_start3A_110 : memref<6256xf32, #tpu.memory_space<vmem_shared>>) target_semaphore(%run_scoped3A : memref<!tpu.dma_semaphore, #tpu.memory_space<semaphore_mem>>)
      %dma_wait3A_111 = tpu.memref_slice %arg44[%mul3A_0] : memref<100096xf32, #tpu.memory_space<vmem_shared>> -> memref<6256xf32, #tpu.memory_space<vmem_shared>>
      %dma_wait3A_112 = tpu.memref_slice %arg44[%mul3A_0] : memref<100096xf32, #tpu.memory_space<vmem_shared>> -> memref<6256xf32, #tpu.memory_space<vmem_shared>>
      tpu.wait_dma2 semaphore(%run_scoped3A : memref<!tpu.dma_semaphore, #tpu.memory_space<semaphore_mem>>) src(%arg52 : memref<6256xf32, #tpu.memory_space<vmem>>) dst(%dma_wait3A_112 : memref<6256xf32, #tpu.memory_space<vmem_shared>>)
      tpu.yield
    }) : () -> ()
    "tpu.region"() ({
      %run_scoped3A = tpu.sem_alloc : memref<!tpu.dma_semaphore, #tpu.memory_space<semaphore_mem>>
      %dma_start3A = tpu.memref_slice %arg45[%mul3A_0] : memref<100096xf32, #tpu.memory_space<vmem_shared>> -> memref<6256xf32, #tpu.memory_space<vmem_shared>>
      %dma_start3A_110 = tpu.memref_slice %arg45[%mul3A_0] : memref<100096xf32, #tpu.memory_space<vmem_shared>> -> memref<6256xf32, #tpu.memory_space<vmem_shared>>
      tpu.enqueue_dma source(%arg52 : memref<6256xf32, #tpu.memory_space<vmem>>) target(%dma_start3A_110 : memref<6256xf32, #tpu.memory_space<vmem_shared>>) target_semaphore(%run_scoped3A : memref<!tpu.dma_semaphore, #tpu.memory_space<semaphore_mem>>)
      %dma_wait3A_111 = tpu.memref_slice %arg45[%mul3A_0] : memref<100096xf32, #tpu.memory_space<vmem_shared>> -> memref<6256xf32, #tpu.memory_space<vmem_shared>>
      %dma_wait3A_112 = tpu.memref_slice %arg45[%mul3A_0] : memref<100096xf32, #tpu.memory_space<vmem_shared>> -> memref<6256xf32, #tpu.memory_space<vmem_shared>>
      tpu.wait_dma2 semaphore(%run_scoped3A : memref<!tpu.dma_semaphore, #tpu.memory_space<semaphore_mem>>) src(%arg52 : memref<6256xf32, #tpu.memory_space<vmem>>) dst(%dma_wait3A_112 : memref<6256xf32, #tpu.memory_space<vmem_shared>>)
      tpu.yield
    }) : () -> ()
    "tpu.region"() ({
      %run_scoped3A = tpu.sem_alloc : memref<!tpu.dma_semaphore, #tpu.memory_space<semaphore_mem>>
      %dma_start3A = tpu.memref_slice %arg46[%mul3A_0] : memref<100096xf32, #tpu.memory_space<vmem_shared>> -> memref<6256xf32, #tpu.memory_space<vmem_shared>>
      %dma_start3A_110 = tpu.memref_slice %arg46[%mul3A_0] : memref<100096xf32, #tpu.memory_space<vmem_shared>> -> memref<6256xf32, #tpu.memory_space<vmem_shared>>
      tpu.enqueue_dma source(%arg52 : memref<6256xf32, #tpu.memory_space<vmem>>) target(%dma_start3A_110 : memref<6256xf32, #tpu.memory_space<vmem_shared>>) target_semaphore(%run_scoped3A : memref<!tpu.dma_semaphore, #tpu.memory_space<semaphore_mem>>)
      %dma_wait3A_111 = tpu.memref_slice %arg46[%mul3A_0] : memref<100096xf32, #tpu.memory_space<vmem_shared>> -> memref<6256xf32, #tpu.memory_space<vmem_shared>>
      %dma_wait3A_112 = tpu.memref_slice %arg46[%mul3A_0] : memref<100096xf32, #tpu.memory_space<vmem_shared>> -> memref<6256xf32, #tpu.memory_space<vmem_shared>>
      tpu.wait_dma2 semaphore(%run_scoped3A : memref<!tpu.dma_semaphore, #tpu.memory_space<semaphore_mem>>) src(%arg52 : memref<6256xf32, #tpu.memory_space<vmem>>) dst(%dma_wait3A_112 : memref<6256xf32, #tpu.memory_space<vmem_shared>>)
      tpu.yield
    }) : () -> ()
    "tpu.region"() ({
      %run_scoped3A = tpu.sem_alloc : memref<!tpu.dma_semaphore, #tpu.memory_space<semaphore_mem>>
      %dma_start3A = tpu.memref_slice %arg47[%mul3A_0] : memref<100096xf32, #tpu.memory_space<vmem_shared>> -> memref<6256xf32, #tpu.memory_space<vmem_shared>>
      %dma_start3A_110 = tpu.memref_slice %arg47[%mul3A_0] : memref<100096xf32, #tpu.memory_space<vmem_shared>> -> memref<6256xf32, #tpu.memory_space<vmem_shared>>
      tpu.enqueue_dma source(%arg52 : memref<6256xf32, #tpu.memory_space<vmem>>) target(%dma_start3A_110 : memref<6256xf32, #tpu.memory_space<vmem_shared>>) target_semaphore(%run_scoped3A : memref<!tpu.dma_semaphore, #tpu.memory_space<semaphore_mem>>)
      %dma_wait3A_111 = tpu.memref_slice %arg47[%mul3A_0] : memref<100096xf32, #tpu.memory_space<vmem_shared>> -> memref<6256xf32, #tpu.memory_space<vmem_shared>>
      %dma_wait3A_112 = tpu.memref_slice %arg47[%mul3A_0] : memref<100096xf32, #tpu.memory_space<vmem_shared>> -> memref<6256xf32, #tpu.memory_space<vmem_shared>>
      tpu.wait_dma2 semaphore(%run_scoped3A : memref<!tpu.dma_semaphore, #tpu.memory_space<semaphore_mem>>) src(%arg52 : memref<6256xf32, #tpu.memory_space<vmem>>) dst(%dma_wait3A_112 : memref<6256xf32, #tpu.memory_space<vmem_shared>>)
      tpu.yield
    }) : () -> ()
    %barrier3A = arith.constant 0 : index
    tpu.barrier barrier_id(%barrier3A)
    %scan3A = arith.constant 0 : i32
    %scan3A_3 = arith.constant 0 : i32
    %scan3A_4 = arith.constant 184 : i32
    %scan3A_5 = arith.addi %scan3A_3, %scan3A_4 : i32
    %scan3A_6 = arith.constant 1 : i32
    %scan3A_7 = scf.for %scan3A_110 = %scan3A_3 to %scan3A_5 step %scan3A_6 iter_args(%scan3A_111 = %scan3A) -> (i32)  : i32 {
      %mul3A_112 = arith.constant 17 : i32
      %mul3A_113 = arith.muli %scan3A_110, %mul3A_112 : i32
      %add3A = arith.addi %mul3A_2, %mul3A_113 : i32
      %run_scoped3A = arith.constant 0 : i32
      "tpu.region"() ({
        %run_scoped3A_141 = tpu.sem_alloc : memref<!tpu.dma_semaphore, #tpu.memory_space<semaphore_mem>>
        %dma_start3A = arith.constant 0 : i32
        %dma_start3A_142 = arith.constant 0 : i32
        %dma_start3A_143 = arith.constant 0 : i32
        %dma_start3A_144 = tpu.memref_slice %arg48[%dma_start3A, %dma_start3A_142, %dma_start3A_143] : memref<34x1x128xi32, #tpu.memory_space<vmem>> -> memref<17x1x128xi32, #tpu.memory_space<vmem>>
        %dma_start3A_145 = arith.constant 0 : i32
        %dma_start3A_146 = arith.constant 0 : i32
        %dma_start3A_147 = tpu.memref_slice %arg10[%run_scoped3A, %add3A, %dma_start3A_145, %dma_start3A_146] : memref<2x50048x1x128xi32, #tpu.memory_space<hbm>> -> memref<1x17x1x128xi32, #tpu.memory_space<hbm>>
        %dma_start3A_148 = tpu.memref_squeeze %dma_start3A_147 : memref<1x17x1x128xi32, #tpu.memory_space<hbm>> -> memref<17x1x128xi32, #tpu.memory_space<hbm>>
        %dma_start3A_149 = arith.constant 0 : i32
        %dma_start3A_150 = arith.constant 0 : i32
        %dma_start3A_151 = arith.constant 0 : i32
        %dma_start3A_152 = tpu.memref_slice %arg48[%dma_start3A_149, %dma_start3A_150, %dma_start3A_151] : memref<34x1x128xi32, #tpu.memory_space<vmem>> -> memref<17x1x128xi32, #tpu.memory_space<vmem>>
        %dma_start3A_153 = arith.constant 0 : i32
        %dma_start3A_154 = arith.constant 0 : i32
        %dma_start3A_155 = tpu.memref_slice %arg10[%run_scoped3A, %add3A, %dma_start3A_153, %dma_start3A_154] : memref<2x50048x1x128xi32, #tpu.memory_space<hbm>> -> memref<1x17x1x128xi32, #tpu.memory_space<hbm>>
        %dma_start3A_156 = tpu.memref_squeeze %dma_start3A_155 : memref<1x17x1x128xi32, #tpu.memory_space<hbm>> -> memref<17x1x128xi32, #tpu.memory_space<hbm>>
        tpu.enqueue_dma source(%dma_start3A_156 : memref<17x1x128xi32, #tpu.memory_space<hbm>>) target(%dma_start3A_152 : memref<17x1x128xi32, #tpu.memory_space<vmem>>) target_semaphore(%run_scoped3A_141 : memref<!tpu.dma_semaphore, #tpu.memory_space<semaphore_mem>>)
        %dma_wait3A_157 = arith.constant 0 : i32
        %dma_wait3A_158 = arith.constant 0 : i32
        %dma_wait3A_159 = arith.constant 0 : i32
        %dma_wait3A_160 = tpu.memref_slice %arg48[%dma_wait3A_157, %dma_wait3A_158, %dma_wait3A_159] : memref<34x1x128xi32, #tpu.memory_space<vmem>> -> memref<17x1x128xi32, #tpu.memory_space<vmem>>
        %dma_wait3A_161 = arith.constant 0 : i32
        %dma_wait3A_162 = arith.constant 0 : i32
        %dma_wait3A_163 = tpu.memref_slice %arg10[%run_scoped3A, %add3A, %dma_wait3A_161, %dma_wait3A_162] : memref<2x50048x1x128xi32, #tpu.memory_space<hbm>> -> memref<1x17x1x128xi32, #tpu.memory_space<hbm>>
        %dma_wait3A_164 = tpu.memref_squeeze %dma_wait3A_163 : memref<1x17x1x128xi32, #tpu.memory_space<hbm>> -> memref<17x1x128xi32, #tpu.memory_space<hbm>>
        %dma_wait3A_165 = arith.constant 0 : i32
        %dma_wait3A_166 = arith.constant 0 : i32
        %dma_wait3A_167 = arith.constant 0 : i32
        %dma_wait3A_168 = tpu.memref_slice %arg48[%dma_wait3A_165, %dma_wait3A_166, %dma_wait3A_167] : memref<34x1x128xi32, #tpu.memory_space<vmem>> -> memref<17x1x128xi32, #tpu.memory_space<vmem>>
        %dma_wait3A_169 = arith.constant 0 : i32
        %dma_wait3A_170 = arith.constant 0 : i32
        %dma_wait3A_171 = tpu.memref_slice %arg10[%run_scoped3A, %add3A, %dma_wait3A_169, %dma_wait3A_170] : memref<2x50048x1x128xi32, #tpu.memory_space<hbm>> -> memref<1x17x1x128xi32, #tpu.memory_space<hbm>>
        %dma_wait3A_172 = tpu.memref_squeeze %dma_wait3A_171 : memref<1x17x1x128xi32, #tpu.memory_space<hbm>> -> memref<17x1x128xi32, #tpu.memory_space<hbm>>
        tpu.wait_dma2 semaphore(%run_scoped3A_141 : memref<!tpu.dma_semaphore, #tpu.memory_space<semaphore_mem>>) src(%dma_wait3A_172 : memref<17x1x128xi32, #tpu.memory_space<hbm>>) dst(%dma_wait3A_168 : memref<17x1x128xi32, #tpu.memory_space<vmem>>)
        tpu.yield
      }) : () -> ()
      %scan3A_114 = arith.constant 0 : i32
      %scan3A_115 = arith.constant 0 : i32
      %scan3A_116 = arith.constant 17 : i32
      %scan3A_117 = arith.addi %scan3A_115, %scan3A_116 : i32
      %scan3A_118 = arith.constant 1 : i32
      %scan3A_119 = scf.for %scan3A_141 = %scan3A_115 to %scan3A_117 step %scan3A_118 iter_args(%scan3A_142 = %scan3A_114) -> (i32)  : i32 {
        %dma_start3A = arith.constant 0 : i32
        %dma_start3A_143 = arith.constant 0 : i32
        %dma_start3A_144 = tpu.memref_slice %arg48[%scan3A_141, %dma_start3A, %dma_start3A_143] : memref<34x1x128xi32, #tpu.memory_space<vmem>> -> memref<1x1x128xi32, #tpu.memory_space<vmem>>
        %dma_start3A_145 = tpu.memref_squeeze %dma_start3A_144 : memref<1x1x128xi32, #tpu.memory_space<vmem>> -> memref<128xi32, #tpu.memory_space<vmem>>
        %dma_start3A_146 = arith.constant 0 : i32
        %dma_start3A_147 = tpu.memref_slice %arg31[%dma_start3A_146] : memref<100096xf32, #tpu.memory_space<vmem_shared>> -> memref<100096xf32, #tpu.memory_space<vmem_shared>>
        tpu.enqueue_indirect_dma source(%arg51 : memref<128xf32, #tpu.memory_space<vmem>>) target(%dma_start3A_147 : memref<100096xf32, #tpu.memory_space<vmem_shared>>) offsets(%dma_start3A_145 : memref<128xi32, #tpu.memory_space<vmem>>) semaphore(%arg54 : memref<!tpu.dma_semaphore, #tpu.memory_space<semaphore_mem>>) {add = true}
        %scan3A_148 = arith.constant 0 : i32
        scf.yield %scan3A_148 : i32
      }
      %scan3A_120 = arith.constant 17 : i32
      %dma_wait3A_121 = arith.constant 0 : i32
      %dma_wait3A_122 = arith.constant 0 : i32
      %dma_wait3A_123 = arith.constant 0 : i32
      %dma_wait3A_124 = arith.constant 0 : i32
      %dma_wait3A_125 = tpu.memref_slice %arg48[%dma_wait3A_122, %dma_wait3A_123, %dma_wait3A_124] : memref<34x1x128xi32, #tpu.memory_space<vmem>> -> memref<17x1x128xi32, #tpu.memory_space<vmem>>
      %dma_wait3A_126 = arith.constant 0 : i32
      %dma_wait3A_127 = arith.constant 0 : i32
      %dma_wait3A_128 = arith.constant 0 : i32
      %dma_wait3A_129 = tpu.memref_slice %arg10[%dma_wait3A_121, %dma_wait3A_126, %dma_wait3A_127, %dma_wait3A_128] : memref<2x50048x1x128xi32, #tpu.memory_space<hbm>> -> memref<1x17x1x128xi32, #tpu.memory_space<hbm>>
      %dma_wait3A_130 = tpu.memref_squeeze %dma_wait3A_129 : memref<1x17x1x128xi32, #tpu.memory_space<hbm>> -> memref<17x1x128xi32, #tpu.memory_space<hbm>>
      %dma_wait3A_131 = arith.constant 0 : i32
      %dma_wait3A_132 = arith.constant 0 : i32
      %dma_wait3A_133 = arith.constant 0 : i32
      %dma_wait3A_134 = tpu.memref_slice %arg48[%dma_wait3A_131, %dma_wait3A_132, %dma_wait3A_133] : memref<34x1x128xi32, #tpu.memory_space<vmem>> -> memref<17x1x128xi32, #tpu.memory_space<vmem>>
      %dma_wait3A_135 = arith.constant 0 : i32
      %dma_wait3A_136 = arith.constant 0 : i32
      %dma_wait3A_137 = arith.constant 0 : i32
      %dma_wait3A_138 = tpu.memref_slice %arg10[%dma_wait3A_121, %dma_wait3A_135, %dma_wait3A_136, %dma_wait3A_137] : memref<2x50048x1x128xi32, #tpu.memory_space<hbm>> -> memref<1x17x1x128xi32, #tpu.memory_space<hbm>>
      %dma_wait3A_139 = tpu.memref_squeeze %dma_wait3A_138 : memref<1x17x1x128xi32, #tpu.memory_space<hbm>> -> memref<17x1x128xi32, #tpu.memory_space<hbm>>
      tpu.wait_dma2 semaphore(%arg54 : memref<!tpu.dma_semaphore, #tpu.memory_space<semaphore_mem>>) src(%dma_wait3A_139 : memref<17x1x128xi32, #tpu.memory_space<hbm>>) dst(%dma_wait3A_134 : memref<17x1x128xi32, #tpu.memory_space<vmem>>)
      %scan3A_140 = arith.constant 0 : i32
      scf.yield %scan3A_140 : i32
    }
    %scan3A_8 = arith.constant 184 : i32
    %barrier3A_9 = arith.constant 0 : index
    tpu.barrier barrier_id(%barrier3A_9)
    "tpu.region"() ({
      %run_scoped3A = tpu.sem_alloc : memref<!tpu.dma_semaphore, #tpu.memory_space<semaphore_mem>>
      %dma_start3A = tpu.memref_slice %arg31[%mul3A_0] : memref<100096xf32, #tpu.memory_space<vmem_shared>> -> memref<6256xf32, #tpu.memory_space<vmem_shared>>
      %dma_start3A_110 = tpu.memref_slice %arg31[%mul3A_0] : memref<100096xf32, #tpu.memory_space<vmem_shared>> -> memref<6256xf32, #tpu.memory_space<vmem_shared>>
      tpu.enqueue_dma source(%dma_start3A_110 : memref<6256xf32, #tpu.memory_space<vmem_shared>>) target(%arg53 : memref<6256xf32, #tpu.memory_space<vmem>>) target_semaphore(%run_scoped3A : memref<!tpu.dma_semaphore, #tpu.memory_space<semaphore_mem>>)
      %dma_wait3A_111 = tpu.memref_slice %arg31[%mul3A_0] : memref<100096xf32, #tpu.memory_space<vmem_shared>> -> memref<6256xf32, #tpu.memory_space<vmem_shared>>
      %dma_wait3A_112 = tpu.memref_slice %arg31[%mul3A_0] : memref<100096xf32, #tpu.memory_space<vmem_shared>> -> memref<6256xf32, #tpu.memory_space<vmem_shared>>
      tpu.wait_dma2 semaphore(%run_scoped3A : memref<!tpu.dma_semaphore, #tpu.memory_space<semaphore_mem>>) src(%dma_wait3A_112 : memref<6256xf32, #tpu.memory_space<vmem_shared>>) dst(%arg53 : memref<6256xf32, #tpu.memory_space<vmem>>)
      tpu.yield
    }) : () -> ()
    %scan3A_10 = arith.constant 0 : i32
    %scan3A_11 = arith.constant 0 : i32
    %scan3A_12 = arith.constant 391 : i32
    %scan3A_13 = arith.addi %scan3A_11, %scan3A_12 : i32
    %scan3A_14 = arith.constant 1 : i32
    %scan3A_15 = scf.for %scan3A_110 = %scan3A_11 to %scan3A_13 step %scan3A_14 iter_args(%scan3A_111 = %scan3A_10) -> (i32)  : i32 {
      %mul3A_112 = arith.constant 16 : i32
      %mul3A_113 = arith.muli %scan3A_110, %mul3A_112 : i32
      %get3A = arith.index_cast %mul3A_113 : i32 to index
      %get3A_114 = tpu.vector_load %arg53[%get3A] {strides = array<i32>} : memref<6256xf32, #tpu.memory_space<vmem>>, vector<16xf32>,
      %bitcast3A = vector.bitcast %get3A_114 : vector<16xf32> to vector<16xi32>
      %shift_right_logical3A = arith.constant 1 : i32
      %shift_right_logical3A_115 = vector.broadcast %shift_right_logical3A : i32 to vector<16xi32>
      %shift_right_logical3A_116 = arith.shrui %bitcast3A, %shift_right_logical3A_115 : vector<16xi32>
      %sub3A_117 = arith.constant 1597463007 : i32
      %sub3A_118 = vector.broadcast %sub3A_117 : i32 to vector<16xi32>
      %sub3A_119 = arith.subi %sub3A_118, %shift_right_logical3A_116 : vector<16xi32>
      %bitcast3A_120 = vector.bitcast %sub3A_119 : vector<16xi32> to vector<16xf32>
      %mul3A_121 = arith.constant 5.000000e-01 : f32
      %mul3A_122 = vector.broadcast %mul3A_121 : f32 to vector<16xf32>
      %mul3A_123 = arith.mulf %mul3A_122, %get3A_114 : vector<16xf32>
      %mul3A_124 = arith.mulf %mul3A_123, %bitcast3A_120 : vector<16xf32>
      %mul3A_125 = arith.mulf %mul3A_124, %bitcast3A_120 : vector<16xf32>
      %sub3A_126 = arith.constant 1.500000e+00 : f32
      %sub3A_127 = vector.broadcast %sub3A_126 : f32 to vector<16xf32>
      %sub3A_128 = arith.subf %sub3A_127, %mul3A_125 : vector<16xf32>
      %mul3A_129 = arith.mulf %bitcast3A_120, %sub3A_128 : vector<16xf32>
      %mul3A_130 = arith.constant 5.000000e-01 : f32
      %mul3A_131 = vector.broadcast %mul3A_130 : f32 to vector<16xf32>
      %mul3A_132 = arith.mulf %mul3A_131, %get3A_114 : vector<16xf32>
      %mul3A_133 = arith.mulf %mul3A_132, %mul3A_129 : vector<16xf32>
      %mul3A_134 = arith.mulf %mul3A_133, %mul3A_129 : vector<16xf32>
      %sub3A_135 = arith.constant 1.500000e+00 : f32
      %sub3A_136 = vector.broadcast %sub3A_135 : f32 to vector<16xf32>
      %sub3A_137 = arith.subf %sub3A_136, %mul3A_134 : vector<16xf32>
      %mul3A_138 = arith.mulf %mul3A_129, %sub3A_137 : vector<16xf32>
      %mul3A_139 = arith.constant 5.000000e-01 : f32
      %mul3A_140 = vector.broadcast %mul3A_139 : f32 to vector<16xf32>
      %mul3A_141 = arith.mulf %mul3A_140, %get3A_114 : vector<16xf32>
      %mul3A_142 = arith.mulf %mul3A_141, %mul3A_138 : vector<16xf32>
      %mul3A_143 = arith.mulf %mul3A_142, %mul3A_138 : vector<16xf32>
      %sub3A_144 = arith.constant 1.500000e+00 : f32
      %sub3A_145 = vector.broadcast %sub3A_144 : f32 to vector<16xf32>
      %sub3A_146 = arith.subf %sub3A_145, %mul3A_143 : vector<16xf32>
      %mul3A_147 = arith.mulf %mul3A_138, %sub3A_146 : vector<16xf32>
      %mul3A_148 = arith.constant 16 : i32
      %mul3A_149 = arith.muli %scan3A_110, %mul3A_148 : i32
      %swap3A = arith.index_cast %mul3A_149 : i32 to index
      %swap3A_150 = tpu.vector_load %arg53[%swap3A] {strides = array<i32>} : memref<6256xf32, #tpu.memory_space<vmem>>, vector<16xf32>,
      tpu.vector_store %arg53[%swap3A], %mul3A_147 {strides = array<i32>} : memref<6256xf32, #tpu.memory_space<vmem>>, vector<16xf32>,
      %scan3A_151 = arith.constant 0 : i32
      scf.yield %scan3A_151 : i32
    }
    %scan3A_16 = arith.constant 391 : i32
    %eq3A = arith.constant 0 : i32
    %eq3A_17 = arith.cmpi eq, %arg0, %eq3A : i32
    %convert_element_type3A = arith.extui %eq3A_17 : i1 to i32
    %cond3A = arith.constant 0 : i32
    %cond3A_18 = arith.cmpi ne, %convert_element_type3A, %cond3A : i32
    scf.if %cond3A_18 {
      "tpu.region"() ({
        %run_scoped3A = tpu.sem_alloc : memref<!tpu.dma_semaphore, #tpu.memory_space<semaphore_mem>>
        %dma_start3A = tpu.memref_slice %arg30[%mul3A_0] : memref<100096xf32, #tpu.memory_space<hbm>> -> memref<6256xf32, #tpu.memory_space<hbm>>
        %dma_start3A_110 = tpu.memref_slice %arg30[%mul3A_0] : memref<100096xf32, #tpu.memory_space<hbm>> -> memref<6256xf32, #tpu.memory_space<hbm>>
        tpu.enqueue_dma source(%arg53 : memref<6256xf32, #tpu.memory_space<vmem>>) target(%dma_start3A_110 : memref<6256xf32, #tpu.memory_space<hbm>>) target_semaphore(%run_scoped3A : memref<!tpu.dma_semaphore, #tpu.memory_space<semaphore_mem>>)
        %dma_wait3A_111 = tpu.memref_slice %arg30[%mul3A_0] : memref<100096xf32, #tpu.memory_space<hbm>> -> memref<6256xf32, #tpu.memory_space<hbm>>
        %dma_wait3A_112 = tpu.memref_slice %arg30[%mul3A_0] : memref<100096xf32, #tpu.memory_space<hbm>> -> memref<6256xf32, #tpu.memory_space<hbm>>
        tpu.wait_dma2 semaphore(%run_scoped3A : memref<!tpu.dma_semaphore, #tpu.memory_space<semaphore_mem>>) src(%arg53 : memref<6256xf32, #tpu.memory_space<vmem>>) dst(%dma_wait3A_112 : memref<6256xf32, #tpu.memory_space<hbm>>)
        tpu.yield
      }) : () -> ()
    } else {
    }
    "tpu.region"() ({
      %run_scoped3A = tpu.sem_alloc : memref<!tpu.dma_semaphore, #tpu.memory_space<semaphore_mem>>
      %dma_start3A = tpu.memref_slice %arg2[%mul3A_0] : memref<100096xf32, #tpu.memory_space<hbm>> -> memref<6256xf32, #tpu.memory_space<hbm>>
      %dma_start3A_110 = tpu.memref_slice %arg2[%mul3A_0] : memref<100096xf32, #tpu.memory_space<hbm>> -> memref<6256xf32, #tpu.memory_space<hbm>>
      tpu.enqueue_dma source(%dma_start3A_110 : memref<6256xf32, #tpu.memory_space<hbm>>) target(%arg52 : memref<6256xf32, #tpu.memory_space<vmem>>) target_semaphore(%run_scoped3A : memref<!tpu.dma_semaphore, #tpu.memory_space<semaphore_mem>>)
      %dma_wait3A_111 = tpu.memref_slice %arg2[%mul3A_0] : memref<100096xf32, #tpu.memory_space<hbm>> -> memref<6256xf32, #tpu.memory_space<hbm>>
      %dma_wait3A_112 = tpu.memref_slice %arg2[%mul3A_0] : memref<100096xf32, #tpu.memory_space<hbm>> -> memref<6256xf32, #tpu.memory_space<hbm>>
      tpu.wait_dma2 semaphore(%run_scoped3A : memref<!tpu.dma_semaphore, #tpu.memory_space<semaphore_mem>>) src(%dma_wait3A_112 : memref<6256xf32, #tpu.memory_space<hbm>>) dst(%arg52 : memref<6256xf32, #tpu.memory_space<vmem>>)
      tpu.yield
    }) : () -> ()
    %scan3A_19 = arith.constant 0 : i32
    %scan3A_20 = arith.constant 0 : i32
    %scan3A_21 = arith.constant 391 : i32
    %scan3A_22 = arith.addi %scan3A_20, %scan3A_21 : i32
    %scan3A_23 = arith.constant 1 : i32
    %scan3A_24 = scf.for %scan3A_110 = %scan3A_20 to %scan3A_22 step %scan3A_23 iter_args(%scan3A_111 = %scan3A_19) -> (i32)  : i32 {
      %mul3A_112 = arith.constant 16 : i32
      %mul3A_113 = arith.muli %scan3A_110, %mul3A_112 : i32
      %get3A = arith.index_cast %mul3A_113 : i32 to index
      %get3A_114 = tpu.vector_load %arg52[%get3A] {strides = array<i32>} : memref<6256xf32, #tpu.memory_space<vmem>>, vector<16xf32>,
      %mul3A_115 = arith.constant 16 : i32
      %mul3A_116 = arith.muli %scan3A_110, %mul3A_115 : i32
      %get3A_117 = arith.index_cast %mul3A_116 : i32 to index
      %get3A_118 = tpu.vector_load %arg53[%get3A_117] {strides = array<i32>} : memref<6256xf32, #tpu.memory_space<vmem>>, vector<16xf32>,
      %max3A = arith.constant 0.000000e+00 : f32
      %max3A_119 = vector.broadcast %max3A : f32 to vector<16xf32>
      %max3A_120 = arith.maximumf %get3A_114, %max3A_119 : vector<16xf32>
      %mul3A_121 = arith.mulf %max3A_120, %get3A_118 : vector<16xf32>
      %mul3A_122 = arith.constant 16 : i32
      %mul3A_123 = arith.muli %scan3A_110, %mul3A_122 : i32
      %swap3A = arith.index_cast %mul3A_123 : i32 to index
      %swap3A_124 = tpu.vector_load %arg52[%swap3A] {strides = array<i32>} : memref<6256xf32, #tpu.memory_space<vmem>>, vector<16xf32>,
      tpu.vector_store %arg52[%swap3A], %mul3A_121 {strides = array<i32>} : memref<6256xf32, #tpu.memory_space<vmem>>, vector<16xf32>,
      %scan3A_125 = arith.constant 0 : i32
      scf.yield %scan3A_125 : i32
    }
    %scan3A_25 = arith.constant 391 : i32
    "tpu.region"() ({
      %run_scoped3A = tpu.sem_alloc : memref<!tpu.dma_semaphore, #tpu.memory_space<semaphore_mem>>
      %dma_start3A = tpu.memref_slice %arg32[%mul3A_0] : memref<100096xf32, #tpu.memory_space<vmem_shared>> -> memref<6256xf32, #tpu.memory_space<vmem_shared>>
      %dma_start3A_110 = tpu.memref_slice %arg32[%mul3A_0] : memref<100096xf32, #tpu.memory_space<vmem_shared>> -> memref<6256xf32, #tpu.memory_space<vmem_shared>>
      tpu.enqueue_dma source(%arg52 : memref<6256xf32, #tpu.memory_space<vmem>>) target(%dma_start3A_110 : memref<6256xf32, #tpu.memory_space<vmem_shared>>) target_semaphore(%run_scoped3A : memref<!tpu.dma_semaphore, #tpu.memory_space<semaphore_mem>>)
      %dma_wait3A_111 = tpu.memref_slice %arg32[%mul3A_0] : memref<100096xf32, #tpu.memory_space<vmem_shared>> -> memref<6256xf32, #tpu.memory_space<vmem_shared>>
      %dma_wait3A_112 = tpu.memref_slice %arg32[%mul3A_0] : memref<100096xf32, #tpu.memory_space<vmem_shared>> -> memref<6256xf32, #tpu.memory_space<vmem_shared>>
      tpu.wait_dma2 semaphore(%run_scoped3A : memref<!tpu.dma_semaphore, #tpu.memory_space<semaphore_mem>>) src(%arg52 : memref<6256xf32, #tpu.memory_space<vmem>>) dst(%dma_wait3A_112 : memref<6256xf32, #tpu.memory_space<vmem_shared>>)
      tpu.yield
    }) : () -> ()
    "tpu.region"() ({
      %run_scoped3A = tpu.sem_alloc : memref<!tpu.dma_semaphore, #tpu.memory_space<semaphore_mem>>
      %dma_start3A = tpu.memref_slice %arg3[%mul3A_0] : memref<100096xf32, #tpu.memory_space<hbm>> -> memref<6256xf32, #tpu.memory_space<hbm>>
      %dma_start3A_110 = tpu.memref_slice %arg3[%mul3A_0] : memref<100096xf32, #tpu.memory_space<hbm>> -> memref<6256xf32, #tpu.memory_space<hbm>>
      tpu.enqueue_dma source(%dma_start3A_110 : memref<6256xf32, #tpu.memory_space<hbm>>) target(%arg52 : memref<6256xf32, #tpu.memory_space<vmem>>) target_semaphore(%run_scoped3A : memref<!tpu.dma_semaphore, #tpu.memory_space<semaphore_mem>>)
      %dma_wait3A_111 = tpu.memref_slice %arg3[%mul3A_0] : memref<100096xf32, #tpu.memory_space<hbm>> -> memref<6256xf32, #tpu.memory_space<hbm>>
      %dma_wait3A_112 = tpu.memref_slice %arg3[%mul3A_0] : memref<100096xf32, #tpu.memory_space<hbm>> -> memref<6256xf32, #tpu.memory_space<hbm>>
      tpu.wait_dma2 semaphore(%run_scoped3A : memref<!tpu.dma_semaphore, #tpu.memory_space<semaphore_mem>>) src(%dma_wait3A_112 : memref<6256xf32, #tpu.memory_space<hbm>>) dst(%arg52 : memref<6256xf32, #tpu.memory_space<vmem>>)
      tpu.yield
    }) : () -> ()
    %scan3A_26 = arith.constant 0 : i32
    %scan3A_27 = arith.constant 0 : i32
    %scan3A_28 = arith.constant 391 : i32
    %scan3A_29 = arith.addi %scan3A_27, %scan3A_28 : i32
    %scan3A_30 = arith.constant 1 : i32
    %scan3A_31 = scf.for %scan3A_110 = %scan3A_27 to %scan3A_29 step %scan3A_30 iter_args(%scan3A_111 = %scan3A_26) -> (i32)  : i32 {
      %mul3A_112 = arith.constant 16 : i32
      %mul3A_113 = arith.muli %scan3A_110, %mul3A_112 : i32
      %get3A = arith.index_cast %mul3A_113 : i32 to index
      %get3A_114 = tpu.vector_load %arg52[%get3A] {strides = array<i32>} : memref<6256xf32, #tpu.memory_space<vmem>>, vector<16xf32>,
      %mul3A_115 = arith.constant 16 : i32
      %mul3A_116 = arith.muli %scan3A_110, %mul3A_115 : i32
      %get3A_117 = arith.index_cast %mul3A_116 : i32 to index
      %get3A_118 = tpu.vector_load %arg53[%get3A_117] {strides = array<i32>} : memref<6256xf32, #tpu.memory_space<vmem>>, vector<16xf32>,
      %max3A = arith.constant 0.000000e+00 : f32
      %max3A_119 = vector.broadcast %max3A : f32 to vector<16xf32>
      %max3A_120 = arith.maximumf %get3A_114, %max3A_119 : vector<16xf32>
      %mul3A_121 = arith.mulf %max3A_120, %get3A_118 : vector<16xf32>
      %mul3A_122 = arith.constant 16 : i32
      %mul3A_123 = arith.muli %scan3A_110, %mul3A_122 : i32
      %swap3A = arith.index_cast %mul3A_123 : i32 to index
      %swap3A_124 = tpu.vector_load %arg52[%swap3A] {strides = array<i32>} : memref<6256xf32, #tpu.memory_space<vmem>>, vector<16xf32>,
      tpu.vector_store %arg52[%swap3A], %mul3A_121 {strides = array<i32>} : memref<6256xf32, #tpu.memory_space<vmem>>, vector<16xf32>,
      %scan3A_125 = arith.constant 0 : i32
      scf.yield %scan3A_125 : i32
    }
    %scan3A_32 = arith.constant 391 : i32
    "tpu.region"() ({
      %run_scoped3A = tpu.sem_alloc : memref<!tpu.dma_semaphore, #tpu.memory_space<semaphore_mem>>
      %dma_start3A = tpu.memref_slice %arg33[%mul3A_0] : memref<100096xf32, #tpu.memory_space<vmem_shared>> -> memref<6256xf32, #tpu.memory_space<vmem_shared>>
      %dma_start3A_110 = tpu.memref_slice %arg33[%mul3A_0] : memref<100096xf32, #tpu.memory_space<vmem_shared>> -> memref<6256xf32, #tpu.memory_space<vmem_shared>>
      tpu.enqueue_dma source(%arg52 : memref<6256xf32, #tpu.memory_space<vmem>>) target(%dma_start3A_110 : memref<6256xf32, #tpu.memory_space<vmem_shared>>) target_semaphore(%run_scoped3A : memref<!tpu.dma_semaphore, #tpu.memory_space<semaphore_mem>>)
      %dma_wait3A_111 = tpu.memref_slice %arg33[%mul3A_0] : memref<100096xf32, #tpu.memory_space<vmem_shared>> -> memref<6256xf32, #tpu.memory_space<vmem_shared>>
      %dma_wait3A_112 = tpu.memref_slice %arg33[%mul3A_0] : memref<100096xf32, #tpu.memory_space<vmem_shared>> -> memref<6256xf32, #tpu.memory_space<vmem_shared>>
      tpu.wait_dma2 semaphore(%run_scoped3A : memref<!tpu.dma_semaphore, #tpu.memory_space<semaphore_mem>>) src(%arg52 : memref<6256xf32, #tpu.memory_space<vmem>>) dst(%dma_wait3A_112 : memref<6256xf32, #tpu.memory_space<vmem_shared>>)
      tpu.yield
    }) : () -> ()
    "tpu.region"() ({
      %run_scoped3A = tpu.sem_alloc : memref<!tpu.dma_semaphore, #tpu.memory_space<semaphore_mem>>
      %dma_start3A = tpu.memref_slice %arg4[%mul3A_0] : memref<100096xf32, #tpu.memory_space<hbm>> -> memref<6256xf32, #tpu.memory_space<hbm>>
      %dma_start3A_110 = tpu.memref_slice %arg4[%mul3A_0] : memref<100096xf32, #tpu.memory_space<hbm>> -> memref<6256xf32, #tpu.memory_space<hbm>>
      tpu.enqueue_dma source(%dma_start3A_110 : memref<6256xf32, #tpu.memory_space<hbm>>) target(%arg52 : memref<6256xf32, #tpu.memory_space<vmem>>) target_semaphore(%run_scoped3A : memref<!tpu.dma_semaphore, #tpu.memory_space<semaphore_mem>>)
      %dma_wait3A_111 = tpu.memref_slice %arg4[%mul3A_0] : memref<100096xf32, #tpu.memory_space<hbm>> -> memref<6256xf32, #tpu.memory_space<hbm>>
      %dma_wait3A_112 = tpu.memref_slice %arg4[%mul3A_0] : memref<100096xf32, #tpu.memory_space<hbm>> -> memref<6256xf32, #tpu.memory_space<hbm>>
      tpu.wait_dma2 semaphore(%run_scoped3A : memref<!tpu.dma_semaphore, #tpu.memory_space<semaphore_mem>>) src(%dma_wait3A_112 : memref<6256xf32, #tpu.memory_space<hbm>>) dst(%arg52 : memref<6256xf32, #tpu.memory_space<vmem>>)
      tpu.yield
    }) : () -> ()
    %scan3A_33 = arith.constant 0 : i32
    %scan3A_34 = arith.constant 0 : i32
    %scan3A_35 = arith.constant 391 : i32
    %scan3A_36 = arith.addi %scan3A_34, %scan3A_35 : i32
    %scan3A_37 = arith.constant 1 : i32
    %scan3A_38 = scf.for %scan3A_110 = %scan3A_34 to %scan3A_36 step %scan3A_37 iter_args(%scan3A_111 = %scan3A_33) -> (i32)  : i32 {
      %mul3A_112 = arith.constant 16 : i32
      %mul3A_113 = arith.muli %scan3A_110, %mul3A_112 : i32
      %get3A = arith.index_cast %mul3A_113 : i32 to index
      %get3A_114 = tpu.vector_load %arg52[%get3A] {strides = array<i32>} : memref<6256xf32, #tpu.memory_space<vmem>>, vector<16xf32>,
      %mul3A_115 = arith.constant 16 : i32
      %mul3A_116 = arith.muli %scan3A_110, %mul3A_115 : i32
      %get3A_117 = arith.index_cast %mul3A_116 : i32 to index
      %get3A_118 = tpu.vector_load %arg53[%get3A_117] {strides = array<i32>} : memref<6256xf32, #tpu.memory_space<vmem>>, vector<16xf32>,
      %max3A = arith.constant 0.000000e+00 : f32
      %max3A_119 = vector.broadcast %max3A : f32 to vector<16xf32>
      %max3A_120 = arith.maximumf %get3A_114, %max3A_119 : vector<16xf32>
      %mul3A_121 = arith.mulf %max3A_120, %get3A_118 : vector<16xf32>
      %mul3A_122 = arith.constant 16 : i32
      %mul3A_123 = arith.muli %scan3A_110, %mul3A_122 : i32
      %swap3A = arith.index_cast %mul3A_123 : i32 to index
      %swap3A_124 = tpu.vector_load %arg52[%swap3A] {strides = array<i32>} : memref<6256xf32, #tpu.memory_space<vmem>>, vector<16xf32>,
      tpu.vector_store %arg52[%swap3A], %mul3A_121 {strides = array<i32>} : memref<6256xf32, #tpu.memory_space<vmem>>, vector<16xf32>,
      %scan3A_125 = arith.constant 0 : i32
      scf.yield %scan3A_125 : i32
    }
    %scan3A_39 = arith.constant 391 : i32
    "tpu.region"() ({
      %run_scoped3A = tpu.sem_alloc : memref<!tpu.dma_semaphore, #tpu.memory_space<semaphore_mem>>
      %dma_start3A = tpu.memref_slice %arg34[%mul3A_0] : memref<100096xf32, #tpu.memory_space<vmem_shared>> -> memref<6256xf32, #tpu.memory_space<vmem_shared>>
      %dma_start3A_110 = tpu.memref_slice %arg34[%mul3A_0] : memref<100096xf32, #tpu.memory_space<vmem_shared>> -> memref<6256xf32, #tpu.memory_space<vmem_shared>>
      tpu.enqueue_dma source(%arg52 : memref<6256xf32, #tpu.memory_space<vmem>>) target(%dma_start3A_110 : memref<6256xf32, #tpu.memory_space<vmem_shared>>) target_semaphore(%run_scoped3A : memref<!tpu.dma_semaphore, #tpu.memory_space<semaphore_mem>>)
      %dma_wait3A_111 = tpu.memref_slice %arg34[%mul3A_0] : memref<100096xf32, #tpu.memory_space<vmem_shared>> -> memref<6256xf32, #tpu.memory_space<vmem_shared>>
      %dma_wait3A_112 = tpu.memref_slice %arg34[%mul3A_0] : memref<100096xf32, #tpu.memory_space<vmem_shared>> -> memref<6256xf32, #tpu.memory_space<vmem_shared>>
      tpu.wait_dma2 semaphore(%run_scoped3A : memref<!tpu.dma_semaphore, #tpu.memory_space<semaphore_mem>>) src(%arg52 : memref<6256xf32, #tpu.memory_space<vmem>>) dst(%dma_wait3A_112 : memref<6256xf32, #tpu.memory_space<vmem_shared>>)
      tpu.yield
    }) : () -> ()
    "tpu.region"() ({
      %run_scoped3A = tpu.sem_alloc : memref<!tpu.dma_semaphore, #tpu.memory_space<semaphore_mem>>
      %dma_start3A = tpu.memref_slice %arg5[%mul3A_0] : memref<100096xf32, #tpu.memory_space<hbm>> -> memref<6256xf32, #tpu.memory_space<hbm>>
      %dma_start3A_110 = tpu.memref_slice %arg5[%mul3A_0] : memref<100096xf32, #tpu.memory_space<hbm>> -> memref<6256xf32, #tpu.memory_space<hbm>>
      tpu.enqueue_dma source(%dma_start3A_110 : memref<6256xf32, #tpu.memory_space<hbm>>) target(%arg52 : memref<6256xf32, #tpu.memory_space<vmem>>) target_semaphore(%run_scoped3A : memref<!tpu.dma_semaphore, #tpu.memory_space<semaphore_mem>>)
      %dma_wait3A_111 = tpu.memref_slice %arg5[%mul3A_0] : memref<100096xf32, #tpu.memory_space<hbm>> -> memref<6256xf32, #tpu.memory_space<hbm>>
      %dma_wait3A_112 = tpu.memref_slice %arg5[%mul3A_0] : memref<100096xf32, #tpu.memory_space<hbm>> -> memref<6256xf32, #tpu.memory_space<hbm>>
      tpu.wait_dma2 semaphore(%run_scoped3A : memref<!tpu.dma_semaphore, #tpu.memory_space<semaphore_mem>>) src(%dma_wait3A_112 : memref<6256xf32, #tpu.memory_space<hbm>>) dst(%arg52 : memref<6256xf32, #tpu.memory_space<vmem>>)
      tpu.yield
    }) : () -> ()
    %scan3A_40 = arith.constant 0 : i32
    %scan3A_41 = arith.constant 0 : i32
    %scan3A_42 = arith.constant 391 : i32
    %scan3A_43 = arith.addi %scan3A_41, %scan3A_42 : i32
    %scan3A_44 = arith.constant 1 : i32
    %scan3A_45 = scf.for %scan3A_110 = %scan3A_41 to %scan3A_43 step %scan3A_44 iter_args(%scan3A_111 = %scan3A_40) -> (i32)  : i32 {
      %mul3A_112 = arith.constant 16 : i32
      %mul3A_113 = arith.muli %scan3A_110, %mul3A_112 : i32
      %get3A = arith.index_cast %mul3A_113 : i32 to index
      %get3A_114 = tpu.vector_load %arg52[%get3A] {strides = array<i32>} : memref<6256xf32, #tpu.memory_space<vmem>>, vector<16xf32>,
      %mul3A_115 = arith.constant 16 : i32
      %mul3A_116 = arith.muli %scan3A_110, %mul3A_115 : i32
      %get3A_117 = arith.index_cast %mul3A_116 : i32 to index
      %get3A_118 = tpu.vector_load %arg53[%get3A_117] {strides = array<i32>} : memref<6256xf32, #tpu.memory_space<vmem>>, vector<16xf32>,
      %max3A = arith.constant 0.000000e+00 : f32
      %max3A_119 = vector.broadcast %max3A : f32 to vector<16xf32>
      %max3A_120 = arith.maximumf %get3A_114, %max3A_119 : vector<16xf32>
      %mul3A_121 = arith.mulf %max3A_120, %get3A_118 : vector<16xf32>
      %mul3A_122 = arith.constant 16 : i32
      %mul3A_123 = arith.muli %scan3A_110, %mul3A_122 : i32
      %swap3A = arith.index_cast %mul3A_123 : i32 to index
      %swap3A_124 = tpu.vector_load %arg52[%swap3A] {strides = array<i32>} : memref<6256xf32, #tpu.memory_space<vmem>>, vector<16xf32>,
      tpu.vector_store %arg52[%swap3A], %mul3A_121 {strides = array<i32>} : memref<6256xf32, #tpu.memory_space<vmem>>, vector<16xf32>,
      %scan3A_125 = arith.constant 0 : i32
      scf.yield %scan3A_125 : i32
    }
    %scan3A_46 = arith.constant 391 : i32
    "tpu.region"() ({
      %run_scoped3A = tpu.sem_alloc : memref<!tpu.dma_semaphore, #tpu.memory_space<semaphore_mem>>
      %dma_start3A = tpu.memref_slice %arg35[%mul3A_0] : memref<100096xf32, #tpu.memory_space<vmem_shared>> -> memref<6256xf32, #tpu.memory_space<vmem_shared>>
      %dma_start3A_110 = tpu.memref_slice %arg35[%mul3A_0] : memref<100096xf32, #tpu.memory_space<vmem_shared>> -> memref<6256xf32, #tpu.memory_space<vmem_shared>>
      tpu.enqueue_dma source(%arg52 : memref<6256xf32, #tpu.memory_space<vmem>>) target(%dma_start3A_110 : memref<6256xf32, #tpu.memory_space<vmem_shared>>) target_semaphore(%run_scoped3A : memref<!tpu.dma_semaphore, #tpu.memory_space<semaphore_mem>>)
      %dma_wait3A_111 = tpu.memref_slice %arg35[%mul3A_0] : memref<100096xf32, #tpu.memory_space<vmem_shared>> -> memref<6256xf32, #tpu.memory_space<vmem_shared>>
      %dma_wait3A_112 = tpu.memref_slice %arg35[%mul3A_0] : memref<100096xf32, #tpu.memory_space<vmem_shared>> -> memref<6256xf32, #tpu.memory_space<vmem_shared>>
      tpu.wait_dma2 semaphore(%run_scoped3A : memref<!tpu.dma_semaphore, #tpu.memory_space<semaphore_mem>>) src(%arg52 : memref<6256xf32, #tpu.memory_space<vmem>>) dst(%dma_wait3A_112 : memref<6256xf32, #tpu.memory_space<vmem_shared>>)
      tpu.yield
    }) : () -> ()
    "tpu.region"() ({
      %run_scoped3A = tpu.sem_alloc : memref<!tpu.dma_semaphore, #tpu.memory_space<semaphore_mem>>
      %dma_start3A = tpu.memref_slice %arg6[%mul3A_0] : memref<100096xf32, #tpu.memory_space<hbm>> -> memref<6256xf32, #tpu.memory_space<hbm>>
      %dma_start3A_110 = tpu.memref_slice %arg6[%mul3A_0] : memref<100096xf32, #tpu.memory_space<hbm>> -> memref<6256xf32, #tpu.memory_space<hbm>>
      tpu.enqueue_dma source(%dma_start3A_110 : memref<6256xf32, #tpu.memory_space<hbm>>) target(%arg52 : memref<6256xf32, #tpu.memory_space<vmem>>) target_semaphore(%run_scoped3A : memref<!tpu.dma_semaphore, #tpu.memory_space<semaphore_mem>>)
      %dma_wait3A_111 = tpu.memref_slice %arg6[%mul3A_0] : memref<100096xf32, #tpu.memory_space<hbm>> -> memref<6256xf32, #tpu.memory_space<hbm>>
      %dma_wait3A_112 = tpu.memref_slice %arg6[%mul3A_0] : memref<100096xf32, #tpu.memory_space<hbm>> -> memref<6256xf32, #tpu.memory_space<hbm>>
      tpu.wait_dma2 semaphore(%run_scoped3A : memref<!tpu.dma_semaphore, #tpu.memory_space<semaphore_mem>>) src(%dma_wait3A_112 : memref<6256xf32, #tpu.memory_space<hbm>>) dst(%arg52 : memref<6256xf32, #tpu.memory_space<vmem>>)
      tpu.yield
    }) : () -> ()
    %scan3A_47 = arith.constant 0 : i32
    %scan3A_48 = arith.constant 0 : i32
    %scan3A_49 = arith.constant 391 : i32
    %scan3A_50 = arith.addi %scan3A_48, %scan3A_49 : i32
    %scan3A_51 = arith.constant 1 : i32
    %scan3A_52 = scf.for %scan3A_110 = %scan3A_48 to %scan3A_50 step %scan3A_51 iter_args(%scan3A_111 = %scan3A_47) -> (i32)  : i32 {
      %mul3A_112 = arith.constant 16 : i32
      %mul3A_113 = arith.muli %scan3A_110, %mul3A_112 : i32
      %get3A = arith.index_cast %mul3A_113 : i32 to index
      %get3A_114 = tpu.vector_load %arg52[%get3A] {strides = array<i32>} : memref<6256xf32, #tpu.memory_space<vmem>>, vector<16xf32>,
      %mul3A_115 = arith.constant 16 : i32
      %mul3A_116 = arith.muli %scan3A_110, %mul3A_115 : i32
      %get3A_117 = arith.index_cast %mul3A_116 : i32 to index
      %get3A_118 = tpu.vector_load %arg53[%get3A_117] {strides = array<i32>} : memref<6256xf32, #tpu.memory_space<vmem>>, vector<16xf32>,
      %max3A = arith.constant 0.000000e+00 : f32
      %max3A_119 = vector.broadcast %max3A : f32 to vector<16xf32>
      %max3A_120 = arith.maximumf %get3A_114, %max3A_119 : vector<16xf32>
      %mul3A_121 = arith.mulf %max3A_120, %get3A_118 : vector<16xf32>
      %mul3A_122 = arith.constant 16 : i32
      %mul3A_123 = arith.muli %scan3A_110, %mul3A_122 : i32
      %swap3A = arith.index_cast %mul3A_123 : i32 to index
      %swap3A_124 = tpu.vector_load %arg52[%swap3A] {strides = array<i32>} : memref<6256xf32, #tpu.memory_space<vmem>>, vector<16xf32>,
      tpu.vector_store %arg52[%swap3A], %mul3A_121 {strides = array<i32>} : memref<6256xf32, #tpu.memory_space<vmem>>, vector<16xf32>,
      %scan3A_125 = arith.constant 0 : i32
      scf.yield %scan3A_125 : i32
    }
    %scan3A_53 = arith.constant 391 : i32
    "tpu.region"() ({
      %run_scoped3A = tpu.sem_alloc : memref<!tpu.dma_semaphore, #tpu.memory_space<semaphore_mem>>
      %dma_start3A = tpu.memref_slice %arg36[%mul3A_0] : memref<100096xf32, #tpu.memory_space<vmem_shared>> -> memref<6256xf32, #tpu.memory_space<vmem_shared>>
      %dma_start3A_110 = tpu.memref_slice %arg36[%mul3A_0] : memref<100096xf32, #tpu.memory_space<vmem_shared>> -> memref<6256xf32, #tpu.memory_space<vmem_shared>>
      tpu.enqueue_dma source(%arg52 : memref<6256xf32, #tpu.memory_space<vmem>>) target(%dma_start3A_110 : memref<6256xf32, #tpu.memory_space<vmem_shared>>) target_semaphore(%run_scoped3A : memref<!tpu.dma_semaphore, #tpu.memory_space<semaphore_mem>>)
      %dma_wait3A_111 = tpu.memref_slice %arg36[%mul3A_0] : memref<100096xf32, #tpu.memory_space<vmem_shared>> -> memref<6256xf32, #tpu.memory_space<vmem_shared>>
      %dma_wait3A_112 = tpu.memref_slice %arg36[%mul3A_0] : memref<100096xf32, #tpu.memory_space<vmem_shared>> -> memref<6256xf32, #tpu.memory_space<vmem_shared>>
      tpu.wait_dma2 semaphore(%run_scoped3A : memref<!tpu.dma_semaphore, #tpu.memory_space<semaphore_mem>>) src(%arg52 : memref<6256xf32, #tpu.memory_space<vmem>>) dst(%dma_wait3A_112 : memref<6256xf32, #tpu.memory_space<vmem_shared>>)
      tpu.yield
    }) : () -> ()
    "tpu.region"() ({
      %run_scoped3A = tpu.sem_alloc : memref<!tpu.dma_semaphore, #tpu.memory_space<semaphore_mem>>
      %dma_start3A = tpu.memref_slice %arg7[%mul3A_0] : memref<100096xf32, #tpu.memory_space<hbm>> -> memref<6256xf32, #tpu.memory_space<hbm>>
      %dma_start3A_110 = tpu.memref_slice %arg7[%mul3A_0] : memref<100096xf32, #tpu.memory_space<hbm>> -> memref<6256xf32, #tpu.memory_space<hbm>>
      tpu.enqueue_dma source(%dma_start3A_110 : memref<6256xf32, #tpu.memory_space<hbm>>) target(%arg52 : memref<6256xf32, #tpu.memory_space<vmem>>) target_semaphore(%run_scoped3A : memref<!tpu.dma_semaphore, #tpu.memory_space<semaphore_mem>>)
      %dma_wait3A_111 = tpu.memref_slice %arg7[%mul3A_0] : memref<100096xf32, #tpu.memory_space<hbm>> -> memref<6256xf32, #tpu.memory_space<hbm>>
      %dma_wait3A_112 = tpu.memref_slice %arg7[%mul3A_0] : memref<100096xf32, #tpu.memory_space<hbm>> -> memref<6256xf32, #tpu.memory_space<hbm>>
      tpu.wait_dma2 semaphore(%run_scoped3A : memref<!tpu.dma_semaphore, #tpu.memory_space<semaphore_mem>>) src(%dma_wait3A_112 : memref<6256xf32, #tpu.memory_space<hbm>>) dst(%arg52 : memref<6256xf32, #tpu.memory_space<vmem>>)
      tpu.yield
    }) : () -> ()
    %scan3A_54 = arith.constant 0 : i32
    %scan3A_55 = arith.constant 0 : i32
    %scan3A_56 = arith.constant 391 : i32
    %scan3A_57 = arith.addi %scan3A_55, %scan3A_56 : i32
    %scan3A_58 = arith.constant 1 : i32
    %scan3A_59 = scf.for %scan3A_110 = %scan3A_55 to %scan3A_57 step %scan3A_58 iter_args(%scan3A_111 = %scan3A_54) -> (i32)  : i32 {
      %mul3A_112 = arith.constant 16 : i32
      %mul3A_113 = arith.muli %scan3A_110, %mul3A_112 : i32
      %get3A = arith.index_cast %mul3A_113 : i32 to index
      %get3A_114 = tpu.vector_load %arg52[%get3A] {strides = array<i32>} : memref<6256xf32, #tpu.memory_space<vmem>>, vector<16xf32>,
      %mul3A_115 = arith.constant 16 : i32
      %mul3A_116 = arith.muli %scan3A_110, %mul3A_115 : i32
      %get3A_117 = arith.index_cast %mul3A_116 : i32 to index
      %get3A_118 = tpu.vector_load %arg53[%get3A_117] {strides = array<i32>} : memref<6256xf32, #tpu.memory_space<vmem>>, vector<16xf32>,
      %max3A = arith.constant 0.000000e+00 : f32
      %max3A_119 = vector.broadcast %max3A : f32 to vector<16xf32>
      %max3A_120 = arith.maximumf %get3A_114, %max3A_119 : vector<16xf32>
      %mul3A_121 = arith.mulf %max3A_120, %get3A_118 : vector<16xf32>
      %mul3A_122 = arith.constant 16 : i32
      %mul3A_123 = arith.muli %scan3A_110, %mul3A_122 : i32
      %swap3A = arith.index_cast %mul3A_123 : i32 to index
      %swap3A_124 = tpu.vector_load %arg52[%swap3A] {strides = array<i32>} : memref<6256xf32, #tpu.memory_space<vmem>>, vector<16xf32>,
      tpu.vector_store %arg52[%swap3A], %mul3A_121 {strides = array<i32>} : memref<6256xf32, #tpu.memory_space<vmem>>, vector<16xf32>,
      %scan3A_125 = arith.constant 0 : i32
      scf.yield %scan3A_125 : i32
    }
    %scan3A_60 = arith.constant 391 : i32
    "tpu.region"() ({
      %run_scoped3A = tpu.sem_alloc : memref<!tpu.dma_semaphore, #tpu.memory_space<semaphore_mem>>
      %dma_start3A = tpu.memref_slice %arg37[%mul3A_0] : memref<100096xf32, #tpu.memory_space<vmem_shared>> -> memref<6256xf32, #tpu.memory_space<vmem_shared>>
      %dma_start3A_110 = tpu.memref_slice %arg37[%mul3A_0] : memref<100096xf32, #tpu.memory_space<vmem_shared>> -> memref<6256xf32, #tpu.memory_space<vmem_shared>>
      tpu.enqueue_dma source(%arg52 : memref<6256xf32, #tpu.memory_space<vmem>>) target(%dma_start3A_110 : memref<6256xf32, #tpu.memory_space<vmem_shared>>) target_semaphore(%run_scoped3A : memref<!tpu.dma_semaphore, #tpu.memory_space<semaphore_mem>>)
      %dma_wait3A_111 = tpu.memref_slice %arg37[%mul3A_0] : memref<100096xf32, #tpu.memory_space<vmem_shared>> -> memref<6256xf32, #tpu.memory_space<vmem_shared>>
      %dma_wait3A_112 = tpu.memref_slice %arg37[%mul3A_0] : memref<100096xf32, #tpu.memory_space<vmem_shared>> -> memref<6256xf32, #tpu.memory_space<vmem_shared>>
      tpu.wait_dma2 semaphore(%run_scoped3A : memref<!tpu.dma_semaphore, #tpu.memory_space<semaphore_mem>>) src(%arg52 : memref<6256xf32, #tpu.memory_space<vmem>>) dst(%dma_wait3A_112 : memref<6256xf32, #tpu.memory_space<vmem_shared>>)
      tpu.yield
    }) : () -> ()
    "tpu.region"() ({
      %run_scoped3A = tpu.sem_alloc : memref<!tpu.dma_semaphore, #tpu.memory_space<semaphore_mem>>
      %dma_start3A = tpu.memref_slice %arg8[%mul3A_0] : memref<100096xf32, #tpu.memory_space<hbm>> -> memref<6256xf32, #tpu.memory_space<hbm>>
      %dma_start3A_110 = tpu.memref_slice %arg8[%mul3A_0] : memref<100096xf32, #tpu.memory_space<hbm>> -> memref<6256xf32, #tpu.memory_space<hbm>>
      tpu.enqueue_dma source(%dma_start3A_110 : memref<6256xf32, #tpu.memory_space<hbm>>) target(%arg52 : memref<6256xf32, #tpu.memory_space<vmem>>) target_semaphore(%run_scoped3A : memref<!tpu.dma_semaphore, #tpu.memory_space<semaphore_mem>>)
      %dma_wait3A_111 = tpu.memref_slice %arg8[%mul3A_0] : memref<100096xf32, #tpu.memory_space<hbm>> -> memref<6256xf32, #tpu.memory_space<hbm>>
      %dma_wait3A_112 = tpu.memref_slice %arg8[%mul3A_0] : memref<100096xf32, #tpu.memory_space<hbm>> -> memref<6256xf32, #tpu.memory_space<hbm>>
      tpu.wait_dma2 semaphore(%run_scoped3A : memref<!tpu.dma_semaphore, #tpu.memory_space<semaphore_mem>>) src(%dma_wait3A_112 : memref<6256xf32, #tpu.memory_space<hbm>>) dst(%arg52 : memref<6256xf32, #tpu.memory_space<vmem>>)
      tpu.yield
    }) : () -> ()
    %scan3A_61 = arith.constant 0 : i32
    %scan3A_62 = arith.constant 0 : i32
    %scan3A_63 = arith.constant 391 : i32
    %scan3A_64 = arith.addi %scan3A_62, %scan3A_63 : i32
    %scan3A_65 = arith.constant 1 : i32
    %scan3A_66 = scf.for %scan3A_110 = %scan3A_62 to %scan3A_64 step %scan3A_65 iter_args(%scan3A_111 = %scan3A_61) -> (i32)  : i32 {
      %mul3A_112 = arith.constant 16 : i32
      %mul3A_113 = arith.muli %scan3A_110, %mul3A_112 : i32
      %get3A = arith.index_cast %mul3A_113 : i32 to index
      %get3A_114 = tpu.vector_load %arg52[%get3A] {strides = array<i32>} : memref<6256xf32, #tpu.memory_space<vmem>>, vector<16xf32>,
      %mul3A_115 = arith.constant 16 : i32
      %mul3A_116 = arith.muli %scan3A_110, %mul3A_115 : i32
      %get3A_117 = arith.index_cast %mul3A_116 : i32 to index
      %get3A_118 = tpu.vector_load %arg53[%get3A_117] {strides = array<i32>} : memref<6256xf32, #tpu.memory_space<vmem>>, vector<16xf32>,
      %max3A = arith.constant 0.000000e+00 : f32
      %max3A_119 = vector.broadcast %max3A : f32 to vector<16xf32>
      %max3A_120 = arith.maximumf %get3A_114, %max3A_119 : vector<16xf32>
      %mul3A_121 = arith.mulf %max3A_120, %get3A_118 : vector<16xf32>
      %mul3A_122 = arith.constant 16 : i32
      %mul3A_123 = arith.muli %scan3A_110, %mul3A_122 : i32
      %swap3A = arith.index_cast %mul3A_123 : i32 to index
      %swap3A_124 = tpu.vector_load %arg52[%swap3A] {strides = array<i32>} : memref<6256xf32, #tpu.memory_space<vmem>>, vector<16xf32>,
      tpu.vector_store %arg52[%swap3A], %mul3A_121 {strides = array<i32>} : memref<6256xf32, #tpu.memory_space<vmem>>, vector<16xf32>,
      %scan3A_125 = arith.constant 0 : i32
      scf.yield %scan3A_125 : i32
    }
    %scan3A_67 = arith.constant 391 : i32
    "tpu.region"() ({
      %run_scoped3A = tpu.sem_alloc : memref<!tpu.dma_semaphore, #tpu.memory_space<semaphore_mem>>
      %dma_start3A = tpu.memref_slice %arg38[%mul3A_0] : memref<100096xf32, #tpu.memory_space<vmem_shared>> -> memref<6256xf32, #tpu.memory_space<vmem_shared>>
      %dma_start3A_110 = tpu.memref_slice %arg38[%mul3A_0] : memref<100096xf32, #tpu.memory_space<vmem_shared>> -> memref<6256xf32, #tpu.memory_space<vmem_shared>>
      tpu.enqueue_dma source(%arg52 : memref<6256xf32, #tpu.memory_space<vmem>>) target(%dma_start3A_110 : memref<6256xf32, #tpu.memory_space<vmem_shared>>) target_semaphore(%run_scoped3A : memref<!tpu.dma_semaphore, #tpu.memory_space<semaphore_mem>>)
      %dma_wait3A_111 = tpu.memref_slice %arg38[%mul3A_0] : memref<100096xf32, #tpu.memory_space<vmem_shared>> -> memref<6256xf32, #tpu.memory_space<vmem_shared>>
      %dma_wait3A_112 = tpu.memref_slice %arg38[%mul3A_0] : memref<100096xf32, #tpu.memory_space<vmem_shared>> -> memref<6256xf32, #tpu.memory_space<vmem_shared>>
      tpu.wait_dma2 semaphore(%run_scoped3A : memref<!tpu.dma_semaphore, #tpu.memory_space<semaphore_mem>>) src(%arg52 : memref<6256xf32, #tpu.memory_space<vmem>>) dst(%dma_wait3A_112 : memref<6256xf32, #tpu.memory_space<vmem_shared>>)
      tpu.yield
    }) : () -> ()
    "tpu.region"() ({
      %run_scoped3A = tpu.sem_alloc : memref<!tpu.dma_semaphore, #tpu.memory_space<semaphore_mem>>
      %dma_start3A = tpu.memref_slice %arg9[%mul3A_0] : memref<100096xf32, #tpu.memory_space<hbm>> -> memref<6256xf32, #tpu.memory_space<hbm>>
      %dma_start3A_110 = tpu.memref_slice %arg9[%mul3A_0] : memref<100096xf32, #tpu.memory_space<hbm>> -> memref<6256xf32, #tpu.memory_space<hbm>>
      tpu.enqueue_dma source(%dma_start3A_110 : memref<6256xf32, #tpu.memory_space<hbm>>) target(%arg52 : memref<6256xf32, #tpu.memory_space<vmem>>) target_semaphore(%run_scoped3A : memref<!tpu.dma_semaphore, #tpu.memory_space<semaphore_mem>>)
      %dma_wait3A_111 = tpu.memref_slice %arg9[%mul3A_0] : memref<100096xf32, #tpu.memory_space<hbm>> -> memref<6256xf32, #tpu.memory_space<hbm>>
      %dma_wait3A_112 = tpu.memref_slice %arg9[%mul3A_0] : memref<100096xf32, #tpu.memory_space<hbm>> -> memref<6256xf32, #tpu.memory_space<hbm>>
      tpu.wait_dma2 semaphore(%run_scoped3A : memref<!tpu.dma_semaphore, #tpu.memory_space<semaphore_mem>>) src(%dma_wait3A_112 : memref<6256xf32, #tpu.memory_space<hbm>>) dst(%arg52 : memref<6256xf32, #tpu.memory_space<vmem>>)
      tpu.yield
    }) : () -> ()
    %scan3A_68 = arith.constant 0 : i32
    %scan3A_69 = arith.constant 0 : i32
    %scan3A_70 = arith.constant 391 : i32
    %scan3A_71 = arith.addi %scan3A_69, %scan3A_70 : i32
    %scan3A_72 = arith.constant 1 : i32
    %scan3A_73 = scf.for %scan3A_110 = %scan3A_69 to %scan3A_71 step %scan3A_72 iter_args(%scan3A_111 = %scan3A_68) -> (i32)  : i32 {
      %mul3A_112 = arith.constant 16 : i32
      %mul3A_113 = arith.muli %scan3A_110, %mul3A_112 : i32
      %get3A = arith.index_cast %mul3A_113 : i32 to index
      %get3A_114 = tpu.vector_load %arg52[%get3A] {strides = array<i32>} : memref<6256xf32, #tpu.memory_space<vmem>>, vector<16xf32>,
      %mul3A_115 = arith.constant 16 : i32
      %mul3A_116 = arith.muli %scan3A_110, %mul3A_115 : i32
      %get3A_117 = arith.index_cast %mul3A_116 : i32 to index
      %get3A_118 = tpu.vector_load %arg53[%get3A_117] {strides = array<i32>} : memref<6256xf32, #tpu.memory_space<vmem>>, vector<16xf32>,
      %max3A = arith.constant 0.000000e+00 : f32
      %max3A_119 = vector.broadcast %max3A : f32 to vector<16xf32>
      %max3A_120 = arith.maximumf %get3A_114, %max3A_119 : vector<16xf32>
      %mul3A_121 = arith.mulf %max3A_120, %get3A_118 : vector<16xf32>
      %mul3A_122 = arith.constant 16 : i32
      %mul3A_123 = arith.muli %scan3A_110, %mul3A_122 : i32
      %swap3A = arith.index_cast %mul3A_123 : i32 to index
      %swap3A_124 = tpu.vector_load %arg52[%swap3A] {strides = array<i32>} : memref<6256xf32, #tpu.memory_space<vmem>>, vector<16xf32>,
      tpu.vector_store %arg52[%swap3A], %mul3A_121 {strides = array<i32>} : memref<6256xf32, #tpu.memory_space<vmem>>, vector<16xf32>,
      %scan3A_125 = arith.constant 0 : i32
      scf.yield %scan3A_125 : i32
    }
    %scan3A_74 = arith.constant 391 : i32
    "tpu.region"() ({
      %run_scoped3A = tpu.sem_alloc : memref<!tpu.dma_semaphore, #tpu.memory_space<semaphore_mem>>
      %dma_start3A = tpu.memref_slice %arg39[%mul3A_0] : memref<100096xf32, #tpu.memory_space<vmem_shared>> -> memref<6256xf32, #tpu.memory_space<vmem_shared>>
      %dma_start3A_110 = tpu.memref_slice %arg39[%mul3A_0] : memref<100096xf32, #tpu.memory_space<vmem_shared>> -> memref<6256xf32, #tpu.memory_space<vmem_shared>>
      tpu.enqueue_dma source(%arg52 : memref<6256xf32, #tpu.memory_space<vmem>>) target(%dma_start3A_110 : memref<6256xf32, #tpu.memory_space<vmem_shared>>) target_semaphore(%run_scoped3A : memref<!tpu.dma_semaphore, #tpu.memory_space<semaphore_mem>>)
      %dma_wait3A_111 = tpu.memref_slice %arg39[%mul3A_0] : memref<100096xf32, #tpu.memory_space<vmem_shared>> -> memref<6256xf32, #tpu.memory_space<vmem_shared>>
      %dma_wait3A_112 = tpu.memref_slice %arg39[%mul3A_0] : memref<100096xf32, #tpu.memory_space<vmem_shared>> -> memref<6256xf32, #tpu.memory_space<vmem_shared>>
      tpu.wait_dma2 semaphore(%run_scoped3A : memref<!tpu.dma_semaphore, #tpu.memory_space<semaphore_mem>>) src(%arg52 : memref<6256xf32, #tpu.memory_space<vmem>>) dst(%dma_wait3A_112 : memref<6256xf32, #tpu.memory_space<vmem_shared>>)
      tpu.yield
    }) : () -> ()
    %barrier3A_75 = arith.constant 0 : index
    tpu.barrier barrier_id(%barrier3A_75)
    %sub3A = arith.constant 1 : i32
    %sub3A_76 = arith.subi %sub3A, %arg0 : i32
    %scan3A_77 = arith.constant 0 : i32
    %scan3A_78 = arith.constant 0 : i32
    %scan3A_79 = arith.constant 184 : i32
    %scan3A_80 = arith.addi %scan3A_78, %scan3A_79 : i32
    %scan3A_81 = arith.constant 1 : i32
    %scan3A_82 = scf.for %scan3A_110 = %scan3A_78 to %scan3A_80 step %scan3A_81 iter_args(%scan3A_111 = %scan3A_77) -> (i32)  : i32 {
      %mul3A_112 = arith.constant 17 : i32
      %mul3A_113 = arith.muli %scan3A_110, %mul3A_112 : i32
      %add3A = arith.addi %mul3A_2, %mul3A_113 : i32
      %rem3A = arith.constant 2 : i32
      %rem3A_114 = arith.remsi %scan3A_110, %rem3A : i32
      %mul3A_115 = arith.constant 17 : i32
      %mul3A_116 = arith.muli %rem3A_114, %mul3A_115 : i32
      "tpu.region"() ({
        %run_scoped3A = tpu.sem_alloc : memref<!tpu.dma_semaphore, #tpu.memory_space<semaphore_mem>>
        %dma_start3A = arith.constant 0 : i32
        %dma_start3A_124 = arith.constant 0 : i32
        %dma_start3A_125 = tpu.memref_slice %arg48[%mul3A_116, %dma_start3A, %dma_start3A_124] : memref<34x1x128xi32, #tpu.memory_space<vmem>> -> memref<17x1x128xi32, #tpu.memory_space<vmem>>
        %dma_start3A_126 = arith.constant 0 : i32
        %dma_start3A_127 = arith.constant 0 : i32
        %dma_start3A_128 = tpu.memref_slice %arg10[%arg0, %add3A, %dma_start3A_126, %dma_start3A_127] : memref<2x50048x1x128xi32, #tpu.memory_space<hbm>> -> memref<1x17x1x128xi32, #tpu.memory_space<hbm>>
        %dma_start3A_129 = tpu.memref_squeeze %dma_start3A_128 : memref<1x17x1x128xi32, #tpu.memory_space<hbm>> -> memref<17x1x128xi32, #tpu.memory_space<hbm>>
        %dma_start3A_130 = arith.constant 0 : i32
        %dma_start3A_131 = arith.constant 0 : i32
        %dma_start3A_132 = tpu.memref_slice %arg48[%mul3A_116, %dma_start3A_130, %dma_start3A_131] : memref<34x1x128xi32, #tpu.memory_space<vmem>> -> memref<17x1x128xi32, #tpu.memory_space<vmem>>
        %dma_start3A_133 = arith.constant 0 : i32
        %dma_start3A_134 = arith.constant 0 : i32
        %dma_start3A_135 = tpu.memref_slice %arg10[%arg0, %add3A, %dma_start3A_133, %dma_start3A_134] : memref<2x50048x1x128xi32, #tpu.memory_space<hbm>> -> memref<1x17x1x128xi32, #tpu.memory_space<hbm>>
        %dma_start3A_136 = tpu.memref_squeeze %dma_start3A_135 : memref<1x17x1x128xi32, #tpu.memory_space<hbm>> -> memref<17x1x128xi32, #tpu.memory_space<hbm>>
        tpu.enqueue_dma source(%dma_start3A_136 : memref<17x1x128xi32, #tpu.memory_space<hbm>>) target(%dma_start3A_132 : memref<17x1x128xi32, #tpu.memory_space<vmem>>) target_semaphore(%run_scoped3A : memref<!tpu.dma_semaphore, #tpu.memory_space<semaphore_mem>>)
        %dma_wait3A_137 = arith.constant 0 : i32
        %dma_wait3A_138 = arith.constant 0 : i32
        %dma_wait3A_139 = tpu.memref_slice %arg48[%mul3A_116, %dma_wait3A_137, %dma_wait3A_138] : memref<34x1x128xi32, #tpu.memory_space<vmem>> -> memref<17x1x128xi32, #tpu.memory_space<vmem>>
        %dma_wait3A_140 = arith.constant 0 : i32
        %dma_wait3A_141 = arith.constant 0 : i32
        %dma_wait3A_142 = tpu.memref_slice %arg10[%arg0, %add3A, %dma_wait3A_140, %dma_wait3A_141] : memref<2x50048x1x128xi32, #tpu.memory_space<hbm>> -> memref<1x17x1x128xi32, #tpu.memory_space<hbm>>
        %dma_wait3A_143 = tpu.memref_squeeze %dma_wait3A_142 : memref<1x17x1x128xi32, #tpu.memory_space<hbm>> -> memref<17x1x128xi32, #tpu.memory_space<hbm>>
        %dma_wait3A_144 = arith.constant 0 : i32
        %dma_wait3A_145 = arith.constant 0 : i32
        %dma_wait3A_146 = tpu.memref_slice %arg48[%mul3A_116, %dma_wait3A_144, %dma_wait3A_145] : memref<34x1x128xi32, #tpu.memory_space<vmem>> -> memref<17x1x128xi32, #tpu.memory_space<vmem>>
        %dma_wait3A_147 = arith.constant 0 : i32
        %dma_wait3A_148 = arith.constant 0 : i32
        %dma_wait3A_149 = tpu.memref_slice %arg10[%arg0, %add3A, %dma_wait3A_147, %dma_wait3A_148] : memref<2x50048x1x128xi32, #tpu.memory_space<hbm>> -> memref<1x17x1x128xi32, #tpu.memory_space<hbm>>
        %dma_wait3A_150 = tpu.memref_squeeze %dma_wait3A_149 : memref<1x17x1x128xi32, #tpu.memory_space<hbm>> -> memref<17x1x128xi32, #tpu.memory_space<hbm>>
        tpu.wait_dma2 semaphore(%run_scoped3A : memref<!tpu.dma_semaphore, #tpu.memory_space<semaphore_mem>>) src(%dma_wait3A_150 : memref<17x1x128xi32, #tpu.memory_space<hbm>>) dst(%dma_wait3A_146 : memref<17x1x128xi32, #tpu.memory_space<vmem>>)
        tpu.yield
      }) : () -> ()
      "tpu.region"() ({
        %run_scoped3A = tpu.sem_alloc : memref<!tpu.dma_semaphore, #tpu.memory_space<semaphore_mem>>
        %dma_start3A = arith.constant 0 : i32
        %dma_start3A_124 = arith.constant 0 : i32
        %dma_start3A_125 = tpu.memref_slice %arg49[%mul3A_116, %dma_start3A, %dma_start3A_124] : memref<34x1x128xi32, #tpu.memory_space<vmem>> -> memref<17x1x128xi32, #tpu.memory_space<vmem>>
        %dma_start3A_126 = arith.constant 0 : i32
        %dma_start3A_127 = arith.constant 0 : i32
        %dma_start3A_128 = tpu.memref_slice %arg10[%sub3A_76, %add3A, %dma_start3A_126, %dma_start3A_127] : memref<2x50048x1x128xi32, #tpu.memory_space<hbm>> -> memref<1x17x1x128xi32, #tpu.memory_space<hbm>>
        %dma_start3A_129 = tpu.memref_squeeze %dma_start3A_128 : memref<1x17x1x128xi32, #tpu.memory_space<hbm>> -> memref<17x1x128xi32, #tpu.memory_space<hbm>>
        %dma_start3A_130 = arith.constant 0 : i32
        %dma_start3A_131 = arith.constant 0 : i32
        %dma_start3A_132 = tpu.memref_slice %arg49[%mul3A_116, %dma_start3A_130, %dma_start3A_131] : memref<34x1x128xi32, #tpu.memory_space<vmem>> -> memref<17x1x128xi32, #tpu.memory_space<vmem>>
        %dma_start3A_133 = arith.constant 0 : i32
        %dma_start3A_134 = arith.constant 0 : i32
        %dma_start3A_135 = tpu.memref_slice %arg10[%sub3A_76, %add3A, %dma_start3A_133, %dma_start3A_134] : memref<2x50048x1x128xi32, #tpu.memory_space<hbm>> -> memref<1x17x1x128xi32, #tpu.memory_space<hbm>>
        %dma_start3A_136 = tpu.memref_squeeze %dma_start3A_135 : memref<1x17x1x128xi32, #tpu.memory_space<hbm>> -> memref<17x1x128xi32, #tpu.memory_space<hbm>>
        tpu.enqueue_dma source(%dma_start3A_136 : memref<17x1x128xi32, #tpu.memory_space<hbm>>) target(%dma_start3A_132 : memref<17x1x128xi32, #tpu.memory_space<vmem>>) target_semaphore(%run_scoped3A : memref<!tpu.dma_semaphore, #tpu.memory_space<semaphore_mem>>)
        %dma_wait3A_137 = arith.constant 0 : i32
        %dma_wait3A_138 = arith.constant 0 : i32
        %dma_wait3A_139 = tpu.memref_slice %arg49[%mul3A_116, %dma_wait3A_137, %dma_wait3A_138] : memref<34x1x128xi32, #tpu.memory_space<vmem>> -> memref<17x1x128xi32, #tpu.memory_space<vmem>>
        %dma_wait3A_140 = arith.constant 0 : i32
        %dma_wait3A_141 = arith.constant 0 : i32
        %dma_wait3A_142 = tpu.memref_slice %arg10[%sub3A_76, %add3A, %dma_wait3A_140, %dma_wait3A_141] : memref<2x50048x1x128xi32, #tpu.memory_space<hbm>> -> memref<1x17x1x128xi32, #tpu.memory_space<hbm>>
        %dma_wait3A_143 = tpu.memref_squeeze %dma_wait3A_142 : memref<1x17x1x128xi32, #tpu.memory_space<hbm>> -> memref<17x1x128xi32, #tpu.memory_space<hbm>>
        %dma_wait3A_144 = arith.constant 0 : i32
        %dma_wait3A_145 = arith.constant 0 : i32
        %dma_wait3A_146 = tpu.memref_slice %arg49[%mul3A_116, %dma_wait3A_144, %dma_wait3A_145] : memref<34x1x128xi32, #tpu.memory_space<vmem>> -> memref<17x1x128xi32, #tpu.memory_space<vmem>>
        %dma_wait3A_147 = arith.constant 0 : i32
        %dma_wait3A_148 = arith.constant 0 : i32
        %dma_wait3A_149 = tpu.memref_slice %arg10[%sub3A_76, %add3A, %dma_wait3A_147, %dma_wait3A_148] : memref<2x50048x1x128xi32, #tpu.memory_space<hbm>> -> memref<1x17x1x128xi32, #tpu.memory_space<hbm>>
        %dma_wait3A_150 = tpu.memref_squeeze %dma_wait3A_149 : memref<1x17x1x128xi32, #tpu.memory_space<hbm>> -> memref<17x1x128xi32, #tpu.memory_space<hbm>>
        tpu.wait_dma2 semaphore(%run_scoped3A : memref<!tpu.dma_semaphore, #tpu.memory_space<semaphore_mem>>) src(%dma_wait3A_150 : memref<17x1x128xi32, #tpu.memory_space<hbm>>) dst(%dma_wait3A_146 : memref<17x1x128xi32, #tpu.memory_space<vmem>>)
        tpu.yield
      }) : () -> ()
      %scan3A_117 = arith.constant 0 : i32
      %scan3A_118 = arith.constant 0 : i32
      %scan3A_119 = arith.constant 17 : i32
      %scan3A_120 = arith.addi %scan3A_118, %scan3A_119 : i32
      %scan3A_121 = arith.constant 1 : i32
      %scan3A_122 = scf.for %scan3A_124 = %scan3A_118 to %scan3A_120 step %scan3A_121 iter_args(%scan3A_125 = %scan3A_117) -> (i32)  : i32 {
        %mul3A_126 = arith.constant 17 : i32
        %mul3A_127 = arith.muli %scan3A_110, %mul3A_126 : i32
        %add3A_128 = arith.addi %mul3A_127, %scan3A_124 : i32
        %rem3A_129 = arith.constant 2 : i32
        %rem3A_130 = arith.remsi %add3A_128, %rem3A_129 : i32
        %ge3A = arith.constant 2 : i32
        %ge3A_131 = arith.cmpi sge, %add3A_128, %ge3A : i32
        %convert_element_type3A_132 = arith.extui %ge3A_131 : i1 to i32
        %cond3A_133 = arith.constant 0 : i32
        %cond3A_134 = arith.cmpi ne, %convert_element_type3A_132, %cond3A_133 : i32
        scf.if %cond3A_134 {
          %dma_wait3A_455 = arith.constant 0 : i32
          %dma_wait3A_456 = arith.constant 0 : i32
          %dma_wait3A_457 = arith.constant 0 : i32
          %dma_wait3A_458 = tpu.memref_slice %arg50[%dma_wait3A_455, %dma_wait3A_456, %dma_wait3A_457] : memref<16x1x128xf32, #tpu.memory_space<vmem>> -> memref<8x1x128xf32, #tpu.memory_space<vmem>>
          %dma_wait3A_459 = arith.constant 0 : i32
          %dma_wait3A_460 = arith.constant 0 : i32
          %dma_wait3A_461 = arith.constant 0 : i32
          %dma_wait3A_462 = tpu.memref_slice %arg50[%dma_wait3A_459, %dma_wait3A_460, %dma_wait3A_461] : memref<16x1x128xf32, #tpu.memory_space<vmem>> -> memref<8x1x128xf32, #tpu.memory_space<vmem>>
          tpu.wait_dma2 semaphore(%arg56 : memref<!tpu.dma_semaphore, #tpu.memory_space<semaphore_mem>>) src(%arg13 : memref<8x1x128xf32, #tpu.memory_space<hbm>>) dst(%dma_wait3A_462 : memref<8x1x128xf32, #tpu.memory_space<vmem>>)
        } else {
        }
        %add3A_135 = arith.addi %mul3A_116, %scan3A_124 : i32
        %mul3A_136 = arith.constant 8 : i32
        %mul3A_137 = arith.muli %rem3A_130, %mul3A_136 : i32
        %add3A_138 = arith.constant 0 : i32
        %add3A_139 = arith.addi %mul3A_137, %add3A_138 : i32
        %dma_start3A = arith.constant 0 : i32
        %dma_start3A_140 = arith.constant 0 : i32
        %dma_start3A_141 = arith.constant 0 : i32
        %dma_start3A_142 = tpu.memref_slice %arg50[%add3A_139, %dma_start3A_140, %dma_start3A_141] : memref<16x1x128xf32, #tpu.memory_space<vmem>> -> memref<1x1x128xf32, #tpu.memory_space<vmem>>
        %dma_start3A_143 = tpu.memref_squeeze %dma_start3A_142 : memref<1x1x128xf32, #tpu.memory_space<vmem>> -> memref<128xf32, #tpu.memory_space<vmem>>
        %dma_start3A_144 = arith.constant 0 : i32
        %dma_start3A_145 = tpu.memref_slice %arg48[%add3A_135, %dma_start3A, %dma_start3A_144] : memref<34x1x128xi32, #tpu.memory_space<vmem>> -> memref<1x1x128xi32, #tpu.memory_space<vmem>>
        %dma_start3A_146 = tpu.memref_squeeze %dma_start3A_145 : memref<1x1x128xi32, #tpu.memory_space<vmem>> -> memref<128xi32, #tpu.memory_space<vmem>>
        %dma_start3A_147 = arith.constant 0 : i32
        %dma_start3A_148 = tpu.memref_slice %arg32[%dma_start3A_147] : memref<100096xf32, #tpu.memory_space<vmem_shared>> -> memref<100096xf32, #tpu.memory_space<vmem_shared>>
        tpu.enqueue_indirect_dma source(%dma_start3A_148 : memref<100096xf32, #tpu.memory_space<vmem_shared>>) target(%dma_start3A_143 : memref<128xf32, #tpu.memory_space<vmem>>) offsets(%dma_start3A_146 : memref<128xi32, #tpu.memory_space<vmem>>) semaphore(%arg55 : memref<!tpu.dma_semaphore, #tpu.memory_space<semaphore_mem>>)
        %add3A_149 = arith.addi %mul3A_116, %scan3A_124 : i32
        %mul3A_150 = arith.constant 8 : i32
        %mul3A_151 = arith.muli %rem3A_130, %mul3A_150 : i32
        %add3A_152 = arith.constant 1 : i32
        %add3A_153 = arith.addi %mul3A_151, %add3A_152 : i32
        %dma_start3A_154 = arith.constant 0 : i32
        %dma_start3A_155 = arith.constant 0 : i32
        %dma_start3A_156 = arith.constant 0 : i32
        %dma_start3A_157 = tpu.memref_slice %arg50[%add3A_153, %dma_start3A_155, %dma_start3A_156] : memref<16x1x128xf32, #tpu.memory_space<vmem>> -> memref<1x1x128xf32, #tpu.memory_space<vmem>>
        %dma_start3A_158 = tpu.memref_squeeze %dma_start3A_157 : memref<1x1x128xf32, #tpu.memory_space<vmem>> -> memref<128xf32, #tpu.memory_space<vmem>>
        %dma_start3A_159 = arith.constant 0 : i32
        %dma_start3A_160 = tpu.memref_slice %arg48[%add3A_149, %dma_start3A_154, %dma_start3A_159] : memref<34x1x128xi32, #tpu.memory_space<vmem>> -> memref<1x1x128xi32, #tpu.memory_space<vmem>>
        %dma_start3A_161 = tpu.memref_squeeze %dma_start3A_160 : memref<1x1x128xi32, #tpu.memory_space<vmem>> -> memref<128xi32, #tpu.memory_space<vmem>>
        %dma_start3A_162 = arith.constant 0 : i32
        %dma_start3A_163 = tpu.memref_slice %arg33[%dma_start3A_162] : memref<100096xf32, #tpu.memory_space<vmem_shared>> -> memref<100096xf32, #tpu.memory_space<vmem_shared>>
        tpu.enqueue_indirect_dma source(%dma_start3A_163 : memref<100096xf32, #tpu.memory_space<vmem_shared>>) target(%dma_start3A_158 : memref<128xf32, #tpu.memory_space<vmem>>) offsets(%dma_start3A_161 : memref<128xi32, #tpu.memory_space<vmem>>) semaphore(%arg55 : memref<!tpu.dma_semaphore, #tpu.memory_space<semaphore_mem>>)
        %add3A_164 = arith.addi %mul3A_116, %scan3A_124 : i32
        %mul3A_165 = arith.constant 8 : i32
        %mul3A_166 = arith.muli %rem3A_130, %mul3A_165 : i32
        %add3A_167 = arith.constant 2 : i32
        %add3A_168 = arith.addi %mul3A_166, %add3A_167 : i32
        %dma_start3A_169 = arith.constant 0 : i32
        %dma_start3A_170 = arith.constant 0 : i32
        %dma_start3A_171 = arith.constant 0 : i32
        %dma_start3A_172 = tpu.memref_slice %arg50[%add3A_168, %dma_start3A_170, %dma_start3A_171] : memref<16x1x128xf32, #tpu.memory_space<vmem>> -> memref<1x1x128xf32, #tpu.memory_space<vmem>>
        %dma_start3A_173 = tpu.memref_squeeze %dma_start3A_172 : memref<1x1x128xf32, #tpu.memory_space<vmem>> -> memref<128xf32, #tpu.memory_space<vmem>>
        %dma_start3A_174 = arith.constant 0 : i32
        %dma_start3A_175 = tpu.memref_slice %arg48[%add3A_164, %dma_start3A_169, %dma_start3A_174] : memref<34x1x128xi32, #tpu.memory_space<vmem>> -> memref<1x1x128xi32, #tpu.memory_space<vmem>>
        %dma_start3A_176 = tpu.memref_squeeze %dma_start3A_175 : memref<1x1x128xi32, #tpu.memory_space<vmem>> -> memref<128xi32, #tpu.memory_space<vmem>>
        %dma_start3A_177 = arith.constant 0 : i32
        %dma_start3A_178 = tpu.memref_slice %arg34[%dma_start3A_177] : memref<100096xf32, #tpu.memory_space<vmem_shared>> -> memref<100096xf32, #tpu.memory_space<vmem_shared>>
        tpu.enqueue_indirect_dma source(%dma_start3A_178 : memref<100096xf32, #tpu.memory_space<vmem_shared>>) target(%dma_start3A_173 : memref<128xf32, #tpu.memory_space<vmem>>) offsets(%dma_start3A_176 : memref<128xi32, #tpu.memory_space<vmem>>) semaphore(%arg55 : memref<!tpu.dma_semaphore, #tpu.memory_space<semaphore_mem>>)
        %add3A_179 = arith.addi %mul3A_116, %scan3A_124 : i32
        %mul3A_180 = arith.constant 8 : i32
        %mul3A_181 = arith.muli %rem3A_130, %mul3A_180 : i32
        %add3A_182 = arith.constant 3 : i32
        %add3A_183 = arith.addi %mul3A_181, %add3A_182 : i32
        %dma_start3A_184 = arith.constant 0 : i32
        %dma_start3A_185 = arith.constant 0 : i32
        %dma_start3A_186 = arith.constant 0 : i32
        %dma_start3A_187 = tpu.memref_slice %arg50[%add3A_183, %dma_start3A_185, %dma_start3A_186] : memref<16x1x128xf32, #tpu.memory_space<vmem>> -> memref<1x1x128xf32, #tpu.memory_space<vmem>>
        %dma_start3A_188 = tpu.memref_squeeze %dma_start3A_187 : memref<1x1x128xf32, #tpu.memory_space<vmem>> -> memref<128xf32, #tpu.memory_space<vmem>>
        %dma_start3A_189 = arith.constant 0 : i32
        %dma_start3A_190 = tpu.memref_slice %arg48[%add3A_179, %dma_start3A_184, %dma_start3A_189] : memref<34x1x128xi32, #tpu.memory_space<vmem>> -> memref<1x1x128xi32, #tpu.memory_space<vmem>>
        %dma_start3A_191 = tpu.memref_squeeze %dma_start3A_190 : memref<1x1x128xi32, #tpu.memory_space<vmem>> -> memref<128xi32, #tpu.memory_space<vmem>>
        %dma_start3A_192 = arith.constant 0 : i32
        %dma_start3A_193 = tpu.memref_slice %arg35[%dma_start3A_192] : memref<100096xf32, #tpu.memory_space<vmem_shared>> -> memref<100096xf32, #tpu.memory_space<vmem_shared>>
        tpu.enqueue_indirect_dma source(%dma_start3A_193 : memref<100096xf32, #tpu.memory_space<vmem_shared>>) target(%dma_start3A_188 : memref<128xf32, #tpu.memory_space<vmem>>) offsets(%dma_start3A_191 : memref<128xi32, #tpu.memory_space<vmem>>) semaphore(%arg55 : memref<!tpu.dma_semaphore, #tpu.memory_space<semaphore_mem>>)
        %add3A_194 = arith.addi %mul3A_116, %scan3A_124 : i32
        %mul3A_195 = arith.constant 8 : i32
        %mul3A_196 = arith.muli %rem3A_130, %mul3A_195 : i32
        %add3A_197 = arith.constant 4 : i32
        %add3A_198 = arith.addi %mul3A_196, %add3A_197 : i32
        %dma_start3A_199 = arith.constant 0 : i32
        %dma_start3A_200 = arith.constant 0 : i32
        %dma_start3A_201 = arith.constant 0 : i32
        %dma_start3A_202 = tpu.memref_slice %arg50[%add3A_198, %dma_start3A_200, %dma_start3A_201] : memref<16x1x128xf32, #tpu.memory_space<vmem>> -> memref<1x1x128xf32, #tpu.memory_space<vmem>>
        %dma_start3A_203 = tpu.memref_squeeze %dma_start3A_202 : memref<1x1x128xf32, #tpu.memory_space<vmem>> -> memref<128xf32, #tpu.memory_space<vmem>>
        %dma_start3A_204 = arith.constant 0 : i32
        %dma_start3A_205 = tpu.memref_slice %arg48[%add3A_194, %dma_start3A_199, %dma_start3A_204] : memref<34x1x128xi32, #tpu.memory_space<vmem>> -> memref<1x1x128xi32, #tpu.memory_space<vmem>>
        %dma_start3A_206 = tpu.memref_squeeze %dma_start3A_205 : memref<1x1x128xi32, #tpu.memory_space<vmem>> -> memref<128xi32, #tpu.memory_space<vmem>>
        %dma_start3A_207 = arith.constant 0 : i32
        %dma_start3A_208 = tpu.memref_slice %arg36[%dma_start3A_207] : memref<100096xf32, #tpu.memory_space<vmem_shared>> -> memref<100096xf32, #tpu.memory_space<vmem_shared>>
        tpu.enqueue_indirect_dma source(%dma_start3A_208 : memref<100096xf32, #tpu.memory_space<vmem_shared>>) target(%dma_start3A_203 : memref<128xf32, #tpu.memory_space<vmem>>) offsets(%dma_start3A_206 : memref<128xi32, #tpu.memory_space<vmem>>) semaphore(%arg55 : memref<!tpu.dma_semaphore, #tpu.memory_space<semaphore_mem>>)
        %add3A_209 = arith.addi %mul3A_116, %scan3A_124 : i32
        %mul3A_210 = arith.constant 8 : i32
        %mul3A_211 = arith.muli %rem3A_130, %mul3A_210 : i32
        %add3A_212 = arith.constant 5 : i32
        %add3A_213 = arith.addi %mul3A_211, %add3A_212 : i32
        %dma_start3A_214 = arith.constant 0 : i32
        %dma_start3A_215 = arith.constant 0 : i32
        %dma_start3A_216 = arith.constant 0 : i32
        %dma_start3A_217 = tpu.memref_slice %arg50[%add3A_213, %dma_start3A_215, %dma_start3A_216] : memref<16x1x128xf32, #tpu.memory_space<vmem>> -> memref<1x1x128xf32, #tpu.memory_space<vmem>>
        %dma_start3A_218 = tpu.memref_squeeze %dma_start3A_217 : memref<1x1x128xf32, #tpu.memory_space<vmem>> -> memref<128xf32, #tpu.memory_space<vmem>>
        %dma_start3A_219 = arith.constant 0 : i32
        %dma_start3A_220 = tpu.memref_slice %arg48[%add3A_209, %dma_start3A_214, %dma_start3A_219] : memref<34x1x128xi32, #tpu.memory_space<vmem>> -> memref<1x1x128xi32, #tpu.memory_space<vmem>>
        %dma_start3A_221 = tpu.memref_squeeze %dma_start3A_220 : memref<1x1x128xi32, #tpu.memory_space<vmem>> -> memref<128xi32, #tpu.memory_space<vmem>>
        %dma_start3A_222 = arith.constant 0 : i32
        %dma_start3A_223 = tpu.memref_slice %arg37[%dma_start3A_222] : memref<100096xf32, #tpu.memory_space<vmem_shared>> -> memref<100096xf32, #tpu.memory_space<vmem_shared>>
        tpu.enqueue_indirect_dma source(%dma_start3A_223 : memref<100096xf32, #tpu.memory_space<vmem_shared>>) target(%dma_start3A_218 : memref<128xf32, #tpu.memory_space<vmem>>) offsets(%dma_start3A_221 : memref<128xi32, #tpu.memory_space<vmem>>) semaphore(%arg55 : memref<!tpu.dma_semaphore, #tpu.memory_space<semaphore_mem>>)
        %add3A_224 = arith.addi %mul3A_116, %scan3A_124 : i32
        %mul3A_225 = arith.constant 8 : i32
        %mul3A_226 = arith.muli %rem3A_130, %mul3A_225 : i32
        %add3A_227 = arith.constant 6 : i32
        %add3A_228 = arith.addi %mul3A_226, %add3A_227 : i32
        %dma_start3A_229 = arith.constant 0 : i32
        %dma_start3A_230 = arith.constant 0 : i32
        %dma_start3A_231 = arith.constant 0 : i32
        %dma_start3A_232 = tpu.memref_slice %arg50[%add3A_228, %dma_start3A_230, %dma_start3A_231] : memref<16x1x128xf32, #tpu.memory_space<vmem>> -> memref<1x1x128xf32, #tpu.memory_space<vmem>>
        %dma_start3A_233 = tpu.memref_squeeze %dma_start3A_232 : memref<1x1x128xf32, #tpu.memory_space<vmem>> -> memref<128xf32, #tpu.memory_space<vmem>>
        %dma_start3A_234 = arith.constant 0 : i32
        %dma_start3A_235 = tpu.memref_slice %arg48[%add3A_224, %dma_start3A_229, %dma_start3A_234] : memref<34x1x128xi32, #tpu.memory_space<vmem>> -> memref<1x1x128xi32, #tpu.memory_space<vmem>>
        %dma_start3A_236 = tpu.memref_squeeze %dma_start3A_235 : memref<1x1x128xi32, #tpu.memory_space<vmem>> -> memref<128xi32, #tpu.memory_space<vmem>>
        %dma_start3A_237 = arith.constant 0 : i32
        %dma_start3A_238 = tpu.memref_slice %arg38[%dma_start3A_237] : memref<100096xf32, #tpu.memory_space<vmem_shared>> -> memref<100096xf32, #tpu.memory_space<vmem_shared>>
        tpu.enqueue_indirect_dma source(%dma_start3A_238 : memref<100096xf32, #tpu.memory_space<vmem_shared>>) target(%dma_start3A_233 : memref<128xf32, #tpu.memory_space<vmem>>) offsets(%dma_start3A_236 : memref<128xi32, #tpu.memory_space<vmem>>) semaphore(%arg55 : memref<!tpu.dma_semaphore, #tpu.memory_space<semaphore_mem>>)
        %add3A_239 = arith.addi %mul3A_116, %scan3A_124 : i32
        %mul3A_240 = arith.constant 8 : i32
        %mul3A_241 = arith.muli %rem3A_130, %mul3A_240 : i32
        %add3A_242 = arith.constant 7 : i32
        %add3A_243 = arith.addi %mul3A_241, %add3A_242 : i32
        %dma_start3A_244 = arith.constant 0 : i32
        %dma_start3A_245 = arith.constant 0 : i32
        %dma_start3A_246 = arith.constant 0 : i32
        %dma_start3A_247 = tpu.memref_slice %arg50[%add3A_243, %dma_start3A_245, %dma_start3A_246] : memref<16x1x128xf32, #tpu.memory_space<vmem>> -> memref<1x1x128xf32, #tpu.memory_space<vmem>>
        %dma_start3A_248 = tpu.memref_squeeze %dma_start3A_247 : memref<1x1x128xf32, #tpu.memory_space<vmem>> -> memref<128xf32, #tpu.memory_space<vmem>>
        %dma_start3A_249 = arith.constant 0 : i32
        %dma_start3A_250 = tpu.memref_slice %arg48[%add3A_239, %dma_start3A_244, %dma_start3A_249] : memref<34x1x128xi32, #tpu.memory_space<vmem>> -> memref<1x1x128xi32, #tpu.memory_space<vmem>>
        %dma_start3A_251 = tpu.memref_squeeze %dma_start3A_250 : memref<1x1x128xi32, #tpu.memory_space<vmem>> -> memref<128xi32, #tpu.memory_space<vmem>>
        %dma_start3A_252 = arith.constant 0 : i32
        %dma_start3A_253 = tpu.memref_slice %arg39[%dma_start3A_252] : memref<100096xf32, #tpu.memory_space<vmem_shared>> -> memref<100096xf32, #tpu.memory_space<vmem_shared>>
        tpu.enqueue_indirect_dma source(%dma_start3A_253 : memref<100096xf32, #tpu.memory_space<vmem_shared>>) target(%dma_start3A_248 : memref<128xf32, #tpu.memory_space<vmem>>) offsets(%dma_start3A_251 : memref<128xi32, #tpu.memory_space<vmem>>) semaphore(%arg55 : memref<!tpu.dma_semaphore, #tpu.memory_space<semaphore_mem>>)
        %dma_wait3A_254 = arith.constant 0 : i32
        %dma_wait3A_255 = arith.constant 0 : i32
        %dma_wait3A_256 = arith.constant 0 : i32
        %dma_wait3A_257 = tpu.memref_slice %arg50[%add3A_139, %dma_wait3A_255, %dma_wait3A_256] : memref<16x1x128xf32, #tpu.memory_space<vmem>> -> memref<1x1x128xf32, #tpu.memory_space<vmem>>
        %dma_wait3A_258 = tpu.memref_squeeze %dma_wait3A_257 : memref<1x1x128xf32, #tpu.memory_space<vmem>> -> memref<128xf32, #tpu.memory_space<vmem>>
        %dma_wait3A_259 = arith.constant 0 : i32
        %dma_wait3A_260 = tpu.memref_slice %arg48[%add3A_135, %dma_wait3A_254, %dma_wait3A_259] : memref<34x1x128xi32, #tpu.memory_space<vmem>> -> memref<1x1x128xi32, #tpu.memory_space<vmem>>
        %dma_wait3A_261 = tpu.memref_squeeze %dma_wait3A_260 : memref<1x1x128xi32, #tpu.memory_space<vmem>> -> memref<128xi32, #tpu.memory_space<vmem>>
        %dma_wait3A_262 = arith.constant 0 : i32
        %dma_wait3A_263 = tpu.memref_slice %arg32[%dma_wait3A_262] : memref<100096xf32, #tpu.memory_space<vmem_shared>> -> memref<100096xf32, #tpu.memory_space<vmem_shared>>
        tpu.wait_indirect_dma semaphore(%arg55 : memref<!tpu.dma_semaphore, #tpu.memory_space<semaphore_mem>>) src(%dma_wait3A_263 : memref<100096xf32, #tpu.memory_space<vmem_shared>>) dst(%dma_wait3A_258 : memref<128xf32, #tpu.memory_space<vmem>>)
        %dma_wait3A_264 = arith.constant 0 : i32
        %dma_wait3A_265 = arith.constant 0 : i32
        %dma_wait3A_266 = arith.constant 0 : i32
        %dma_wait3A_267 = tpu.memref_slice %arg50[%add3A_153, %dma_wait3A_265, %dma_wait3A_266] : memref<16x1x128xf32, #tpu.memory_space<vmem>> -> memref<1x1x128xf32, #tpu.memory_space<vmem>>
        %dma_wait3A_268 = tpu.memref_squeeze %dma_wait3A_267 : memref<1x1x128xf32, #tpu.memory_space<vmem>> -> memref<128xf32, #tpu.memory_space<vmem>>
        %dma_wait3A_269 = arith.constant 0 : i32
        %dma_wait3A_270 = tpu.memref_slice %arg48[%add3A_149, %dma_wait3A_264, %dma_wait3A_269] : memref<34x1x128xi32, #tpu.memory_space<vmem>> -> memref<1x1x128xi32, #tpu.memory_space<vmem>>
        %dma_wait3A_271 = tpu.memref_squeeze %dma_wait3A_270 : memref<1x1x128xi32, #tpu.memory_space<vmem>> -> memref<128xi32, #tpu.memory_space<vmem>>
        %dma_wait3A_272 = arith.constant 0 : i32
        %dma_wait3A_273 = tpu.memref_slice %arg33[%dma_wait3A_272] : memref<100096xf32, #tpu.memory_space<vmem_shared>> -> memref<100096xf32, #tpu.memory_space<vmem_shared>>
        tpu.wait_indirect_dma semaphore(%arg55 : memref<!tpu.dma_semaphore, #tpu.memory_space<semaphore_mem>>) src(%dma_wait3A_273 : memref<100096xf32, #tpu.memory_space<vmem_shared>>) dst(%dma_wait3A_268 : memref<128xf32, #tpu.memory_space<vmem>>)
        %dma_wait3A_274 = arith.constant 0 : i32
        %dma_wait3A_275 = arith.constant 0 : i32
        %dma_wait3A_276 = arith.constant 0 : i32
        %dma_wait3A_277 = tpu.memref_slice %arg50[%add3A_168, %dma_wait3A_275, %dma_wait3A_276] : memref<16x1x128xf32, #tpu.memory_space<vmem>> -> memref<1x1x128xf32, #tpu.memory_space<vmem>>
        %dma_wait3A_278 = tpu.memref_squeeze %dma_wait3A_277 : memref<1x1x128xf32, #tpu.memory_space<vmem>> -> memref<128xf32, #tpu.memory_space<vmem>>
        %dma_wait3A_279 = arith.constant 0 : i32
        %dma_wait3A_280 = tpu.memref_slice %arg48[%add3A_164, %dma_wait3A_274, %dma_wait3A_279] : memref<34x1x128xi32, #tpu.memory_space<vmem>> -> memref<1x1x128xi32, #tpu.memory_space<vmem>>
        %dma_wait3A_281 = tpu.memref_squeeze %dma_wait3A_280 : memref<1x1x128xi32, #tpu.memory_space<vmem>> -> memref<128xi32, #tpu.memory_space<vmem>>
        %dma_wait3A_282 = arith.constant 0 : i32
        %dma_wait3A_283 = tpu.memref_slice %arg34[%dma_wait3A_282] : memref<100096xf32, #tpu.memory_space<vmem_shared>> -> memref<100096xf32, #tpu.memory_space<vmem_shared>>
        tpu.wait_indirect_dma semaphore(%arg55 : memref<!tpu.dma_semaphore, #tpu.memory_space<semaphore_mem>>) src(%dma_wait3A_283 : memref<100096xf32, #tpu.memory_space<vmem_shared>>) dst(%dma_wait3A_278 : memref<128xf32, #tpu.memory_space<vmem>>)
        %dma_wait3A_284 = arith.constant 0 : i32
        %dma_wait3A_285 = arith.constant 0 : i32
        %dma_wait3A_286 = arith.constant 0 : i32
        %dma_wait3A_287 = tpu.memref_slice %arg50[%add3A_183, %dma_wait3A_285, %dma_wait3A_286] : memref<16x1x128xf32, #tpu.memory_space<vmem>> -> memref<1x1x128xf32, #tpu.memory_space<vmem>>
        %dma_wait3A_288 = tpu.memref_squeeze %dma_wait3A_287 : memref<1x1x128xf32, #tpu.memory_space<vmem>> -> memref<128xf32, #tpu.memory_space<vmem>>
        %dma_wait3A_289 = arith.constant 0 : i32
        %dma_wait3A_290 = tpu.memref_slice %arg48[%add3A_179, %dma_wait3A_284, %dma_wait3A_289] : memref<34x1x128xi32, #tpu.memory_space<vmem>> -> memref<1x1x128xi32, #tpu.memory_space<vmem>>
        %dma_wait3A_291 = tpu.memref_squeeze %dma_wait3A_290 : memref<1x1x128xi32, #tpu.memory_space<vmem>> -> memref<128xi32, #tpu.memory_space<vmem>>
        %dma_wait3A_292 = arith.constant 0 : i32
        %dma_wait3A_293 = tpu.memref_slice %arg35[%dma_wait3A_292] : memref<100096xf32, #tpu.memory_space<vmem_shared>> -> memref<100096xf32, #tpu.memory_space<vmem_shared>>
        tpu.wait_indirect_dma semaphore(%arg55 : memref<!tpu.dma_semaphore, #tpu.memory_space<semaphore_mem>>) src(%dma_wait3A_293 : memref<100096xf32, #tpu.memory_space<vmem_shared>>) dst(%dma_wait3A_288 : memref<128xf32, #tpu.memory_space<vmem>>)
        %dma_wait3A_294 = arith.constant 0 : i32
        %dma_wait3A_295 = arith.constant 0 : i32
        %dma_wait3A_296 = arith.constant 0 : i32
        %dma_wait3A_297 = tpu.memref_slice %arg50[%add3A_198, %dma_wait3A_295, %dma_wait3A_296] : memref<16x1x128xf32, #tpu.memory_space<vmem>> -> memref<1x1x128xf32, #tpu.memory_space<vmem>>
        %dma_wait3A_298 = tpu.memref_squeeze %dma_wait3A_297 : memref<1x1x128xf32, #tpu.memory_space<vmem>> -> memref<128xf32, #tpu.memory_space<vmem>>
        %dma_wait3A_299 = arith.constant 0 : i32
        %dma_wait3A_300 = tpu.memref_slice %arg48[%add3A_194, %dma_wait3A_294, %dma_wait3A_299] : memref<34x1x128xi32, #tpu.memory_space<vmem>> -> memref<1x1x128xi32, #tpu.memory_space<vmem>>
        %dma_wait3A_301 = tpu.memref_squeeze %dma_wait3A_300 : memref<1x1x128xi32, #tpu.memory_space<vmem>> -> memref<128xi32, #tpu.memory_space<vmem>>
        %dma_wait3A_302 = arith.constant 0 : i32
        %dma_wait3A_303 = tpu.memref_slice %arg36[%dma_wait3A_302] : memref<100096xf32, #tpu.memory_space<vmem_shared>> -> memref<100096xf32, #tpu.memory_space<vmem_shared>>
        tpu.wait_indirect_dma semaphore(%arg55 : memref<!tpu.dma_semaphore, #tpu.memory_space<semaphore_mem>>) src(%dma_wait3A_303 : memref<100096xf32, #tpu.memory_space<vmem_shared>>) dst(%dma_wait3A_298 : memref<128xf32, #tpu.memory_space<vmem>>)
        %dma_wait3A_304 = arith.constant 0 : i32
        %dma_wait3A_305 = arith.constant 0 : i32
        %dma_wait3A_306 = arith.constant 0 : i32
        %dma_wait3A_307 = tpu.memref_slice %arg50[%add3A_213, %dma_wait3A_305, %dma_wait3A_306] : memref<16x1x128xf32, #tpu.memory_space<vmem>> -> memref<1x1x128xf32, #tpu.memory_space<vmem>>
        %dma_wait3A_308 = tpu.memref_squeeze %dma_wait3A_307 : memref<1x1x128xf32, #tpu.memory_space<vmem>> -> memref<128xf32, #tpu.memory_space<vmem>>
        %dma_wait3A_309 = arith.constant 0 : i32
        %dma_wait3A_310 = tpu.memref_slice %arg48[%add3A_209, %dma_wait3A_304, %dma_wait3A_309] : memref<34x1x128xi32, #tpu.memory_space<vmem>> -> memref<1x1x128xi32, #tpu.memory_space<vmem>>
        %dma_wait3A_311 = tpu.memref_squeeze %dma_wait3A_310 : memref<1x1x128xi32, #tpu.memory_space<vmem>> -> memref<128xi32, #tpu.memory_space<vmem>>
        %dma_wait3A_312 = arith.constant 0 : i32
        %dma_wait3A_313 = tpu.memref_slice %arg37[%dma_wait3A_312] : memref<100096xf32, #tpu.memory_space<vmem_shared>> -> memref<100096xf32, #tpu.memory_space<vmem_shared>>
        tpu.wait_indirect_dma semaphore(%arg55 : memref<!tpu.dma_semaphore, #tpu.memory_space<semaphore_mem>>) src(%dma_wait3A_313 : memref<100096xf32, #tpu.memory_space<vmem_shared>>) dst(%dma_wait3A_308 : memref<128xf32, #tpu.memory_space<vmem>>)
        %dma_wait3A_314 = arith.constant 0 : i32
        %dma_wait3A_315 = arith.constant 0 : i32
        %dma_wait3A_316 = arith.constant 0 : i32
        %dma_wait3A_317 = tpu.memref_slice %arg50[%add3A_228, %dma_wait3A_315, %dma_wait3A_316] : memref<16x1x128xf32, #tpu.memory_space<vmem>> -> memref<1x1x128xf32, #tpu.memory_space<vmem>>
        %dma_wait3A_318 = tpu.memref_squeeze %dma_wait3A_317 : memref<1x1x128xf32, #tpu.memory_space<vmem>> -> memref<128xf32, #tpu.memory_space<vmem>>
        %dma_wait3A_319 = arith.constant 0 : i32
        %dma_wait3A_320 = tpu.memref_slice %arg48[%add3A_224, %dma_wait3A_314, %dma_wait3A_319] : memref<34x1x128xi32, #tpu.memory_space<vmem>> -> memref<1x1x128xi32, #tpu.memory_space<vmem>>
        %dma_wait3A_321 = tpu.memref_squeeze %dma_wait3A_320 : memref<1x1x128xi32, #tpu.memory_space<vmem>> -> memref<128xi32, #tpu.memory_space<vmem>>
        %dma_wait3A_322 = arith.constant 0 : i32
        %dma_wait3A_323 = tpu.memref_slice %arg38[%dma_wait3A_322] : memref<100096xf32, #tpu.memory_space<vmem_shared>> -> memref<100096xf32, #tpu.memory_space<vmem_shared>>
        tpu.wait_indirect_dma semaphore(%arg55 : memref<!tpu.dma_semaphore, #tpu.memory_space<semaphore_mem>>) src(%dma_wait3A_323 : memref<100096xf32, #tpu.memory_space<vmem_shared>>) dst(%dma_wait3A_318 : memref<128xf32, #tpu.memory_space<vmem>>)
        %dma_wait3A_324 = arith.constant 0 : i32
        %dma_wait3A_325 = arith.constant 0 : i32
        %dma_wait3A_326 = arith.constant 0 : i32
        %dma_wait3A_327 = tpu.memref_slice %arg50[%add3A_243, %dma_wait3A_325, %dma_wait3A_326] : memref<16x1x128xf32, #tpu.memory_space<vmem>> -> memref<1x1x128xf32, #tpu.memory_space<vmem>>
        %dma_wait3A_328 = tpu.memref_squeeze %dma_wait3A_327 : memref<1x1x128xf32, #tpu.memory_space<vmem>> -> memref<128xf32, #tpu.memory_space<vmem>>
        %dma_wait3A_329 = arith.constant 0 : i32
        %dma_wait3A_330 = tpu.memref_slice %arg48[%add3A_239, %dma_wait3A_324, %dma_wait3A_329] : memref<34x1x128xi32, #tpu.memory_space<vmem>> -> memref<1x1x128xi32, #tpu.memory_space<vmem>>
        %dma_wait3A_331 = tpu.memref_squeeze %dma_wait3A_330 : memref<1x1x128xi32, #tpu.memory_space<vmem>> -> memref<128xi32, #tpu.memory_space<vmem>>
        %dma_wait3A_332 = arith.constant 0 : i32
        %dma_wait3A_333 = tpu.memref_slice %arg39[%dma_wait3A_332] : memref<100096xf32, #tpu.memory_space<vmem_shared>> -> memref<100096xf32, #tpu.memory_space<vmem_shared>>
        tpu.wait_indirect_dma semaphore(%arg55 : memref<!tpu.dma_semaphore, #tpu.memory_space<semaphore_mem>>) src(%dma_wait3A_333 : memref<100096xf32, #tpu.memory_space<vmem_shared>>) dst(%dma_wait3A_328 : memref<128xf32, #tpu.memory_space<vmem>>)
        %mul3A_334 = arith.constant 8 : i32
        %mul3A_335 = arith.muli %rem3A_130, %mul3A_334 : i32
        %add3A_336 = arith.constant 0 : i32
        %add3A_337 = arith.addi %mul3A_335, %add3A_336 : i32
        %add3A_338 = arith.addi %mul3A_116, %scan3A_124 : i32
        %dma_start3A_339 = arith.constant 0 : i32
        %dma_start3A_340 = arith.constant 0 : i32
        %dma_start3A_341 = arith.constant 0 : i32
        %dma_start3A_342 = tpu.memref_slice %arg50[%add3A_337, %dma_start3A_339, %dma_start3A_341] : memref<16x1x128xf32, #tpu.memory_space<vmem>> -> memref<1x1x128xf32, #tpu.memory_space<vmem>>
        %dma_start3A_343 = tpu.memref_squeeze %dma_start3A_342 : memref<1x1x128xf32, #tpu.memory_space<vmem>> -> memref<128xf32, #tpu.memory_space<vmem>>
        %dma_start3A_344 = arith.constant 0 : i32
        %dma_start3A_345 = tpu.memref_slice %arg49[%add3A_338, %dma_start3A_340, %dma_start3A_344] : memref<34x1x128xi32, #tpu.memory_space<vmem>> -> memref<1x1x128xi32, #tpu.memory_space<vmem>>
        %dma_start3A_346 = tpu.memref_squeeze %dma_start3A_345 : memref<1x1x128xi32, #tpu.memory_space<vmem>> -> memref<128xi32, #tpu.memory_space<vmem>>
        %dma_start3A_347 = arith.constant 0 : i32
        %dma_start3A_348 = tpu.memref_slice %arg40[%dma_start3A_347] : memref<100096xf32, #tpu.memory_space<vmem_shared>> -> memref<100096xf32, #tpu.memory_space<vmem_shared>>
        tpu.enqueue_indirect_dma source(%dma_start3A_343 : memref<128xf32, #tpu.memory_space<vmem>>) target(%dma_start3A_348 : memref<100096xf32, #tpu.memory_space<vmem_shared>>) offsets(%dma_start3A_346 : memref<128xi32, #tpu.memory_space<vmem>>) semaphore(%arg56 : memref<!tpu.dma_semaphore, #tpu.memory_space<semaphore_mem>>) {add = true}
        %mul3A_349 = arith.constant 8 : i32
        %mul3A_350 = arith.muli %rem3A_130, %mul3A_349 : i32
        %add3A_351 = arith.constant 1 : i32
        %add3A_352 = arith.addi %mul3A_350, %add3A_351 : i32
        %add3A_353 = arith.addi %mul3A_116, %scan3A_124 : i32
        %dma_start3A_354 = arith.constant 0 : i32
        %dma_start3A_355 = arith.constant 0 : i32
        %dma_start3A_356 = arith.constant 0 : i32
        %dma_start3A_357 = tpu.memref_slice %arg50[%add3A_352, %dma_start3A_354, %dma_start3A_356] : memref<16x1x128xf32, #tpu.memory_space<vmem>> -> memref<1x1x128xf32, #tpu.memory_space<vmem>>
        %dma_start3A_358 = tpu.memref_squeeze %dma_start3A_357 : memref<1x1x128xf32, #tpu.memory_space<vmem>> -> memref<128xf32, #tpu.memory_space<vmem>>
        %dma_start3A_359 = arith.constant 0 : i32
        %dma_start3A_360 = tpu.memref_slice %arg49[%add3A_353, %dma_start3A_355, %dma_start3A_359] : memref<34x1x128xi32, #tpu.memory_space<vmem>> -> memref<1x1x128xi32, #tpu.memory_space<vmem>>
        %dma_start3A_361 = tpu.memref_squeeze %dma_start3A_360 : memref<1x1x128xi32, #tpu.memory_space<vmem>> -> memref<128xi32, #tpu.memory_space<vmem>>
        %dma_start3A_362 = arith.constant 0 : i32
        %dma_start3A_363 = tpu.memref_slice %arg41[%dma_start3A_362] : memref<100096xf32, #tpu.memory_space<vmem_shared>> -> memref<100096xf32, #tpu.memory_space<vmem_shared>>
        tpu.enqueue_indirect_dma source(%dma_start3A_358 : memref<128xf32, #tpu.memory_space<vmem>>) target(%dma_start3A_363 : memref<100096xf32, #tpu.memory_space<vmem_shared>>) offsets(%dma_start3A_361 : memref<128xi32, #tpu.memory_space<vmem>>) semaphore(%arg56 : memref<!tpu.dma_semaphore, #tpu.memory_space<semaphore_mem>>) {add = true}
        %mul3A_364 = arith.constant 8 : i32
        %mul3A_365 = arith.muli %rem3A_130, %mul3A_364 : i32
        %add3A_366 = arith.constant 2 : i32
        %add3A_367 = arith.addi %mul3A_365, %add3A_366 : i32
        %add3A_368 = arith.addi %mul3A_116, %scan3A_124 : i32
        %dma_start3A_369 = arith.constant 0 : i32
        %dma_start3A_370 = arith.constant 0 : i32
        %dma_start3A_371 = arith.constant 0 : i32
        %dma_start3A_372 = tpu.memref_slice %arg50[%add3A_367, %dma_start3A_369, %dma_start3A_371] : memref<16x1x128xf32, #tpu.memory_space<vmem>> -> memref<1x1x128xf32, #tpu.memory_space<vmem>>
        %dma_start3A_373 = tpu.memref_squeeze %dma_start3A_372 : memref<1x1x128xf32, #tpu.memory_space<vmem>> -> memref<128xf32, #tpu.memory_space<vmem>>
        %dma_start3A_374 = arith.constant 0 : i32
        %dma_start3A_375 = tpu.memref_slice %arg49[%add3A_368, %dma_start3A_370, %dma_start3A_374] : memref<34x1x128xi32, #tpu.memory_space<vmem>> -> memref<1x1x128xi32, #tpu.memory_space<vmem>>
        %dma_start3A_376 = tpu.memref_squeeze %dma_start3A_375 : memref<1x1x128xi32, #tpu.memory_space<vmem>> -> memref<128xi32, #tpu.memory_space<vmem>>
        %dma_start3A_377 = arith.constant 0 : i32
        %dma_start3A_378 = tpu.memref_slice %arg42[%dma_start3A_377] : memref<100096xf32, #tpu.memory_space<vmem_shared>> -> memref<100096xf32, #tpu.memory_space<vmem_shared>>
        tpu.enqueue_indirect_dma source(%dma_start3A_373 : memref<128xf32, #tpu.memory_space<vmem>>) target(%dma_start3A_378 : memref<100096xf32, #tpu.memory_space<vmem_shared>>) offsets(%dma_start3A_376 : memref<128xi32, #tpu.memory_space<vmem>>) semaphore(%arg56 : memref<!tpu.dma_semaphore, #tpu.memory_space<semaphore_mem>>) {add = true}
        %mul3A_379 = arith.constant 8 : i32
        %mul3A_380 = arith.muli %rem3A_130, %mul3A_379 : i32
        %add3A_381 = arith.constant 3 : i32
        %add3A_382 = arith.addi %mul3A_380, %add3A_381 : i32
        %add3A_383 = arith.addi %mul3A_116, %scan3A_124 : i32
        %dma_start3A_384 = arith.constant 0 : i32
        %dma_start3A_385 = arith.constant 0 : i32
        %dma_start3A_386 = arith.constant 0 : i32
        %dma_start3A_387 = tpu.memref_slice %arg50[%add3A_382, %dma_start3A_384, %dma_start3A_386] : memref<16x1x128xf32, #tpu.memory_space<vmem>> -> memref<1x1x128xf32, #tpu.memory_space<vmem>>
        %dma_start3A_388 = tpu.memref_squeeze %dma_start3A_387 : memref<1x1x128xf32, #tpu.memory_space<vmem>> -> memref<128xf32, #tpu.memory_space<vmem>>
        %dma_start3A_389 = arith.constant 0 : i32
        %dma_start3A_390 = tpu.memref_slice %arg49[%add3A_383, %dma_start3A_385, %dma_start3A_389] : memref<34x1x128xi32, #tpu.memory_space<vmem>> -> memref<1x1x128xi32, #tpu.memory_space<vmem>>
        %dma_start3A_391 = tpu.memref_squeeze %dma_start3A_390 : memref<1x1x128xi32, #tpu.memory_space<vmem>> -> memref<128xi32, #tpu.memory_space<vmem>>
        %dma_start3A_392 = arith.constant 0 : i32
        %dma_start3A_393 = tpu.memref_slice %arg43[%dma_start3A_392] : memref<100096xf32, #tpu.memory_space<vmem_shared>> -> memref<100096xf32, #tpu.memory_space<vmem_shared>>
        tpu.enqueue_indirect_dma source(%dma_start3A_388 : memref<128xf32, #tpu.memory_space<vmem>>) target(%dma_start3A_393 : memref<100096xf32, #tpu.memory_space<vmem_shared>>) offsets(%dma_start3A_391 : memref<128xi32, #tpu.memory_space<vmem>>) semaphore(%arg56 : memref<!tpu.dma_semaphore, #tpu.memory_space<semaphore_mem>>) {add = true}
        %mul3A_394 = arith.constant 8 : i32
        %mul3A_395 = arith.muli %rem3A_130, %mul3A_394 : i32
        %add3A_396 = arith.constant 4 : i32
        %add3A_397 = arith.addi %mul3A_395, %add3A_396 : i32
        %add3A_398 = arith.addi %mul3A_116, %scan3A_124 : i32
        %dma_start3A_399 = arith.constant 0 : i32
        %dma_start3A_400 = arith.constant 0 : i32
        %dma_start3A_401 = arith.constant 0 : i32
        %dma_start3A_402 = tpu.memref_slice %arg50[%add3A_397, %dma_start3A_399, %dma_start3A_401] : memref<16x1x128xf32, #tpu.memory_space<vmem>> -> memref<1x1x128xf32, #tpu.memory_space<vmem>>
        %dma_start3A_403 = tpu.memref_squeeze %dma_start3A_402 : memref<1x1x128xf32, #tpu.memory_space<vmem>> -> memref<128xf32, #tpu.memory_space<vmem>>
        %dma_start3A_404 = arith.constant 0 : i32
        %dma_start3A_405 = tpu.memref_slice %arg49[%add3A_398, %dma_start3A_400, %dma_start3A_404] : memref<34x1x128xi32, #tpu.memory_space<vmem>> -> memref<1x1x128xi32, #tpu.memory_space<vmem>>
        %dma_start3A_406 = tpu.memref_squeeze %dma_start3A_405 : memref<1x1x128xi32, #tpu.memory_space<vmem>> -> memref<128xi32, #tpu.memory_space<vmem>>
        %dma_start3A_407 = arith.constant 0 : i32
        %dma_start3A_408 = tpu.memref_slice %arg44[%dma_start3A_407] : memref<100096xf32, #tpu.memory_space<vmem_shared>> -> memref<100096xf32, #tpu.memory_space<vmem_shared>>
        tpu.enqueue_indirect_dma source(%dma_start3A_403 : memref<128xf32, #tpu.memory_space<vmem>>) target(%dma_start3A_408 : memref<100096xf32, #tpu.memory_space<vmem_shared>>) offsets(%dma_start3A_406 : memref<128xi32, #tpu.memory_space<vmem>>) semaphore(%arg56 : memref<!tpu.dma_semaphore, #tpu.memory_space<semaphore_mem>>) {add = true}
        %mul3A_409 = arith.constant 8 : i32
        %mul3A_410 = arith.muli %rem3A_130, %mul3A_409 : i32
        %add3A_411 = arith.constant 5 : i32
        %add3A_412 = arith.addi %mul3A_410, %add3A_411 : i32
        %add3A_413 = arith.addi %mul3A_116, %scan3A_124 : i32
        %dma_start3A_414 = arith.constant 0 : i32
        %dma_start3A_415 = arith.constant 0 : i32
        %dma_start3A_416 = arith.constant 0 : i32
        %dma_start3A_417 = tpu.memref_slice %arg50[%add3A_412, %dma_start3A_414, %dma_start3A_416] : memref<16x1x128xf32, #tpu.memory_space<vmem>> -> memref<1x1x128xf32, #tpu.memory_space<vmem>>
        %dma_start3A_418 = tpu.memref_squeeze %dma_start3A_417 : memref<1x1x128xf32, #tpu.memory_space<vmem>> -> memref<128xf32, #tpu.memory_space<vmem>>
        %dma_start3A_419 = arith.constant 0 : i32
        %dma_start3A_420 = tpu.memref_slice %arg49[%add3A_413, %dma_start3A_415, %dma_start3A_419] : memref<34x1x128xi32, #tpu.memory_space<vmem>> -> memref<1x1x128xi32, #tpu.memory_space<vmem>>
        %dma_start3A_421 = tpu.memref_squeeze %dma_start3A_420 : memref<1x1x128xi32, #tpu.memory_space<vmem>> -> memref<128xi32, #tpu.memory_space<vmem>>
        %dma_start3A_422 = arith.constant 0 : i32
        %dma_start3A_423 = tpu.memref_slice %arg45[%dma_start3A_422] : memref<100096xf32, #tpu.memory_space<vmem_shared>> -> memref<100096xf32, #tpu.memory_space<vmem_shared>>
        tpu.enqueue_indirect_dma source(%dma_start3A_418 : memref<128xf32, #tpu.memory_space<vmem>>) target(%dma_start3A_423 : memref<100096xf32, #tpu.memory_space<vmem_shared>>) offsets(%dma_start3A_421 : memref<128xi32, #tpu.memory_space<vmem>>) semaphore(%arg56 : memref<!tpu.dma_semaphore, #tpu.memory_space<semaphore_mem>>) {add = true}
        %mul3A_424 = arith.constant 8 : i32
        %mul3A_425 = arith.muli %rem3A_130, %mul3A_424 : i32
        %add3A_426 = arith.constant 6 : i32
        %add3A_427 = arith.addi %mul3A_425, %add3A_426 : i32
        %add3A_428 = arith.addi %mul3A_116, %scan3A_124 : i32
        %dma_start3A_429 = arith.constant 0 : i32
        %dma_start3A_430 = arith.constant 0 : i32
        %dma_start3A_431 = arith.constant 0 : i32
        %dma_start3A_432 = tpu.memref_slice %arg50[%add3A_427, %dma_start3A_429, %dma_start3A_431] : memref<16x1x128xf32, #tpu.memory_space<vmem>> -> memref<1x1x128xf32, #tpu.memory_space<vmem>>
        %dma_start3A_433 = tpu.memref_squeeze %dma_start3A_432 : memref<1x1x128xf32, #tpu.memory_space<vmem>> -> memref<128xf32, #tpu.memory_space<vmem>>
        %dma_start3A_434 = arith.constant 0 : i32
        %dma_start3A_435 = tpu.memref_slice %arg49[%add3A_428, %dma_start3A_430, %dma_start3A_434] : memref<34x1x128xi32, #tpu.memory_space<vmem>> -> memref<1x1x128xi32, #tpu.memory_space<vmem>>
        %dma_start3A_436 = tpu.memref_squeeze %dma_start3A_435 : memref<1x1x128xi32, #tpu.memory_space<vmem>> -> memref<128xi32, #tpu.memory_space<vmem>>
        %dma_start3A_437 = arith.constant 0 : i32
        %dma_start3A_438 = tpu.memref_slice %arg46[%dma_start3A_437] : memref<100096xf32, #tpu.memory_space<vmem_shared>> -> memref<100096xf32, #tpu.memory_space<vmem_shared>>
        tpu.enqueue_indirect_dma source(%dma_start3A_433 : memref<128xf32, #tpu.memory_space<vmem>>) target(%dma_start3A_438 : memref<100096xf32, #tpu.memory_space<vmem_shared>>) offsets(%dma_start3A_436 : memref<128xi32, #tpu.memory_space<vmem>>) semaphore(%arg56 : memref<!tpu.dma_semaphore, #tpu.memory_space<semaphore_mem>>) {add = true}
        %mul3A_439 = arith.constant 8 : i32
        %mul3A_440 = arith.muli %rem3A_130, %mul3A_439 : i32
        %add3A_441 = arith.constant 7 : i32
        %add3A_442 = arith.addi %mul3A_440, %add3A_441 : i32
        %add3A_443 = arith.addi %mul3A_116, %scan3A_124 : i32
        %dma_start3A_444 = arith.constant 0 : i32
        %dma_start3A_445 = arith.constant 0 : i32
        %dma_start3A_446 = arith.constant 0 : i32
        %dma_start3A_447 = tpu.memref_slice %arg50[%add3A_442, %dma_start3A_444, %dma_start3A_446] : memref<16x1x128xf32, #tpu.memory_space<vmem>> -> memref<1x1x128xf32, #tpu.memory_space<vmem>>
        %dma_start3A_448 = tpu.memref_squeeze %dma_start3A_447 : memref<1x1x128xf32, #tpu.memory_space<vmem>> -> memref<128xf32, #tpu.memory_space<vmem>>
        %dma_start3A_449 = arith.constant 0 : i32
        %dma_start3A_450 = tpu.memref_slice %arg49[%add3A_443, %dma_start3A_445, %dma_start3A_449] : memref<34x1x128xi32, #tpu.memory_space<vmem>> -> memref<1x1x128xi32, #tpu.memory_space<vmem>>
        %dma_start3A_451 = tpu.memref_squeeze %dma_start3A_450 : memref<1x1x128xi32, #tpu.memory_space<vmem>> -> memref<128xi32, #tpu.memory_space<vmem>>
        %dma_start3A_452 = arith.constant 0 : i32
        %dma_start3A_453 = tpu.memref_slice %arg47[%dma_start3A_452] : memref<100096xf32, #tpu.memory_space<vmem_shared>> -> memref<100096xf32, #tpu.memory_space<vmem_shared>>
        tpu.enqueue_indirect_dma source(%dma_start3A_448 : memref<128xf32, #tpu.memory_space<vmem>>) target(%dma_start3A_453 : memref<100096xf32, #tpu.memory_space<vmem_shared>>) offsets(%dma_start3A_451 : memref<128xi32, #tpu.memory_space<vmem>>) semaphore(%arg56 : memref<!tpu.dma_semaphore, #tpu.memory_space<semaphore_mem>>) {add = true}
        %scan3A_454 = arith.constant 0 : i32
        scf.yield %scan3A_454 : i32
      }
      %scan3A_123 = arith.constant 17 : i32
      scf.yield %scan3A_122 : i32
    }
    %scan3A_83 = arith.constant 184 : i32
    %dma_wait3A = arith.constant 0 : i32
    %dma_wait3A_84 = arith.constant 0 : i32
    %dma_wait3A_85 = arith.constant 0 : i32
    %dma_wait3A_86 = tpu.memref_slice %arg50[%dma_wait3A, %dma_wait3A_84, %dma_wait3A_85] : memref<16x1x128xf32, #tpu.memory_space<vmem>> -> memref<8x1x128xf32, #tpu.memory_space<vmem>>
    %dma_wait3A_87 = arith.constant 0 : i32
    %dma_wait3A_88 = arith.constant 0 : i32
    %dma_wait3A_89 = arith.constant 0 : i32
    %dma_wait3A_90 = tpu.memref_slice %arg50[%dma_wait3A_87, %dma_wait3A_88, %dma_wait3A_89] : memref<16x1x128xf32, #tpu.memory_space<vmem>> -> memref<8x1x128xf32, #tpu.memory_space<vmem>>
    tpu.wait_dma2 semaphore(%arg56 : memref<!tpu.dma_semaphore, #tpu.memory_space<semaphore_mem>>) src(%arg13 : memref<8x1x128xf32, #tpu.memory_space<hbm>>) dst(%dma_wait3A_90 : memref<8x1x128xf32, #tpu.memory_space<vmem>>)
    %dma_wait3A_91 = arith.constant 0 : i32
    %dma_wait3A_92 = arith.constant 0 : i32
    %dma_wait3A_93 = arith.constant 0 : i32
    %dma_wait3A_94 = tpu.memref_slice %arg50[%dma_wait3A_91, %dma_wait3A_92, %dma_wait3A_93] : memref<16x1x128xf32, #tpu.memory_space<vmem>> -> memref<8x1x128xf32, #tpu.memory_space<vmem>>
    %dma_wait3A_95 = arith.constant 0 : i32
    %dma_wait3A_96 = arith.constant 0 : i32
    %dma_wait3A_97 = arith.constant 0 : i32
    %dma_wait3A_98 = tpu.memref_slice %arg50[%dma_wait3A_95, %dma_wait3A_96, %dma_wait3A_97] : memref<16x1x128xf32, #tpu.memory_space<vmem>> -> memref<8x1x128xf32, #tpu.memory_space<vmem>>
    tpu.wait_dma2 semaphore(%arg56 : memref<!tpu.dma_semaphore, #tpu.memory_space<semaphore_mem>>) src(%arg13 : memref<8x1x128xf32, #tpu.memory_space<hbm>>) dst(%dma_wait3A_98 : memref<8x1x128xf32, #tpu.memory_space<vmem>>)
    %barrier3A_99 = arith.constant 0 : index
    tpu.barrier barrier_id(%barrier3A_99)
    %eq3A_100 = arith.constant 0 : i32
    %eq3A_101 = arith.cmpi eq, %arg0, %eq3A_100 : i32
    %convert_element_type3A_102 = arith.extui %eq3A_101 : i1 to i32
    %cond3A_103 = arith.constant 0 : i32
    %cond3A_104 = arith.cmpi ne, %convert_element_type3A_102, %cond3A_103 : i32
    scf.if %cond3A_104 {
      "tpu.region"() ({
        %run_scoped3A = tpu.sem_alloc : memref<!tpu.dma_semaphore, #tpu.memory_space<semaphore_mem>>
        %dma_start3A = tpu.memref_slice %arg40[%mul3A_0] : memref<100096xf32, #tpu.memory_space<vmem_shared>> -> memref<6256xf32, #tpu.memory_space<vmem_shared>>
        %dma_start3A_110 = tpu.memref_slice %arg40[%mul3A_0] : memref<100096xf32, #tpu.memory_space<vmem_shared>> -> memref<6256xf32, #tpu.memory_space<vmem_shared>>
        tpu.enqueue_dma source(%dma_start3A_110 : memref<6256xf32, #tpu.memory_space<vmem_shared>>) target(%arg52 : memref<6256xf32, #tpu.memory_space<vmem>>) target_semaphore(%run_scoped3A : memref<!tpu.dma_semaphore, #tpu.memory_space<semaphore_mem>>)
        %dma_wait3A_111 = tpu.memref_slice %arg40[%mul3A_0] : memref<100096xf32, #tpu.memory_space<vmem_shared>> -> memref<6256xf32, #tpu.memory_space<vmem_shared>>
        %dma_wait3A_112 = tpu.memref_slice %arg40[%mul3A_0] : memref<100096xf32, #tpu.memory_space<vmem_shared>> -> memref<6256xf32, #tpu.memory_space<vmem_shared>>
        tpu.wait_dma2 semaphore(%run_scoped3A : memref<!tpu.dma_semaphore, #tpu.memory_space<semaphore_mem>>) src(%dma_wait3A_112 : memref<6256xf32, #tpu.memory_space<vmem_shared>>) dst(%arg52 : memref<6256xf32, #tpu.memory_space<vmem>>)
        tpu.yield
      }) : () -> ()
      "tpu.region"() ({
        %run_scoped3A = tpu.sem_alloc : memref<!tpu.dma_semaphore, #tpu.memory_space<semaphore_mem>>
        %dma_start3A = tpu.memref_slice %arg14[%mul3A_0] : memref<100096xf32, #tpu.memory_space<hbm>> -> memref<6256xf32, #tpu.memory_space<hbm>>
        %dma_start3A_110 = tpu.memref_slice %arg14[%mul3A_0] : memref<100096xf32, #tpu.memory_space<hbm>> -> memref<6256xf32, #tpu.memory_space<hbm>>
        tpu.enqueue_dma source(%arg52 : memref<6256xf32, #tpu.memory_space<vmem>>) target(%dma_start3A_110 : memref<6256xf32, #tpu.memory_space<hbm>>) target_semaphore(%run_scoped3A : memref<!tpu.dma_semaphore, #tpu.memory_space<semaphore_mem>>)
        %dma_wait3A_111 = tpu.memref_slice %arg14[%mul3A_0] : memref<100096xf32, #tpu.memory_space<hbm>> -> memref<6256xf32, #tpu.memory_space<hbm>>
        %dma_wait3A_112 = tpu.memref_slice %arg14[%mul3A_0] : memref<100096xf32, #tpu.memory_space<hbm>> -> memref<6256xf32, #tpu.memory_space<hbm>>
        tpu.wait_dma2 semaphore(%run_scoped3A : memref<!tpu.dma_semaphore, #tpu.memory_space<semaphore_mem>>) src(%arg52 : memref<6256xf32, #tpu.memory_space<vmem>>) dst(%dma_wait3A_112 : memref<6256xf32, #tpu.memory_space<hbm>>)
        tpu.yield
      }) : () -> ()
      "tpu.region"() ({
        %run_scoped3A = tpu.sem_alloc : memref<!tpu.dma_semaphore, #tpu.memory_space<semaphore_mem>>
        %dma_start3A = tpu.memref_slice %arg41[%mul3A_0] : memref<100096xf32, #tpu.memory_space<vmem_shared>> -> memref<6256xf32, #tpu.memory_space<vmem_shared>>
        %dma_start3A_110 = tpu.memref_slice %arg41[%mul3A_0] : memref<100096xf32, #tpu.memory_space<vmem_shared>> -> memref<6256xf32, #tpu.memory_space<vmem_shared>>
        tpu.enqueue_dma source(%dma_start3A_110 : memref<6256xf32, #tpu.memory_space<vmem_shared>>) target(%arg52 : memref<6256xf32, #tpu.memory_space<vmem>>) target_semaphore(%run_scoped3A : memref<!tpu.dma_semaphore, #tpu.memory_space<semaphore_mem>>)
        %dma_wait3A_111 = tpu.memref_slice %arg41[%mul3A_0] : memref<100096xf32, #tpu.memory_space<vmem_shared>> -> memref<6256xf32, #tpu.memory_space<vmem_shared>>
        %dma_wait3A_112 = tpu.memref_slice %arg41[%mul3A_0] : memref<100096xf32, #tpu.memory_space<vmem_shared>> -> memref<6256xf32, #tpu.memory_space<vmem_shared>>
        tpu.wait_dma2 semaphore(%run_scoped3A : memref<!tpu.dma_semaphore, #tpu.memory_space<semaphore_mem>>) src(%dma_wait3A_112 : memref<6256xf32, #tpu.memory_space<vmem_shared>>) dst(%arg52 : memref<6256xf32, #tpu.memory_space<vmem>>)
        tpu.yield
      }) : () -> ()
      "tpu.region"() ({
        %run_scoped3A = tpu.sem_alloc : memref<!tpu.dma_semaphore, #tpu.memory_space<semaphore_mem>>
        %dma_start3A = tpu.memref_slice %arg15[%mul3A_0] : memref<100096xf32, #tpu.memory_space<hbm>> -> memref<6256xf32, #tpu.memory_space<hbm>>
        %dma_start3A_110 = tpu.memref_slice %arg15[%mul3A_0] : memref<100096xf32, #tpu.memory_space<hbm>> -> memref<6256xf32, #tpu.memory_space<hbm>>
        tpu.enqueue_dma source(%arg52 : memref<6256xf32, #tpu.memory_space<vmem>>) target(%dma_start3A_110 : memref<6256xf32, #tpu.memory_space<hbm>>) target_semaphore(%run_scoped3A : memref<!tpu.dma_semaphore, #tpu.memory_space<semaphore_mem>>)
        %dma_wait3A_111 = tpu.memref_slice %arg15[%mul3A_0] : memref<100096xf32, #tpu.memory_space<hbm>> -> memref<6256xf32, #tpu.memory_space<hbm>>
        %dma_wait3A_112 = tpu.memref_slice %arg15[%mul3A_0] : memref<100096xf32, #tpu.memory_space<hbm>> -> memref<6256xf32, #tpu.memory_space<hbm>>
        tpu.wait_dma2 semaphore(%run_scoped3A : memref<!tpu.dma_semaphore, #tpu.memory_space<semaphore_mem>>) src(%arg52 : memref<6256xf32, #tpu.memory_space<vmem>>) dst(%dma_wait3A_112 : memref<6256xf32, #tpu.memory_space<hbm>>)
        tpu.yield
      }) : () -> ()
      "tpu.region"() ({
        %run_scoped3A = tpu.sem_alloc : memref<!tpu.dma_semaphore, #tpu.memory_space<semaphore_mem>>
        %dma_start3A = tpu.memref_slice %arg42[%mul3A_0] : memref<100096xf32, #tpu.memory_space<vmem_shared>> -> memref<6256xf32, #tpu.memory_space<vmem_shared>>
        %dma_start3A_110 = tpu.memref_slice %arg42[%mul3A_0] : memref<100096xf32, #tpu.memory_space<vmem_shared>> -> memref<6256xf32, #tpu.memory_space<vmem_shared>>
        tpu.enqueue_dma source(%dma_start3A_110 : memref<6256xf32, #tpu.memory_space<vmem_shared>>) target(%arg52 : memref<6256xf32, #tpu.memory_space<vmem>>) target_semaphore(%run_scoped3A : memref<!tpu.dma_semaphore, #tpu.memory_space<semaphore_mem>>)
        %dma_wait3A_111 = tpu.memref_slice %arg42[%mul3A_0] : memref<100096xf32, #tpu.memory_space<vmem_shared>> -> memref<6256xf32, #tpu.memory_space<vmem_shared>>
        %dma_wait3A_112 = tpu.memref_slice %arg42[%mul3A_0] : memref<100096xf32, #tpu.memory_space<vmem_shared>> -> memref<6256xf32, #tpu.memory_space<vmem_shared>>
        tpu.wait_dma2 semaphore(%run_scoped3A : memref<!tpu.dma_semaphore, #tpu.memory_space<semaphore_mem>>) src(%dma_wait3A_112 : memref<6256xf32, #tpu.memory_space<vmem_shared>>) dst(%arg52 : memref<6256xf32, #tpu.memory_space<vmem>>)
        tpu.yield
      }) : () -> ()
      "tpu.region"() ({
        %run_scoped3A = tpu.sem_alloc : memref<!tpu.dma_semaphore, #tpu.memory_space<semaphore_mem>>
        %dma_start3A = tpu.memref_slice %arg16[%mul3A_0] : memref<100096xf32, #tpu.memory_space<hbm>> -> memref<6256xf32, #tpu.memory_space<hbm>>
        %dma_start3A_110 = tpu.memref_slice %arg16[%mul3A_0] : memref<100096xf32, #tpu.memory_space<hbm>> -> memref<6256xf32, #tpu.memory_space<hbm>>
        tpu.enqueue_dma source(%arg52 : memref<6256xf32, #tpu.memory_space<vmem>>) target(%dma_start3A_110 : memref<6256xf32, #tpu.memory_space<hbm>>) target_semaphore(%run_scoped3A : memref<!tpu.dma_semaphore, #tpu.memory_space<semaphore_mem>>)
        %dma_wait3A_111 = tpu.memref_slice %arg16[%mul3A_0] : memref<100096xf32, #tpu.memory_space<hbm>> -> memref<6256xf32, #tpu.memory_space<hbm>>
        %dma_wait3A_112 = tpu.memref_slice %arg16[%mul3A_0] : memref<100096xf32, #tpu.memory_space<hbm>> -> memref<6256xf32, #tpu.memory_space<hbm>>
        tpu.wait_dma2 semaphore(%run_scoped3A : memref<!tpu.dma_semaphore, #tpu.memory_space<semaphore_mem>>) src(%arg52 : memref<6256xf32, #tpu.memory_space<vmem>>) dst(%dma_wait3A_112 : memref<6256xf32, #tpu.memory_space<hbm>>)
        tpu.yield
      }) : () -> ()
      "tpu.region"() ({
        %run_scoped3A = tpu.sem_alloc : memref<!tpu.dma_semaphore, #tpu.memory_space<semaphore_mem>>
        %dma_start3A = tpu.memref_slice %arg43[%mul3A_0] : memref<100096xf32, #tpu.memory_space<vmem_shared>> -> memref<6256xf32, #tpu.memory_space<vmem_shared>>
        %dma_start3A_110 = tpu.memref_slice %arg43[%mul3A_0] : memref<100096xf32, #tpu.memory_space<vmem_shared>> -> memref<6256xf32, #tpu.memory_space<vmem_shared>>
        tpu.enqueue_dma source(%dma_start3A_110 : memref<6256xf32, #tpu.memory_space<vmem_shared>>) target(%arg52 : memref<6256xf32, #tpu.memory_space<vmem>>) target_semaphore(%run_scoped3A : memref<!tpu.dma_semaphore, #tpu.memory_space<semaphore_mem>>)
        %dma_wait3A_111 = tpu.memref_slice %arg43[%mul3A_0] : memref<100096xf32, #tpu.memory_space<vmem_shared>> -> memref<6256xf32, #tpu.memory_space<vmem_shared>>
        %dma_wait3A_112 = tpu.memref_slice %arg43[%mul3A_0] : memref<100096xf32, #tpu.memory_space<vmem_shared>> -> memref<6256xf32, #tpu.memory_space<vmem_shared>>
        tpu.wait_dma2 semaphore(%run_scoped3A : memref<!tpu.dma_semaphore, #tpu.memory_space<semaphore_mem>>) src(%dma_wait3A_112 : memref<6256xf32, #tpu.memory_space<vmem_shared>>) dst(%arg52 : memref<6256xf32, #tpu.memory_space<vmem>>)
        tpu.yield
      }) : () -> ()
      "tpu.region"() ({
        %run_scoped3A = tpu.sem_alloc : memref<!tpu.dma_semaphore, #tpu.memory_space<semaphore_mem>>
        %dma_start3A = tpu.memref_slice %arg17[%mul3A_0] : memref<100096xf32, #tpu.memory_space<hbm>> -> memref<6256xf32, #tpu.memory_space<hbm>>
        %dma_start3A_110 = tpu.memref_slice %arg17[%mul3A_0] : memref<100096xf32, #tpu.memory_space<hbm>> -> memref<6256xf32, #tpu.memory_space<hbm>>
        tpu.enqueue_dma source(%arg52 : memref<6256xf32, #tpu.memory_space<vmem>>) target(%dma_start3A_110 : memref<6256xf32, #tpu.memory_space<hbm>>) target_semaphore(%run_scoped3A : memref<!tpu.dma_semaphore, #tpu.memory_space<semaphore_mem>>)
        %dma_wait3A_111 = tpu.memref_slice %arg17[%mul3A_0] : memref<100096xf32, #tpu.memory_space<hbm>> -> memref<6256xf32, #tpu.memory_space<hbm>>
        %dma_wait3A_112 = tpu.memref_slice %arg17[%mul3A_0] : memref<100096xf32, #tpu.memory_space<hbm>> -> memref<6256xf32, #tpu.memory_space<hbm>>
        tpu.wait_dma2 semaphore(%run_scoped3A : memref<!tpu.dma_semaphore, #tpu.memory_space<semaphore_mem>>) src(%arg52 : memref<6256xf32, #tpu.memory_space<vmem>>) dst(%dma_wait3A_112 : memref<6256xf32, #tpu.memory_space<hbm>>)
        tpu.yield
      }) : () -> ()
      "tpu.region"() ({
        %run_scoped3A = tpu.sem_alloc : memref<!tpu.dma_semaphore, #tpu.memory_space<semaphore_mem>>
        %dma_start3A = tpu.memref_slice %arg44[%mul3A_0] : memref<100096xf32, #tpu.memory_space<vmem_shared>> -> memref<6256xf32, #tpu.memory_space<vmem_shared>>
        %dma_start3A_110 = tpu.memref_slice %arg44[%mul3A_0] : memref<100096xf32, #tpu.memory_space<vmem_shared>> -> memref<6256xf32, #tpu.memory_space<vmem_shared>>
        tpu.enqueue_dma source(%dma_start3A_110 : memref<6256xf32, #tpu.memory_space<vmem_shared>>) target(%arg52 : memref<6256xf32, #tpu.memory_space<vmem>>) target_semaphore(%run_scoped3A : memref<!tpu.dma_semaphore, #tpu.memory_space<semaphore_mem>>)
        %dma_wait3A_111 = tpu.memref_slice %arg44[%mul3A_0] : memref<100096xf32, #tpu.memory_space<vmem_shared>> -> memref<6256xf32, #tpu.memory_space<vmem_shared>>
        %dma_wait3A_112 = tpu.memref_slice %arg44[%mul3A_0] : memref<100096xf32, #tpu.memory_space<vmem_shared>> -> memref<6256xf32, #tpu.memory_space<vmem_shared>>
        tpu.wait_dma2 semaphore(%run_scoped3A : memref<!tpu.dma_semaphore, #tpu.memory_space<semaphore_mem>>) src(%dma_wait3A_112 : memref<6256xf32, #tpu.memory_space<vmem_shared>>) dst(%arg52 : memref<6256xf32, #tpu.memory_space<vmem>>)
        tpu.yield
      }) : () -> ()
      "tpu.region"() ({
        %run_scoped3A = tpu.sem_alloc : memref<!tpu.dma_semaphore, #tpu.memory_space<semaphore_mem>>
        %dma_start3A = tpu.memref_slice %arg18[%mul3A_0] : memref<100096xf32, #tpu.memory_space<hbm>> -> memref<6256xf32, #tpu.memory_space<hbm>>
        %dma_start3A_110 = tpu.memref_slice %arg18[%mul3A_0] : memref<100096xf32, #tpu.memory_space<hbm>> -> memref<6256xf32, #tpu.memory_space<hbm>>
        tpu.enqueue_dma source(%arg52 : memref<6256xf32, #tpu.memory_space<vmem>>) target(%dma_start3A_110 : memref<6256xf32, #tpu.memory_space<hbm>>) target_semaphore(%run_scoped3A : memref<!tpu.dma_semaphore, #tpu.memory_space<semaphore_mem>>)
        %dma_wait3A_111 = tpu.memref_slice %arg18[%mul3A_0] : memref<100096xf32, #tpu.memory_space<hbm>> -> memref<6256xf32, #tpu.memory_space<hbm>>
        %dma_wait3A_112 = tpu.memref_slice %arg18[%mul3A_0] : memref<100096xf32, #tpu.memory_space<hbm>> -> memref<6256xf32, #tpu.memory_space<hbm>>
        tpu.wait_dma2 semaphore(%run_scoped3A : memref<!tpu.dma_semaphore, #tpu.memory_space<semaphore_mem>>) src(%arg52 : memref<6256xf32, #tpu.memory_space<vmem>>) dst(%dma_wait3A_112 : memref<6256xf32, #tpu.memory_space<hbm>>)
        tpu.yield
      }) : () -> ()
      "tpu.region"() ({
        %run_scoped3A = tpu.sem_alloc : memref<!tpu.dma_semaphore, #tpu.memory_space<semaphore_mem>>
        %dma_start3A = tpu.memref_slice %arg45[%mul3A_0] : memref<100096xf32, #tpu.memory_space<vmem_shared>> -> memref<6256xf32, #tpu.memory_space<vmem_shared>>
        %dma_start3A_110 = tpu.memref_slice %arg45[%mul3A_0] : memref<100096xf32, #tpu.memory_space<vmem_shared>> -> memref<6256xf32, #tpu.memory_space<vmem_shared>>
        tpu.enqueue_dma source(%dma_start3A_110 : memref<6256xf32, #tpu.memory_space<vmem_shared>>) target(%arg52 : memref<6256xf32, #tpu.memory_space<vmem>>) target_semaphore(%run_scoped3A : memref<!tpu.dma_semaphore, #tpu.memory_space<semaphore_mem>>)
        %dma_wait3A_111 = tpu.memref_slice %arg45[%mul3A_0] : memref<100096xf32, #tpu.memory_space<vmem_shared>> -> memref<6256xf32, #tpu.memory_space<vmem_shared>>
        %dma_wait3A_112 = tpu.memref_slice %arg45[%mul3A_0] : memref<100096xf32, #tpu.memory_space<vmem_shared>> -> memref<6256xf32, #tpu.memory_space<vmem_shared>>
        tpu.wait_dma2 semaphore(%run_scoped3A : memref<!tpu.dma_semaphore, #tpu.memory_space<semaphore_mem>>) src(%dma_wait3A_112 : memref<6256xf32, #tpu.memory_space<vmem_shared>>) dst(%arg52 : memref<6256xf32, #tpu.memory_space<vmem>>)
        tpu.yield
      }) : () -> ()
      "tpu.region"() ({
        %run_scoped3A = tpu.sem_alloc : memref<!tpu.dma_semaphore, #tpu.memory_space<semaphore_mem>>
        %dma_start3A = tpu.memref_slice %arg19[%mul3A_0] : memref<100096xf32, #tpu.memory_space<hbm>> -> memref<6256xf32, #tpu.memory_space<hbm>>
        %dma_start3A_110 = tpu.memref_slice %arg19[%mul3A_0] : memref<100096xf32, #tpu.memory_space<hbm>> -> memref<6256xf32, #tpu.memory_space<hbm>>
        tpu.enqueue_dma source(%arg52 : memref<6256xf32, #tpu.memory_space<vmem>>) target(%dma_start3A_110 : memref<6256xf32, #tpu.memory_space<hbm>>) target_semaphore(%run_scoped3A : memref<!tpu.dma_semaphore, #tpu.memory_space<semaphore_mem>>)
        %dma_wait3A_111 = tpu.memref_slice %arg19[%mul3A_0] : memref<100096xf32, #tpu.memory_space<hbm>> -> memref<6256xf32, #tpu.memory_space<hbm>>
        %dma_wait3A_112 = tpu.memref_slice %arg19[%mul3A_0] : memref<100096xf32, #tpu.memory_space<hbm>> -> memref<6256xf32, #tpu.memory_space<hbm>>
        tpu.wait_dma2 semaphore(%run_scoped3A : memref<!tpu.dma_semaphore, #tpu.memory_space<semaphore_mem>>) src(%arg52 : memref<6256xf32, #tpu.memory_space<vmem>>) dst(%dma_wait3A_112 : memref<6256xf32, #tpu.memory_space<hbm>>)
        tpu.yield
      }) : () -> ()
      "tpu.region"() ({
        %run_scoped3A = tpu.sem_alloc : memref<!tpu.dma_semaphore, #tpu.memory_space<semaphore_mem>>
        %dma_start3A = tpu.memref_slice %arg46[%mul3A_0] : memref<100096xf32, #tpu.memory_space<vmem_shared>> -> memref<6256xf32, #tpu.memory_space<vmem_shared>>
        %dma_start3A_110 = tpu.memref_slice %arg46[%mul3A_0] : memref<100096xf32, #tpu.memory_space<vmem_shared>> -> memref<6256xf32, #tpu.memory_space<vmem_shared>>
        tpu.enqueue_dma source(%dma_start3A_110 : memref<6256xf32, #tpu.memory_space<vmem_shared>>) target(%arg52 : memref<6256xf32, #tpu.memory_space<vmem>>) target_semaphore(%run_scoped3A : memref<!tpu.dma_semaphore, #tpu.memory_space<semaphore_mem>>)
        %dma_wait3A_111 = tpu.memref_slice %arg46[%mul3A_0] : memref<100096xf32, #tpu.memory_space<vmem_shared>> -> memref<6256xf32, #tpu.memory_space<vmem_shared>>
        %dma_wait3A_112 = tpu.memref_slice %arg46[%mul3A_0] : memref<100096xf32, #tpu.memory_space<vmem_shared>> -> memref<6256xf32, #tpu.memory_space<vmem_shared>>
        tpu.wait_dma2 semaphore(%run_scoped3A : memref<!tpu.dma_semaphore, #tpu.memory_space<semaphore_mem>>) src(%dma_wait3A_112 : memref<6256xf32, #tpu.memory_space<vmem_shared>>) dst(%arg52 : memref<6256xf32, #tpu.memory_space<vmem>>)
        tpu.yield
      }) : () -> ()
      "tpu.region"() ({
        %run_scoped3A = tpu.sem_alloc : memref<!tpu.dma_semaphore, #tpu.memory_space<semaphore_mem>>
        %dma_start3A = tpu.memref_slice %arg20[%mul3A_0] : memref<100096xf32, #tpu.memory_space<hbm>> -> memref<6256xf32, #tpu.memory_space<hbm>>
        %dma_start3A_110 = tpu.memref_slice %arg20[%mul3A_0] : memref<100096xf32, #tpu.memory_space<hbm>> -> memref<6256xf32, #tpu.memory_space<hbm>>
        tpu.enqueue_dma source(%arg52 : memref<6256xf32, #tpu.memory_space<vmem>>) target(%dma_start3A_110 : memref<6256xf32, #tpu.memory_space<hbm>>) target_semaphore(%run_scoped3A : memref<!tpu.dma_semaphore, #tpu.memory_space<semaphore_mem>>)
        %dma_wait3A_111 = tpu.memref_slice %arg20[%mul3A_0] : memref<100096xf32, #tpu.memory_space<hbm>> -> memref<6256xf32, #tpu.memory_space<hbm>>
        %dma_wait3A_112 = tpu.memref_slice %arg20[%mul3A_0] : memref<100096xf32, #tpu.memory_space<hbm>> -> memref<6256xf32, #tpu.memory_space<hbm>>
        tpu.wait_dma2 semaphore(%run_scoped3A : memref<!tpu.dma_semaphore, #tpu.memory_space<semaphore_mem>>) src(%arg52 : memref<6256xf32, #tpu.memory_space<vmem>>) dst(%dma_wait3A_112 : memref<6256xf32, #tpu.memory_space<hbm>>)
        tpu.yield
      }) : () -> ()
      "tpu.region"() ({
        %run_scoped3A = tpu.sem_alloc : memref<!tpu.dma_semaphore, #tpu.memory_space<semaphore_mem>>
        %dma_start3A = tpu.memref_slice %arg47[%mul3A_0] : memref<100096xf32, #tpu.memory_space<vmem_shared>> -> memref<6256xf32, #tpu.memory_space<vmem_shared>>
        %dma_start3A_110 = tpu.memref_slice %arg47[%mul3A_0] : memref<100096xf32, #tpu.memory_space<vmem_shared>> -> memref<6256xf32, #tpu.memory_space<vmem_shared>>
        tpu.enqueue_dma source(%dma_start3A_110 : memref<6256xf32, #tpu.memory_space<vmem_shared>>) target(%arg52 : memref<6256xf32, #tpu.memory_space<vmem>>) target_semaphore(%run_scoped3A : memref<!tpu.dma_semaphore, #tpu.memory_space<semaphore_mem>>)
        %dma_wait3A_111 = tpu.memref_slice %arg47[%mul3A_0] : memref<100096xf32, #tpu.memory_space<vmem_shared>> -> memref<6256xf32, #tpu.memory_space<vmem_shared>>
        %dma_wait3A_112 = tpu.memref_slice %arg47[%mul3A_0] : memref<100096xf32, #tpu.memory_space<vmem_shared>> -> memref<6256xf32, #tpu.memory_space<vmem_shared>>
        tpu.wait_dma2 semaphore(%run_scoped3A : memref<!tpu.dma_semaphore, #tpu.memory_space<semaphore_mem>>) src(%dma_wait3A_112 : memref<6256xf32, #tpu.memory_space<vmem_shared>>) dst(%arg52 : memref<6256xf32, #tpu.memory_space<vmem>>)
        tpu.yield
      }) : () -> ()
      "tpu.region"() ({
        %run_scoped3A = tpu.sem_alloc : memref<!tpu.dma_semaphore, #tpu.memory_space<semaphore_mem>>
        %dma_start3A = tpu.memref_slice %arg21[%mul3A_0] : memref<100096xf32, #tpu.memory_space<hbm>> -> memref<6256xf32, #tpu.memory_space<hbm>>
        %dma_start3A_110 = tpu.memref_slice %arg21[%mul3A_0] : memref<100096xf32, #tpu.memory_space<hbm>> -> memref<6256xf32, #tpu.memory_space<hbm>>
        tpu.enqueue_dma source(%arg52 : memref<6256xf32, #tpu.memory_space<vmem>>) target(%dma_start3A_110 : memref<6256xf32, #tpu.memory_space<hbm>>) target_semaphore(%run_scoped3A : memref<!tpu.dma_semaphore, #tpu.memory_space<semaphore_mem>>)
        %dma_wait3A_111 = tpu.memref_slice %arg21[%mul3A_0] : memref<100096xf32, #tpu.memory_space<hbm>> -> memref<6256xf32, #tpu.memory_space<hbm>>
        %dma_wait3A_112 = tpu.memref_slice %arg21[%mul3A_0] : memref<100096xf32, #tpu.memory_space<hbm>> -> memref<6256xf32, #tpu.memory_space<hbm>>
        tpu.wait_dma2 semaphore(%run_scoped3A : memref<!tpu.dma_semaphore, #tpu.memory_space<semaphore_mem>>) src(%arg52 : memref<6256xf32, #tpu.memory_space<vmem>>) dst(%dma_wait3A_112 : memref<6256xf32, #tpu.memory_space<hbm>>)
        tpu.yield
      }) : () -> ()
    } else {
    }
    %eq3A_105 = arith.constant 1 : i32
    %eq3A_106 = arith.cmpi eq, %arg0, %eq3A_105 : i32
    %convert_element_type3A_107 = arith.extui %eq3A_106 : i1 to i32
    %cond3A_108 = arith.constant 0 : i32
    %cond3A_109 = arith.cmpi ne, %convert_element_type3A_107, %cond3A_108 : i32
    scf.if %cond3A_109 {
      "tpu.region"() ({
        %run_scoped3A = tpu.sem_alloc : memref<!tpu.dma_semaphore, #tpu.memory_space<semaphore_mem>>
        %dma_start3A = tpu.memref_slice %arg40[%mul3A_0] : memref<100096xf32, #tpu.memory_space<vmem_shared>> -> memref<6256xf32, #tpu.memory_space<vmem_shared>>
        %dma_start3A_110 = tpu.memref_slice %arg40[%mul3A_0] : memref<100096xf32, #tpu.memory_space<vmem_shared>> -> memref<6256xf32, #tpu.memory_space<vmem_shared>>
        tpu.enqueue_dma source(%dma_start3A_110 : memref<6256xf32, #tpu.memory_space<vmem_shared>>) target(%arg52 : memref<6256xf32, #tpu.memory_space<vmem>>) target_semaphore(%run_scoped3A : memref<!tpu.dma_semaphore, #tpu.memory_space<semaphore_mem>>)
        %dma_wait3A_111 = tpu.memref_slice %arg40[%mul3A_0] : memref<100096xf32, #tpu.memory_space<vmem_shared>> -> memref<6256xf32, #tpu.memory_space<vmem_shared>>
        %dma_wait3A_112 = tpu.memref_slice %arg40[%mul3A_0] : memref<100096xf32, #tpu.memory_space<vmem_shared>> -> memref<6256xf32, #tpu.memory_space<vmem_shared>>
        tpu.wait_dma2 semaphore(%run_scoped3A : memref<!tpu.dma_semaphore, #tpu.memory_space<semaphore_mem>>) src(%dma_wait3A_112 : memref<6256xf32, #tpu.memory_space<vmem_shared>>) dst(%arg52 : memref<6256xf32, #tpu.memory_space<vmem>>)
        tpu.yield
      }) : () -> ()
      "tpu.region"() ({
        %run_scoped3A = tpu.sem_alloc : memref<!tpu.dma_semaphore, #tpu.memory_space<semaphore_mem>>
        %dma_start3A = tpu.memref_slice %arg22[%mul3A_0] : memref<100096xf32, #tpu.memory_space<hbm>> -> memref<6256xf32, #tpu.memory_space<hbm>>
        %dma_start3A_110 = tpu.memref_slice %arg22[%mul3A_0] : memref<100096xf32, #tpu.memory_space<hbm>> -> memref<6256xf32, #tpu.memory_space<hbm>>
        tpu.enqueue_dma source(%arg52 : memref<6256xf32, #tpu.memory_space<vmem>>) target(%dma_start3A_110 : memref<6256xf32, #tpu.memory_space<hbm>>) target_semaphore(%run_scoped3A : memref<!tpu.dma_semaphore, #tpu.memory_space<semaphore_mem>>)
        %dma_wait3A_111 = tpu.memref_slice %arg22[%mul3A_0] : memref<100096xf32, #tpu.memory_space<hbm>> -> memref<6256xf32, #tpu.memory_space<hbm>>
        %dma_wait3A_112 = tpu.memref_slice %arg22[%mul3A_0] : memref<100096xf32, #tpu.memory_space<hbm>> -> memref<6256xf32, #tpu.memory_space<hbm>>
        tpu.wait_dma2 semaphore(%run_scoped3A : memref<!tpu.dma_semaphore, #tpu.memory_space<semaphore_mem>>) src(%arg52 : memref<6256xf32, #tpu.memory_space<vmem>>) dst(%dma_wait3A_112 : memref<6256xf32, #tpu.memory_space<hbm>>)
        tpu.yield
      }) : () -> ()
      "tpu.region"() ({
        %run_scoped3A = tpu.sem_alloc : memref<!tpu.dma_semaphore, #tpu.memory_space<semaphore_mem>>
        %dma_start3A = tpu.memref_slice %arg41[%mul3A_0] : memref<100096xf32, #tpu.memory_space<vmem_shared>> -> memref<6256xf32, #tpu.memory_space<vmem_shared>>
        %dma_start3A_110 = tpu.memref_slice %arg41[%mul3A_0] : memref<100096xf32, #tpu.memory_space<vmem_shared>> -> memref<6256xf32, #tpu.memory_space<vmem_shared>>
        tpu.enqueue_dma source(%dma_start3A_110 : memref<6256xf32, #tpu.memory_space<vmem_shared>>) target(%arg52 : memref<6256xf32, #tpu.memory_space<vmem>>) target_semaphore(%run_scoped3A : memref<!tpu.dma_semaphore, #tpu.memory_space<semaphore_mem>>)
        %dma_wait3A_111 = tpu.memref_slice %arg41[%mul3A_0] : memref<100096xf32, #tpu.memory_space<vmem_shared>> -> memref<6256xf32, #tpu.memory_space<vmem_shared>>
        %dma_wait3A_112 = tpu.memref_slice %arg41[%mul3A_0] : memref<100096xf32, #tpu.memory_space<vmem_shared>> -> memref<6256xf32, #tpu.memory_space<vmem_shared>>
        tpu.wait_dma2 semaphore(%run_scoped3A : memref<!tpu.dma_semaphore, #tpu.memory_space<semaphore_mem>>) src(%dma_wait3A_112 : memref<6256xf32, #tpu.memory_space<vmem_shared>>) dst(%arg52 : memref<6256xf32, #tpu.memory_space<vmem>>)
        tpu.yield
      }) : () -> ()
      "tpu.region"() ({
        %run_scoped3A = tpu.sem_alloc : memref<!tpu.dma_semaphore, #tpu.memory_space<semaphore_mem>>
        %dma_start3A = tpu.memref_slice %arg23[%mul3A_0] : memref<100096xf32, #tpu.memory_space<hbm>> -> memref<6256xf32, #tpu.memory_space<hbm>>
        %dma_start3A_110 = tpu.memref_slice %arg23[%mul3A_0] : memref<100096xf32, #tpu.memory_space<hbm>> -> memref<6256xf32, #tpu.memory_space<hbm>>
        tpu.enqueue_dma source(%arg52 : memref<6256xf32, #tpu.memory_space<vmem>>) target(%dma_start3A_110 : memref<6256xf32, #tpu.memory_space<hbm>>) target_semaphore(%run_scoped3A : memref<!tpu.dma_semaphore, #tpu.memory_space<semaphore_mem>>)
        %dma_wait3A_111 = tpu.memref_slice %arg23[%mul3A_0] : memref<100096xf32, #tpu.memory_space<hbm>> -> memref<6256xf32, #tpu.memory_space<hbm>>
        %dma_wait3A_112 = tpu.memref_slice %arg23[%mul3A_0] : memref<100096xf32, #tpu.memory_space<hbm>> -> memref<6256xf32, #tpu.memory_space<hbm>>
        tpu.wait_dma2 semaphore(%run_scoped3A : memref<!tpu.dma_semaphore, #tpu.memory_space<semaphore_mem>>) src(%arg52 : memref<6256xf32, #tpu.memory_space<vmem>>) dst(%dma_wait3A_112 : memref<6256xf32, #tpu.memory_space<hbm>>)
        tpu.yield
      }) : () -> ()
      "tpu.region"() ({
        %run_scoped3A = tpu.sem_alloc : memref<!tpu.dma_semaphore, #tpu.memory_space<semaphore_mem>>
        %dma_start3A = tpu.memref_slice %arg42[%mul3A_0] : memref<100096xf32, #tpu.memory_space<vmem_shared>> -> memref<6256xf32, #tpu.memory_space<vmem_shared>>
        %dma_start3A_110 = tpu.memref_slice %arg42[%mul3A_0] : memref<100096xf32, #tpu.memory_space<vmem_shared>> -> memref<6256xf32, #tpu.memory_space<vmem_shared>>
        tpu.enqueue_dma source(%dma_start3A_110 : memref<6256xf32, #tpu.memory_space<vmem_shared>>) target(%arg52 : memref<6256xf32, #tpu.memory_space<vmem>>) target_semaphore(%run_scoped3A : memref<!tpu.dma_semaphore, #tpu.memory_space<semaphore_mem>>)
        %dma_wait3A_111 = tpu.memref_slice %arg42[%mul3A_0] : memref<100096xf32, #tpu.memory_space<vmem_shared>> -> memref<6256xf32, #tpu.memory_space<vmem_shared>>
        %dma_wait3A_112 = tpu.memref_slice %arg42[%mul3A_0] : memref<100096xf32, #tpu.memory_space<vmem_shared>> -> memref<6256xf32, #tpu.memory_space<vmem_shared>>
        tpu.wait_dma2 semaphore(%run_scoped3A : memref<!tpu.dma_semaphore, #tpu.memory_space<semaphore_mem>>) src(%dma_wait3A_112 : memref<6256xf32, #tpu.memory_space<vmem_shared>>) dst(%arg52 : memref<6256xf32, #tpu.memory_space<vmem>>)
        tpu.yield
      }) : () -> ()
      "tpu.region"() ({
        %run_scoped3A = tpu.sem_alloc : memref<!tpu.dma_semaphore, #tpu.memory_space<semaphore_mem>>
        %dma_start3A = tpu.memref_slice %arg24[%mul3A_0] : memref<100096xf32, #tpu.memory_space<hbm>> -> memref<6256xf32, #tpu.memory_space<hbm>>
        %dma_start3A_110 = tpu.memref_slice %arg24[%mul3A_0] : memref<100096xf32, #tpu.memory_space<hbm>> -> memref<6256xf32, #tpu.memory_space<hbm>>
        tpu.enqueue_dma source(%arg52 : memref<6256xf32, #tpu.memory_space<vmem>>) target(%dma_start3A_110 : memref<6256xf32, #tpu.memory_space<hbm>>) target_semaphore(%run_scoped3A : memref<!tpu.dma_semaphore, #tpu.memory_space<semaphore_mem>>)
        %dma_wait3A_111 = tpu.memref_slice %arg24[%mul3A_0] : memref<100096xf32, #tpu.memory_space<hbm>> -> memref<6256xf32, #tpu.memory_space<hbm>>
        %dma_wait3A_112 = tpu.memref_slice %arg24[%mul3A_0] : memref<100096xf32, #tpu.memory_space<hbm>> -> memref<6256xf32, #tpu.memory_space<hbm>>
        tpu.wait_dma2 semaphore(%run_scoped3A : memref<!tpu.dma_semaphore, #tpu.memory_space<semaphore_mem>>) src(%arg52 : memref<6256xf32, #tpu.memory_space<vmem>>) dst(%dma_wait3A_112 : memref<6256xf32, #tpu.memory_space<hbm>>)
        tpu.yield
      }) : () -> ()
      "tpu.region"() ({
        %run_scoped3A = tpu.sem_alloc : memref<!tpu.dma_semaphore, #tpu.memory_space<semaphore_mem>>
        %dma_start3A = tpu.memref_slice %arg43[%mul3A_0] : memref<100096xf32, #tpu.memory_space<vmem_shared>> -> memref<6256xf32, #tpu.memory_space<vmem_shared>>
        %dma_start3A_110 = tpu.memref_slice %arg43[%mul3A_0] : memref<100096xf32, #tpu.memory_space<vmem_shared>> -> memref<6256xf32, #tpu.memory_space<vmem_shared>>
        tpu.enqueue_dma source(%dma_start3A_110 : memref<6256xf32, #tpu.memory_space<vmem_shared>>) target(%arg52 : memref<6256xf32, #tpu.memory_space<vmem>>) target_semaphore(%run_scoped3A : memref<!tpu.dma_semaphore, #tpu.memory_space<semaphore_mem>>)
        %dma_wait3A_111 = tpu.memref_slice %arg43[%mul3A_0] : memref<100096xf32, #tpu.memory_space<vmem_shared>> -> memref<6256xf32, #tpu.memory_space<vmem_shared>>
        %dma_wait3A_112 = tpu.memref_slice %arg43[%mul3A_0] : memref<100096xf32, #tpu.memory_space<vmem_shared>> -> memref<6256xf32, #tpu.memory_space<vmem_shared>>
        tpu.wait_dma2 semaphore(%run_scoped3A : memref<!tpu.dma_semaphore, #tpu.memory_space<semaphore_mem>>) src(%dma_wait3A_112 : memref<6256xf32, #tpu.memory_space<vmem_shared>>) dst(%arg52 : memref<6256xf32, #tpu.memory_space<vmem>>)
        tpu.yield
      }) : () -> ()
      "tpu.region"() ({
        %run_scoped3A = tpu.sem_alloc : memref<!tpu.dma_semaphore, #tpu.memory_space<semaphore_mem>>
        %dma_start3A = tpu.memref_slice %arg25[%mul3A_0] : memref<100096xf32, #tpu.memory_space<hbm>> -> memref<6256xf32, #tpu.memory_space<hbm>>
        %dma_start3A_110 = tpu.memref_slice %arg25[%mul3A_0] : memref<100096xf32, #tpu.memory_space<hbm>> -> memref<6256xf32, #tpu.memory_space<hbm>>
        tpu.enqueue_dma source(%arg52 : memref<6256xf32, #tpu.memory_space<vmem>>) target(%dma_start3A_110 : memref<6256xf32, #tpu.memory_space<hbm>>) target_semaphore(%run_scoped3A : memref<!tpu.dma_semaphore, #tpu.memory_space<semaphore_mem>>)
        %dma_wait3A_111 = tpu.memref_slice %arg25[%mul3A_0] : memref<100096xf32, #tpu.memory_space<hbm>> -> memref<6256xf32, #tpu.memory_space<hbm>>
        %dma_wait3A_112 = tpu.memref_slice %arg25[%mul3A_0] : memref<100096xf32, #tpu.memory_space<hbm>> -> memref<6256xf32, #tpu.memory_space<hbm>>
        tpu.wait_dma2 semaphore(%run_scoped3A : memref<!tpu.dma_semaphore, #tpu.memory_space<semaphore_mem>>) src(%arg52 : memref<6256xf32, #tpu.memory_space<vmem>>) dst(%dma_wait3A_112 : memref<6256xf32, #tpu.memory_space<hbm>>)
        tpu.yield
      }) : () -> ()
      "tpu.region"() ({
        %run_scoped3A = tpu.sem_alloc : memref<!tpu.dma_semaphore, #tpu.memory_space<semaphore_mem>>
        %dma_start3A = tpu.memref_slice %arg44[%mul3A_0] : memref<100096xf32, #tpu.memory_space<vmem_shared>> -> memref<6256xf32, #tpu.memory_space<vmem_shared>>
        %dma_start3A_110 = tpu.memref_slice %arg44[%mul3A_0] : memref<100096xf32, #tpu.memory_space<vmem_shared>> -> memref<6256xf32, #tpu.memory_space<vmem_shared>>
        tpu.enqueue_dma source(%dma_start3A_110 : memref<6256xf32, #tpu.memory_space<vmem_shared>>) target(%arg52 : memref<6256xf32, #tpu.memory_space<vmem>>) target_semaphore(%run_scoped3A : memref<!tpu.dma_semaphore, #tpu.memory_space<semaphore_mem>>)
        %dma_wait3A_111 = tpu.memref_slice %arg44[%mul3A_0] : memref<100096xf32, #tpu.memory_space<vmem_shared>> -> memref<6256xf32, #tpu.memory_space<vmem_shared>>
        %dma_wait3A_112 = tpu.memref_slice %arg44[%mul3A_0] : memref<100096xf32, #tpu.memory_space<vmem_shared>> -> memref<6256xf32, #tpu.memory_space<vmem_shared>>
        tpu.wait_dma2 semaphore(%run_scoped3A : memref<!tpu.dma_semaphore, #tpu.memory_space<semaphore_mem>>) src(%dma_wait3A_112 : memref<6256xf32, #tpu.memory_space<vmem_shared>>) dst(%arg52 : memref<6256xf32, #tpu.memory_space<vmem>>)
        tpu.yield
      }) : () -> ()
      "tpu.region"() ({
        %run_scoped3A = tpu.sem_alloc : memref<!tpu.dma_semaphore, #tpu.memory_space<semaphore_mem>>
        %dma_start3A = tpu.memref_slice %arg26[%mul3A_0] : memref<100096xf32, #tpu.memory_space<hbm>> -> memref<6256xf32, #tpu.memory_space<hbm>>
        %dma_start3A_110 = tpu.memref_slice %arg26[%mul3A_0] : memref<100096xf32, #tpu.memory_space<hbm>> -> memref<6256xf32, #tpu.memory_space<hbm>>
        tpu.enqueue_dma source(%arg52 : memref<6256xf32, #tpu.memory_space<vmem>>) target(%dma_start3A_110 : memref<6256xf32, #tpu.memory_space<hbm>>) target_semaphore(%run_scoped3A : memref<!tpu.dma_semaphore, #tpu.memory_space<semaphore_mem>>)
        %dma_wait3A_111 = tpu.memref_slice %arg26[%mul3A_0] : memref<100096xf32, #tpu.memory_space<hbm>> -> memref<6256xf32, #tpu.memory_space<hbm>>
        %dma_wait3A_112 = tpu.memref_slice %arg26[%mul3A_0] : memref<100096xf32, #tpu.memory_space<hbm>> -> memref<6256xf32, #tpu.memory_space<hbm>>
        tpu.wait_dma2 semaphore(%run_scoped3A : memref<!tpu.dma_semaphore, #tpu.memory_space<semaphore_mem>>) src(%arg52 : memref<6256xf32, #tpu.memory_space<vmem>>) dst(%dma_wait3A_112 : memref<6256xf32, #tpu.memory_space<hbm>>)
        tpu.yield
      }) : () -> ()
      "tpu.region"() ({
        %run_scoped3A = tpu.sem_alloc : memref<!tpu.dma_semaphore, #tpu.memory_space<semaphore_mem>>
        %dma_start3A = tpu.memref_slice %arg45[%mul3A_0] : memref<100096xf32, #tpu.memory_space<vmem_shared>> -> memref<6256xf32, #tpu.memory_space<vmem_shared>>
        %dma_start3A_110 = tpu.memref_slice %arg45[%mul3A_0] : memref<100096xf32, #tpu.memory_space<vmem_shared>> -> memref<6256xf32, #tpu.memory_space<vmem_shared>>
        tpu.enqueue_dma source(%dma_start3A_110 : memref<6256xf32, #tpu.memory_space<vmem_shared>>) target(%arg52 : memref<6256xf32, #tpu.memory_space<vmem>>) target_semaphore(%run_scoped3A : memref<!tpu.dma_semaphore, #tpu.memory_space<semaphore_mem>>)
        %dma_wait3A_111 = tpu.memref_slice %arg45[%mul3A_0] : memref<100096xf32, #tpu.memory_space<vmem_shared>> -> memref<6256xf32, #tpu.memory_space<vmem_shared>>
        %dma_wait3A_112 = tpu.memref_slice %arg45[%mul3A_0] : memref<100096xf32, #tpu.memory_space<vmem_shared>> -> memref<6256xf32, #tpu.memory_space<vmem_shared>>
        tpu.wait_dma2 semaphore(%run_scoped3A : memref<!tpu.dma_semaphore, #tpu.memory_space<semaphore_mem>>) src(%dma_wait3A_112 : memref<6256xf32, #tpu.memory_space<vmem_shared>>) dst(%arg52 : memref<6256xf32, #tpu.memory_space<vmem>>)
        tpu.yield
      }) : () -> ()
      "tpu.region"() ({
        %run_scoped3A = tpu.sem_alloc : memref<!tpu.dma_semaphore, #tpu.memory_space<semaphore_mem>>
        %dma_start3A = tpu.memref_slice %arg27[%mul3A_0] : memref<100096xf32, #tpu.memory_space<hbm>> -> memref<6256xf32, #tpu.memory_space<hbm>>
        %dma_start3A_110 = tpu.memref_slice %arg27[%mul3A_0] : memref<100096xf32, #tpu.memory_space<hbm>> -> memref<6256xf32, #tpu.memory_space<hbm>>
        tpu.enqueue_dma source(%arg52 : memref<6256xf32, #tpu.memory_space<vmem>>) target(%dma_start3A_110 : memref<6256xf32, #tpu.memory_space<hbm>>) target_semaphore(%run_scoped3A : memref<!tpu.dma_semaphore, #tpu.memory_space<semaphore_mem>>)
        %dma_wait3A_111 = tpu.memref_slice %arg27[%mul3A_0] : memref<100096xf32, #tpu.memory_space<hbm>> -> memref<6256xf32, #tpu.memory_space<hbm>>
        %dma_wait3A_112 = tpu.memref_slice %arg27[%mul3A_0] : memref<100096xf32, #tpu.memory_space<hbm>> -> memref<6256xf32, #tpu.memory_space<hbm>>
        tpu.wait_dma2 semaphore(%run_scoped3A : memref<!tpu.dma_semaphore, #tpu.memory_space<semaphore_mem>>) src(%arg52 : memref<6256xf32, #tpu.memory_space<vmem>>) dst(%dma_wait3A_112 : memref<6256xf32, #tpu.memory_space<hbm>>)
        tpu.yield
      }) : () -> ()
      "tpu.region"() ({
        %run_scoped3A = tpu.sem_alloc : memref<!tpu.dma_semaphore, #tpu.memory_space<semaphore_mem>>
        %dma_start3A = tpu.memref_slice %arg46[%mul3A_0] : memref<100096xf32, #tpu.memory_space<vmem_shared>> -> memref<6256xf32, #tpu.memory_space<vmem_shared>>
        %dma_start3A_110 = tpu.memref_slice %arg46[%mul3A_0] : memref<100096xf32, #tpu.memory_space<vmem_shared>> -> memref<6256xf32, #tpu.memory_space<vmem_shared>>
        tpu.enqueue_dma source(%dma_start3A_110 : memref<6256xf32, #tpu.memory_space<vmem_shared>>) target(%arg52 : memref<6256xf32, #tpu.memory_space<vmem>>) target_semaphore(%run_scoped3A : memref<!tpu.dma_semaphore, #tpu.memory_space<semaphore_mem>>)
        %dma_wait3A_111 = tpu.memref_slice %arg46[%mul3A_0] : memref<100096xf32, #tpu.memory_space<vmem_shared>> -> memref<6256xf32, #tpu.memory_space<vmem_shared>>
        %dma_wait3A_112 = tpu.memref_slice %arg46[%mul3A_0] : memref<100096xf32, #tpu.memory_space<vmem_shared>> -> memref<6256xf32, #tpu.memory_space<vmem_shared>>
        tpu.wait_dma2 semaphore(%run_scoped3A : memref<!tpu.dma_semaphore, #tpu.memory_space<semaphore_mem>>) src(%dma_wait3A_112 : memref<6256xf32, #tpu.memory_space<vmem_shared>>) dst(%arg52 : memref<6256xf32, #tpu.memory_space<vmem>>)
        tpu.yield
      }) : () -> ()
      "tpu.region"() ({
        %run_scoped3A = tpu.sem_alloc : memref<!tpu.dma_semaphore, #tpu.memory_space<semaphore_mem>>
        %dma_start3A = tpu.memref_slice %arg28[%mul3A_0] : memref<100096xf32, #tpu.memory_space<hbm>> -> memref<6256xf32, #tpu.memory_space<hbm>>
        %dma_start3A_110 = tpu.memref_slice %arg28[%mul3A_0] : memref<100096xf32, #tpu.memory_space<hbm>> -> memref<6256xf32, #tpu.memory_space<hbm>>
        tpu.enqueue_dma source(%arg52 : memref<6256xf32, #tpu.memory_space<vmem>>) target(%dma_start3A_110 : memref<6256xf32, #tpu.memory_space<hbm>>) target_semaphore(%run_scoped3A : memref<!tpu.dma_semaphore, #tpu.memory_space<semaphore_mem>>)
        %dma_wait3A_111 = tpu.memref_slice %arg28[%mul3A_0] : memref<100096xf32, #tpu.memory_space<hbm>> -> memref<6256xf32, #tpu.memory_space<hbm>>
        %dma_wait3A_112 = tpu.memref_slice %arg28[%mul3A_0] : memref<100096xf32, #tpu.memory_space<hbm>> -> memref<6256xf32, #tpu.memory_space<hbm>>
        tpu.wait_dma2 semaphore(%run_scoped3A : memref<!tpu.dma_semaphore, #tpu.memory_space<semaphore_mem>>) src(%arg52 : memref<6256xf32, #tpu.memory_space<vmem>>) dst(%dma_wait3A_112 : memref<6256xf32, #tpu.memory_space<hbm>>)
        tpu.yield
      }) : () -> ()
      "tpu.region"() ({
        %run_scoped3A = tpu.sem_alloc : memref<!tpu.dma_semaphore, #tpu.memory_space<semaphore_mem>>
        %dma_start3A = tpu.memref_slice %arg47[%mul3A_0] : memref<100096xf32, #tpu.memory_space<vmem_shared>> -> memref<6256xf32, #tpu.memory_space<vmem_shared>>
        %dma_start3A_110 = tpu.memref_slice %arg47[%mul3A_0] : memref<100096xf32, #tpu.memory_space<vmem_shared>> -> memref<6256xf32, #tpu.memory_space<vmem_shared>>
        tpu.enqueue_dma source(%dma_start3A_110 : memref<6256xf32, #tpu.memory_space<vmem_shared>>) target(%arg52 : memref<6256xf32, #tpu.memory_space<vmem>>) target_semaphore(%run_scoped3A : memref<!tpu.dma_semaphore, #tpu.memory_space<semaphore_mem>>)
        %dma_wait3A_111 = tpu.memref_slice %arg47[%mul3A_0] : memref<100096xf32, #tpu.memory_space<vmem_shared>> -> memref<6256xf32, #tpu.memory_space<vmem_shared>>
        %dma_wait3A_112 = tpu.memref_slice %arg47[%mul3A_0] : memref<100096xf32, #tpu.memory_space<vmem_shared>> -> memref<6256xf32, #tpu.memory_space<vmem_shared>>
        tpu.wait_dma2 semaphore(%run_scoped3A : memref<!tpu.dma_semaphore, #tpu.memory_space<semaphore_mem>>) src(%dma_wait3A_112 : memref<6256xf32, #tpu.memory_space<vmem_shared>>) dst(%arg52 : memref<6256xf32, #tpu.memory_space<vmem>>)
        tpu.yield
      }) : () -> ()
      "tpu.region"() ({
        %run_scoped3A = tpu.sem_alloc : memref<!tpu.dma_semaphore, #tpu.memory_space<semaphore_mem>>
        %dma_start3A = tpu.memref_slice %arg29[%mul3A_0] : memref<100096xf32, #tpu.memory_space<hbm>> -> memref<6256xf32, #tpu.memory_space<hbm>>
        %dma_start3A_110 = tpu.memref_slice %arg29[%mul3A_0] : memref<100096xf32, #tpu.memory_space<hbm>> -> memref<6256xf32, #tpu.memory_space<hbm>>
        tpu.enqueue_dma source(%arg52 : memref<6256xf32, #tpu.memory_space<vmem>>) target(%dma_start3A_110 : memref<6256xf32, #tpu.memory_space<hbm>>) target_semaphore(%run_scoped3A : memref<!tpu.dma_semaphore, #tpu.memory_space<semaphore_mem>>)
        %dma_wait3A_111 = tpu.memref_slice %arg29[%mul3A_0] : memref<100096xf32, #tpu.memory_space<hbm>> -> memref<6256xf32, #tpu.memory_space<hbm>>
        %dma_wait3A_112 = tpu.memref_slice %arg29[%mul3A_0] : memref<100096xf32, #tpu.memory_space<hbm>> -> memref<6256xf32, #tpu.memory_space<hbm>>
        tpu.wait_dma2 semaphore(%run_scoped3A : memref<!tpu.dma_semaphore, #tpu.memory_space<semaphore_mem>>) src(%arg52 : memref<6256xf32, #tpu.memory_space<vmem>>) dst(%dma_wait3A_112 : memref<6256xf32, #tpu.memory_space<hbm>>)
        tpu.yield
      }) : () -> ()
    } else {
    }
    return
  }
}

module attributes {stable_mosaic.version = 14 : i64} {
  func.func @_tc_body(%arg0: i32, %arg1: memref<5000x8xf32, #tpu.memory_space<vmem>>, %arg2: memref<5000x8xf32, #tpu.memory_space<vmem>>, %arg3: memref<5000x1xf32, #tpu.memory_space<vmem>>, %arg4: memref<8x8xf32, #tpu.memory_space<vmem>>, %arg5: memref<8x8xf32, #tpu.memory_space<vmem>>, %arg6: memref<5000x8xf32, #tpu.memory_space<vmem>>, %arg7: memref<5000x8xf32, #tpu.memory_space<vmem>>) attributes {dimension_semantics = [#tpu.dimension_semantics<arbitrary>], iteration_bounds = array<i64: 20>, scalar_prefetch = 0 : i64, scratch_operands = 0 : i64, tpu.core_type = #tpu.core_type<tc>, window_params = [{transform_indices = @transform_0, window_bounds = array<i64: 5000, 8>}, {transform_indices = @transform_1, window_bounds = array<i64: 5000, 8>}, {transform_indices = @transform_2, window_bounds = array<i64: 5000, 1>}, {pipeline_mode = #tpu.pipeline_mode<synchronous>, transform_indices = @transform_3, window_bounds = array<i64: 8, 8>}, {pipeline_mode = #tpu.pipeline_mode<synchronous>, transform_indices = @transform_4, window_bounds = array<i64: 8, 8>}, {transform_indices = @transform_5, window_bounds = array<i64: 5000, 8>}, {transform_indices = @transform_6, window_bounds = array<i64: 5000, 8>}]} {
    %get3A = arith.constant 0 : index
    %get3A_0 = arith.constant 0 : index
    %get3A_1 = vector.load %arg3[%get3A, %get3A_0] : memref<5000x1xf32, #tpu.memory_space<vmem>>, vector<5000x1xf32>
    %get3A_2 = arith.constant 0 : index
    %get3A_3 = arith.constant 0 : index
    %get3A_4 = vector.load %arg1[%get3A_2, %get3A_3] : memref<5000x8xf32, #tpu.memory_space<vmem>>, vector<5000x8xf32>
    %get3A_5 = arith.constant 0 : index
    %get3A_6 = arith.constant 0 : index
    %get3A_7 = vector.load %arg4[%get3A_5, %get3A_6] : memref<8x8xf32, #tpu.memory_space<vmem>>, vector<8x8xf32>
    %dot_general3A = arith.constant dense<0.000000e+00> : vector<5000x8xf32>
    %dot_general3A_8 = tpu.matmul %get3A_4, %get3A_7, %dot_general3A {dimension_numbers = #tpu.dot_dimension_numbers<[1], [0], [0], [1], [0, 0, 1, 1], [], []>, transpose_lhs_hint = false} : vector<5000x8xf32>, vector<8x8xf32>, vector<5000x8xf32> -> vector<5000x8xf32>
    %mul3A = vector.broadcast %get3A_1 : vector<5000x1xf32> to vector<5000x8xf32>
    %mul3A_9 = arith.mulf %mul3A, %dot_general3A_8 : vector<5000x8xf32>
    %swap3A = arith.constant 0 : index
    %swap3A_10 = arith.constant 0 : index
    %swap3A_11 = vector.load %arg6[%swap3A, %swap3A_10] : memref<5000x8xf32, #tpu.memory_space<vmem>>, vector<5000x8xf32>
    tpu.vector_store %arg6[%swap3A, %swap3A_10], %mul3A_9 {strides = array<i32>} : memref<5000x8xf32, #tpu.memory_space<vmem>>, vector<5000x8xf32>,
    %get3A_12 = arith.constant 0 : index
    %get3A_13 = arith.constant 0 : index
    %get3A_14 = vector.load %arg2[%get3A_12, %get3A_13] : memref<5000x8xf32, #tpu.memory_space<vmem>>, vector<5000x8xf32>
    %get3A_15 = arith.constant 0 : index
    %get3A_16 = arith.constant 0 : index
    %get3A_17 = vector.load %arg5[%get3A_15, %get3A_16] : memref<8x8xf32, #tpu.memory_space<vmem>>, vector<8x8xf32>
    %dot_general3A_18 = arith.constant dense<0.000000e+00> : vector<5000x8xf32>
    %dot_general3A_19 = tpu.matmul %get3A_14, %get3A_17, %dot_general3A_18 {dimension_numbers = #tpu.dot_dimension_numbers<[1], [0], [0], [1], [0, 0, 1, 1], [], []>, transpose_lhs_hint = false} : vector<5000x8xf32>, vector<8x8xf32>, vector<5000x8xf32> -> vector<5000x8xf32>
    %mul3A_20 = vector.broadcast %get3A_1 : vector<5000x1xf32> to vector<5000x8xf32>
    %mul3A_21 = arith.mulf %mul3A_20, %dot_general3A_19 : vector<5000x8xf32>
    %swap3A_22 = arith.constant 0 : index
    %swap3A_23 = arith.constant 0 : index
    %swap3A_24 = vector.load %arg7[%swap3A_22, %swap3A_23] : memref<5000x8xf32, #tpu.memory_space<vmem>>, vector<5000x8xf32>
    tpu.vector_store %arg7[%swap3A_22, %swap3A_23], %mul3A_21 {strides = array<i32>} : memref<5000x8xf32, #tpu.memory_space<vmem>>, vector<5000x8xf32>,
    return
  }
  func.func @transform_0(%arg0: i32) -> (i32, i32) {
    %c0_i32 = arith.constant 0 : i32
    %c0_i32_0 = arith.constant 0 : i32
    return %arg0, %c0_i32 : i32, i32
  }
  func.func @transform_1(%arg0: i32) -> (i32, i32) {
    %c0_i32 = arith.constant 0 : i32
    %c0_i32_0 = arith.constant 0 : i32
    return %arg0, %c0_i32 : i32, i32
  }
  func.func @transform_2(%arg0: i32) -> (i32, i32) {
    %c0_i32 = arith.constant 0 : i32
    %c0_i32_0 = arith.constant 0 : i32
    return %arg0, %c0_i32 : i32, i32
  }
  func.func @transform_3(%arg0: i32) -> (i32, i32) {
    %c0_i32 = arith.constant 0 : i32
    %c0_i32_0 = arith.constant 0 : i32
    %c0_i32_1 = arith.constant 0 : i32
    return %c0_i32, %c0_i32_0 : i32, i32
  }
  func.func @transform_4(%arg0: i32) -> (i32, i32) {
    %c0_i32 = arith.constant 0 : i32
    %c0_i32_0 = arith.constant 0 : i32
    %c0_i32_1 = arith.constant 0 : i32
    return %c0_i32, %c0_i32_0 : i32, i32
  }
  func.func @transform_5(%arg0: i32) -> (i32, i32) {
    %c0_i32 = arith.constant 0 : i32
    %c0_i32_0 = arith.constant 0 : i32
    return %arg0, %c0_i32 : i32, i32
  }
  func.func @transform_6(%arg0: i32) -> (i32, i32) {
    %c0_i32 = arith.constant 0 : i32
    %c0_i32_0 = arith.constant 0 : i32
    return %arg0, %c0_i32 : i32, i32
  }
}

</mosaic_0001>

<sc_bundles>
// kernel: kernel.4.cloned.1.call-start
scs
__scs_entry_jumppad:
0x0: {  	(pc) =	sbr.rel $0x88, $3  }
0x1: {  	(tag) =	ssettag $0x0;
	lr =	simm.s32 $0x1  }
0x2: {  	[smem:$0x3F9D] =	sst lr;
	_ =	strace $0xD0000000  }
0x3: {  	_ = 	snop  }
0x4: {  	_ = 	snop  }
0x5: {  	_ = 	snop  }
0x6: {  	_ = 	snop  }
0x7: {  	_ = 	snop  }
__scs_overlays_trampoline_lowered:
0x8: {  	[smem:$0x3FAC] =	sst s0  }
0x9: {  	[smem:$0x3FAD] =	sst s1  }
0xa: {  	[smem:$0x3FAE] =	sst s2  }
0xb: {  	[smem:$0x3FAF] =	sst s3  }
0xc: {  	[smem:$0x3FB0] =	sst s4  }
0xd: {  	[smem:$0x3FB1] =	sst s5  }
0xe: {  	[smem:$0x3FB2] =	sst s6  }
0xf: {  	[smem:$0x3FB3] =	sst s7  }
0x10: {  	[smem:$0x3FB4] =	sst s8  }
0x11: {  	[smem:$0x3FB5] =	sst s9;
	s0 =	simm.s32 @!p0 $0x0  }
0x12: {  	s1 =	sld [smem:$0x3F9B];
	s0 =	simm.s32 @p0 $0x1  }
0x13: {  	[smem:$0x3FB6] =	sst s0;
	s0 =	simm.s32 @!p1 $0x0  }
0x14: {  	s2 =	sld [smem:$0x3F9A];
	s0 =	simm.s32 @p1 $0x1  }
0x15: {  	[smem:$0x3FB7] =	sst s0;
	s0 =	simm.s32 @!p2 $0x0  }
0x16: {  	s3 =	sld [smem:$0x3FDB];
	s0 =	simm.s32 @p2 $0x1  }
0x17: {  	s4 =	simm.s32 $0x1BF5;
	[smem:$0x3FB9] =	sst s0  }
0x18: {  	s0 =	sld [smem:$0x3F9C];
	_ =	swait.ge [sflag:s4], $0x0  }
0x19: {  	s7 =	sld [smem:$0x3F9D]  }
0x1a: {  	s8 =	sadd.s32 $0xFFFFE003, lr  }
0x1b: {  	s9 =	sadd.s32 $0xFFFFFEF7, lr;
	s5 =	simm.s32 $0xFFFFFFFF;
	p2 =	slt.u32 s8, $0xFFFFF086  }
0x1c: {  	p1 =	slt.u32 s9, $0xF7A;
	s5 =	simm.s32 @!p2 $0x0  }
0x1d: {  	s5 =	simm.s32 @p1 $0x1;
	p0 =	seq.s32 s7, s2  }
0x1e: {  	s7 =	smul.u32 @!p0 $0xF7A, s2;
	p2 =	seq.s32 @!p0 s5, $0x0  }
0x1f: {  	s9 =	smul.u32 $0xF7A, s1;
	s8 =	simm.s32 @!p0 $0x1BF5;
	p2 =	por !p2, p0  }
0x20: {  	[sflag:s8] =	ssyncset.s32 @!p0 $0xFFFFF086;
	s6 =	sadd.s32 @!p0 s3, s7;
	s7 =	simm.s32 @!p0 $0x108  }
0x21: {  	s3 =	sadd.s32 s3, s9;
	s6 =	sadd.s32 @!p0 $0x88, s6;
	s7 =	simm.s32 @p2 $0x1082  }
0x22: {  	[simem:s7], [sflag:s8] =	dma.local @!p0 [hbm:s6], $0xF7A  }
0x23: {  	s9 =	sor.u32 $0xD0000000, s2;
	s6 =	simm.s32 $0x108;
	_ =	swait.ge @!p0 [sflag:s8], $0x0  }
0x24: {  	s3 =	sadd.s32 $0x88, s3;
	s6 =	simm.s32 @!p1 $0x1082;
	[sflag:s4] =	ssyncset.s32 $0xFFFFF086  }
0x25: {  	[simem:s6], [sflag:s4] =	dma.local [hbm:s3], $0xF7A  }
0x26: {  	[smem:$0x3F9D] =	sst s1;
	(tag) =	ssettag s2;
	_ =	strace s9  }
0x27: {  	s1 =	sld [smem:$0x3FAD]  }
0x28: {  	s2 =	sld [smem:$0x3FAE]  }
0x29: {  	s4 =	sld [smem:$0x3FB0]  }
0x2a: {  	p0 =	seq.s32 s5, $0x0;
	s5 =	sld [smem:$0x3FB1]  }
0x2b: {  	s6 =	sld [smem:$0x3FB2]  }
0x2c: {  	s7 =	sld [smem:$0x3FB3]  }
0x2d: {  	s3 =	simm.s32 $0x108;
	s8 =	sld [smem:$0x3FB4]  }
0x2e: {  	s3 =	simm.s32 @!p0 $0x1082;
	s9 =	sld [smem:$0x3FB5]  }
0x2f: {  	lr =	sadd.s32 s0, s3;
	s0 =	sld [smem:$0x3FAC]  }
0x30: {  	s3 =	sld [smem:$0x3FAF]  }
0x31: {  	[smem:$0x3FB8] =	sst s10  }
0x32: {  	s10 =	sld [smem:$0x3FB6];
	_ =	sdelay $0x3  }
0x33: {  	p0 =	seq.s32 s10, $0x1;
	s10 =	sld [smem:$0x3FB8];
	_ =	sdelay $0x3  }
0x34: {  	[smem:$0x3FB8] =	sst s10  }
0x35: {  	s10 =	sld [smem:$0x3FB7];
	_ =	sdelay $0x3  }
0x36: {  	p1 =	seq.s32 s10, $0x1;
	s10 =	sld [smem:$0x3FB8];
	_ =	sdelay $0x3  }
0x37: {  	[smem:$0x3FB8] =	sst s10  }
0x38: {  	s10 =	sld [smem:$0x3FB9]  }
0x39: {  	_ = 	snop;
	(pc) =	sbr.ind lr, $3  }
0x3a: {  	_ = 	snop  }
0x3b: {  	_ = 	snop  }
0x3c: {  	p2 =	seq.s32 s10, $0x1;
	s10 =	sld [smem:$0x3FB8]  }
0x3d: {  	_ =	shalt  }
0x3e: {  	_ =	shalt  }
0x3f: {  	_ =	shalt  }
0x40: {  	_ =	shalt  }
0x41: {  	_ =	shalt  }
0x42: {  	_ =	shalt  }
0x43: {  	_ =	shalt  }
0x44: {  	_ =	shalt  }
0x45: {  	_ =	shalt  }
0x46: {  	_ =	shalt  }
0x47: {  	_ =	shalt  }
0x48: {  	_ =	shalt  }
0x49: {  	_ =	shalt  }
0x4a: {  	_ =	shalt  }
0x4b: {  	_ =	shalt  }
0x4c: {  	_ =	shalt  }
0x4d: {  	_ =	shalt  }
0x4e: {  	_ =	shalt  }
0x4f: {  	_ =	shalt  }
0x50: {  	_ =	shalt  }
0x51: {  	_ =	shalt  }
0x52: {  	_ =	shalt  }
0x53: {  	_ =	shalt  }
0x54: {  	_ =	shalt  }
0x55: {  	_ =	shalt  }
0x56: {  	_ =	shalt  }
0x57: {  	_ =	shalt  }
0x58: {  	_ =	shalt  }
0x59: {  	_ =	shalt  }
0x5a: {  	_ =	shalt  }
0x5b: {  	_ =	shalt  }
0x5c: {  	_ =	shalt  }
0x5d: {  	_ =	shalt  }
0x5e: {  	_ =	shalt  }
0x5f: {  	_ =	shalt  }
0x60: {  	_ =	shalt  }
0x61: {  	_ =	shalt  }
0x62: {  	_ =	shalt  }
0x63: {  	_ =	shalt  }
0x64: {  	_ =	shalt  }
0x65: {  	_ =	shalt  }
0x66: {  	_ =	shalt  }
0x67: {  	_ =	shalt  }
0x68: {  	_ =	shalt  }
0x69: {  	_ =	shalt  }
0x6a: {  	_ =	shalt  }
0x6b: {  	_ =	shalt  }
0x6c: {  	_ =	shalt  }
0x6d: {  	_ =	shalt  }
0x6e: {  	_ =	shalt  }
0x6f: {  	_ =	shalt  }
0x70: {  	_ =	shalt  }
0x71: {  	_ =	shalt  }
0x72: {  	_ =	shalt  }
0x73: {  	_ =	shalt  }
0x74: {  	_ =	shalt  }
0x75: {  	_ =	shalt  }
0x76: {  	_ =	shalt  }
0x77: {  	_ =	shalt  }
0x78: {  	_ =	shalt  }
0x79: {  	_ =	shalt  }
0x7a: {  	_ =	shalt  }
0x7b: {  	_ =	shalt  }
0x7c: {  	_ =	shalt  }
0x7d: {  	_ =	shalt  }
0x7e: {  	_ =	shalt  }
0x7f: {  	_ =	shalt  }
0x80: {  	_ =	shalt  }
0x81: {  	_ =	shalt  }
0x82: {  	_ =	shalt  }
0x83: {  	_ =	shalt  }
0x84: {  	_ =	shalt  }
0x85: {  	_ =	shalt  }
0x86: {  	_ =	shalt  }
0x87: {  	_ =	shalt  }
.Lfunc_end0:
.L_simem_size_0:
called_computation_lowered:
.L_overlay_start_0:
0x88: {  	s2 =	sld [smem:$0x3FD9]  }
0x89: {  	s3 =	sld [smem:$0x3FFE];
	_ =	sdelay $0x1  }
0x8a: {  	s1 =	srdreg.scid  }
0x8b: {  	s0 =	sand.u32 $0x1, s1  }
0x8c: {  	s11 =	sshll.u32 s0, $0xA;
	s2 =	sadd.s32 s3, s2  }
0x8d: {  	s2 =	sadd.s32 s2, s11  }
0x8e: {  	[smem:$0x3FC4] =	sst s2  }
0x8f: {  	_ = 	snop  }
0x90: {  	s12 =	sld [smem:$0x3FD0];
	(tm) =	ssettm $0x1  }
0x91: {  	s13 =	sld [smem:$0x3FFB];
	_ =	sdelay $0x3  }
0x92: {  	_ =	strace s13  }
0x93: {  	s2 =	sld [smem:$0x3FFC];
	_ =	sdelay $0x3  }
0x94: {  	_ =	strace s2  }
0x95: {  	s2 =	sld [smem:$0x3FFD];
	_ =	sdelay $0x3  }
0x96: {  	_ =	strace s2  }
0x97: {  	_ =	strace $0x8FFFFFFF  }
0x98: {  	s14 =	sld [smem:$0x3FDB];
	_ =	sdelay $0x1  }
0x99: {  	s4 =	simm.s32 $_scs_section_size  }
0x9a: {  	s5 =	simm.s32 $_size__tile_task_arg_handler_lowered;
	s6 =	simm.s32 $_tile_task_arg_handler_lowered  }
0x9b: {  	s17 =	simm.s32 $0x1BFF;
	s16 =	sshll.u32 s6, $0x1;
	s4 =	sadd.s32 s4, s14  }
0x9c: {  	s7 =	simm.s32 $0x60;
	s15 =	sshll.u32 s5, $0x1;
	s5 =	sadd.s32 s16, s4  }
0x9d: {  	[timem:s7], [sflag:s17] =	dma.local [hbm:s5], s15  }
0x9e: {  	_ =	swait.ge [sflag:s17], s15  }
0x9f: {  	s18 =	simm.s32 $_tile_overlayer_lowered;
	s2 =	ssub.s32 $0x0, s15;
	[sflag:s17] =	ssyncset.done $0x0  }
0xa0: {  	s19 =	simm.s32 $_size__tile_overlayer_lowered;
	s5 =	sshll.u32 s18, $0x1;
	[sflag:s17] =	ssyncadd.s32 s2  }
0xa1: {  	s21 =	simm.s32 $0x0;
	s20 =	sshll.u32 s19, $0x1;
	s5 =	sadd.s32 s5, s4  }
0xa2: {  	[timem:s21], [sflag:s17] =	dma.local [hbm:s5], s20  }
0xa3: {  	_ =	swait.ge [sflag:s17], s20  }
0xa4: {  	s22 =	ssub.s32 $0x0, s20;
	[sflag:s17] =	ssyncset.done $0x0  }
0xa5: {  	[sflag:s17] =	ssyncadd.s32 s22;
	_ =	sdelay $0x1  }
0xa6: {  	s23 =	simm.s32 $0x1B8B  }
0xa7: {  	_ =	swait.ge [sflag:s23], $0x1  }
0xa8: {  	[sflag:s23] =	ssyncset.done $0x0  }
0xa9: {  	s25 =	simm.s32 $0x1B8E;
	s24 =	sld [smem:$0x3FFE];
	[sflag:s23] =	ssyncadd.s32 $0xFFFFFFFF  }
0xaa: {  	s26 =	simm.s32 $execute0_lowered;
	[smem:$0x3FD2] =	sst s25  }
0xab: {  	s6 =	sshll.u32 s26, $0x1;
	_ =	strace $0x80000046;
	[dreg:$0x1] =	wrdreg $0xFFFFFFFF  }
0xac: {  	s28 =	simm.s32 $_size_execute0_lowered;
	s4 =	sadd.s32 s4, s6;
	[dreg:$0x0] =	wrdreg $0x0  }
0xad: {  	s6 =	sshll.u32 s28, $0x1;
	[dreg:$0x2] =	wrdreg s4  }
0xae: {  	[dreg:$0x3] =	wrdreg s6  }
0xaf: {  	[dreg:$0x4] =	wrdreg $0xC0  }
0xb0: {  	_ =	task [dreg:s21], $0x5FFFF  }
0xb1: {  	[dreg:$0x1] =	wrdreg $0xFFFFFFFF  }
0xb2: {  	[dreg:$0x0] =	wrdreg $0x30  }
0xb3: {  	[dreg:$0x2] =	wrdreg $0x0  }
0xb4: {  	[dreg:$0x3] =	wrdreg $0x61C00  }
0xb5: {  	[dreg:$0x4] =	wrdreg $0x7A300  }
0xb6: {  	[dreg:$0x5] =	wrdreg $0x92A00  }
0xb7: {  	[dreg:$0x6] =	wrdreg $0xAB100  }
0xb8: {  	[dreg:$0x7] =	wrdreg $0xC3800  }
0xb9: {  	[dreg:$0x8] =	wrdreg $0x9  }
0xba: {  	_ =	task [dreg:s21], $0x9FFFF  }
0xbb: {  	[dreg:$0x1] =	wrdreg $0xFFFFFFFF  }
0xbc: {  	[dreg:$0x0] =	wrdreg $0x60  }
0xbd: {  	[dreg:$0x2] =	wrdreg s24  }
0xbe: {  	[dreg:$0x3] =	wrdreg s12  }
0xbf: {  	[dreg:$0x4] =	wrdreg $0x0  }
0xc0: {  	[dreg:$0x5] =	wrdreg $0xDBF00  }
0xc1: {  	[dreg:$0x6] =	wrdreg $0xF4600  }
0xc2: {  	[dreg:$0x7] =	wrdreg $0x10CD00  }
0xc3: {  	[dreg:$0x8] =	wrdreg $0x125400  }
0xc4: {  	[dreg:$0x9] =	wrdreg $0x13DB00  }
0xc5: {  	[dreg:$0xa] =	wrdreg $0x156200  }
0xc6: {  	[dreg:$0xb] =	wrdreg $0x16E900  }
0xc7: {  	[dreg:$0xc] =	wrdreg $0x187000  }
0xc8: {  	[dreg:$0xd] =	wrdreg $0x18700  }
0xc9: {  	[dreg:$0xe] =	wrdreg $0x30E00  }
0xca: {  	[dreg:$0xf] =	wrdreg $0x49500  }
0xcb: {  	_ =	task.clear_ibuf [dreg:s21], $0x10FFFF;
	_ =	strace $0x90000046  }
0xcc: {  	s29 =	simm.s32 $0x9;
	_ =	strace $0x80000048  }
0xcd: {  	_ =	swait.ge [sflag:s29], $0x1  }
0xce: {  	[sflag:s29] =	ssyncadd.s32 $0xFFFFFFFF  }
0xcf: {  	_ =	strace $0x90000048  }
0xd0: {  	_ =	sfence  }
0xd1: {  	s30 =	sld [smem:$0x0];
	_ =	sdelay $0x2  }
0xd2: {  	s31 =	sshll.u32 s1, $0xD;
	s1 =	sshrl.u32 s1, $0x2  }
0xd3: {  	s4 =	sand.u32 $0x4000, s31;
	s1 =	sadd.s32 s1, s30  }
0xd4: {  	s0 =	sor.u32 s4, s0;
	s1 =	sshll.u32 s1, $0x11  }
0xd5: {  	s0 =	sor.u32 s1, s0  }
0xd6: {  	s0 =	sadd.s32 $0x8F2B, s0  }
0xd7: {  	[sflag:s0] =	ssyncadd.remote.s32 $0x1  }
0xd8: {  	_ =	sfence.sel $0xFFFF  }
0xd9: {  	[dreg:$0x0] =	wrdreg $0xFFFFFFFF;
	(pc) =	sbr.abs _section_cstart, $3  }
0xda: {  	[dreg:$0x1] =	wrdreg $0xFFFFFFFF  }
0xdb: {  	_ =	task.clear_ibuf [dreg:s21], $0x2FFFF;
	_ =	strace $0x9FFFFFFF  }
0xdc: {  	(tm) =	ssettm $0x7FFFFFFF  }
0xdd: {  	_ =	shalt  }
tec
_tile_task_arg_handler_lowered:
.L_overlay_start_1:
0x0: {  	(tag) =	ssettag $0x1  }
0x1: {  	s0 =	rddreg [dreg:$0x0]  }
0x2: {  	s1 =	rddreg [dreg:$0x1]  }
0x3: {  	s2 =	rddreg [dreg:$0x2]  }
0x4: {  	s3 =	rddreg [dreg:$0x3]  }
0x5: {  	s4 =	rddreg [dreg:$0x4]  }
0x6: {  	s5 =	rddreg [dreg:$0x5]  }
0x7: {  	s6 =	rddreg [dreg:$0x6]  }
0x8: {  	s7 =	rddreg [dreg:$0x7]  }
0x9: {  	s8 =	rddreg [dreg:$0x8]  }
0xa: {  	s9 =	rddreg [dreg:$0x9]  }
0xb: {  	s10 =	rddreg [dreg:$0xa]  }
0xc: {  	s11 =	rddreg [dreg:$0xb]  }
0xd: {  	s12 =	rddreg [dreg:$0xc]  }
0xe: {  	s13 =	rddreg [dreg:$0xd]  }
0xf: {  	[smem:s0] =	sst s1  }
0x10: {  	[smem:s0+$0x1] =	sst s2  }
0x11: {  	[smem:s0+$0x2] =	sst s3  }
0x12: {  	[smem:s0+$0x3] =	sst s4  }
0x13: {  	[smem:s0+$0x4] =	sst s5  }
0x14: {  	[smem:s0+$0x5] =	sst s6  }
0x15: {  	[smem:s0+$0x6] =	sst s7  }
0x16: {  	[smem:s0+$0x7] =	sst s8  }
0x17: {  	[smem:s0+$0x8] =	sst s9  }
0x18: {  	[smem:s0+$0x9] =	sst s10  }
0x19: {  	[smem:s0+$0xA] =	sst s11  }
0x1a: {  	[smem:s0+$0xB] =	sst s12  }
0x1b: {  	[smem:s0+$0xC] =	sst s13;
	_ =	shalt  }
.Lfunc_end2:
execute0_lowered:
.L_overlay_start_2:
0x1c: {  	(tag) =	ssettag $0x2  }
0x1d: {  	s0 =	rddreg [dreg:$0x0]  }
0x1e: {  	s1 =	rddreg [dreg:$0x2]  }
0x1f: {  	s10 =	rddreg [dreg:$0x3]  }
0x20: {  	s31 =	rddreg [dreg:$0x4]  }
0x21: {  	s3 =	rddreg [dreg:$0x5]  }
0x22: {  	s4 =	rddreg [dreg:$0x6]  }
0x23: {  	s5 =	rddreg [dreg:$0x7]  }
0x24: {  	s6 =	rddreg [dreg:$0x8]  }
0x25: {  	s7 =	rddreg [dreg:$0x9]  }
0x26: {  	s8 =	rddreg [dreg:$0xa]  }
0x27: {  	s9 =	rddreg [dreg:$0xb]  }
0x28: {  	s13 =	rddreg [dreg:$0xc]  }
0x29: {  	s2 =	simm.s32 $0x0;
	s18 =	srdreg.scid;
	s29 =	stileid.u32  }
0x2a: {  	[smem:$0x7FF] =	sst s2;
	s14 =	sadd.s32 $0x16600, s0;
	s15 =	sadd.s32 $0x19800, s0  }
0x2b: {  	s16 =	sadd.s32 $0x1CA00, s0;
	s17 =	sadd.s32 $0x1FC00, s0;
	s19 =	sadd.s32 $0x22E00, s0  }
0x2c: {  	s20 =	sadd.s32 $0x26000, s0;
	s21 =	sand.u32 $0x1, s18;
	s22 =	sadd.s32 $0x2F600, s0  }
0x2d: {  	s23 =	sadd.s32 $0x32800, s0;
	s24 =	sadd.s32 $0x38C00, s0;
	s12 =	sld [smem:$0x0]  }
0x2e: {  	s25 =	sadd.s32 $0x3BE00, s0;
	s30 =	sadd.s32 $0x45400, s0;
	s11 =	sld [smem:$0x2]  }
0x2f: {  	p0 =	seq.s32 s21, $0x0;
	s28 =	ssub.s32 $0x2, s21;
	s2 =	sld [smem:$0x4]  }
0x30: {  	s22 =	smov.u32 @p0 s14;
	s14 =	sadd.s32 $0x35A00, s0;
	s23 =	smov.u32 @p0 s15  }
0x31: {  	s24 =	smov.u32 @p0 s17;
	s17 =	sadd.s32 $0x3F000, s0;
	s25 =	smov.u32 @p0 s19  }
0x32: {  	s15 =	sshrl.u32 s28, $0x1;
	s14 =	smov.u32 @p0 s16;
	s16 =	sld [smem:$0x1]  }
0x33: {  	s19 =	ssub.s32 s28, s15;
	s28 =	smul.u32 $0x1870, s29;
	s15 =	sld [smem:$0x5]  }
0x34: {  	s17 =	smov.u32 @p0 s20;
	s20 =	sld [smem:$0x3];
	s29 =	sadd.s32 $0x2C400, s0  }
0x35: {  	[smem:$0x7E7] =	sst s19;
	s30 =	smov.u32 @p0 s29;
	s29 =	sshrl.u32 s28, $0x3  }
0x36: {  	s18 =	sadd.s32 $0x29200, s0;
	[dreg:$0x12] =	wrdreg s15;
	s14 =	sadd.s32 s14, s29  }
0x37: {  	s19 =	sadd.s32 s30, s29;
	_ =	strace $0x80000047;
	[dreg:$0x16] =	wrdreg s14  }
0x38: {  	s26 =	sadd.s32 $0x42200, s0;
	s10 =	sadd.s32 s28, s10;
	[dreg:$0x1b] =	wrdreg s19  }
0x39: {  	s26 =	smov.u32 @p0 s18;
	s18 =	smov.u32 s20;
	[smem:$0x7F3] =	sst s10  }
0x3a: {  	[dreg:$0x10] =	wrdreg s18  }
0x3b: {  	[smem:$0x7FD] =	sst s16  }
0x3c: {  	s19 =	sadd.s32 $0x19CE00, s0;
	s20 =	rddreg [dreg:$0x1]  }
0x3d: {  	s14 =	sadd.s32 s0, s29;
	[dreg:$0x1d] =	wrdreg s19  }
0x3e: {  	[dreg:$0x1c] =	wrdreg s14;
	s15 =	sadd.s32 s20, s29  }
0x3f: {  	s20 =	sadd.s32 s22, s29;
	[dreg:$0x13] =	wrdreg s15  }
0x40: {  	s22 =	sadd.s32 s23, s29;
	[dreg:$0x14] =	wrdreg s20  }
0x41: {  	s23 =	sadd.s32 s24, s29;
	[dreg:$0x15] =	wrdreg s22  }
0x42: {  	s24 =	sadd.s32 s25, s29;
	[dreg:$0x17] =	wrdreg s23  }
0x43: {  	s25 =	sadd.s32 s17, s29;
	[dreg:$0x18] =	wrdreg s24  }
0x44: {  	s17 =	smov.u32 s2;
	s2 =	sadd.s32 s28, s13;
	[dreg:$0x19] =	wrdreg s25  }
0x45: {  	[smem:$0x7DF] =	sst s2  }
0x46: {  	s15 =	sadd.s32 s26, s29;
	s29 =	smov.u32 s12;
	s12 =	rddreg [dreg:$0xd]  }
0x47: {  	[dreg:$0x11] =	wrdreg s17  }
0x48: {  	s20 =	sadd.s32 $0x16200, s0;
	[dreg:$0x1a] =	wrdreg s15  }
0x49: {  	s0 =	sadd.s32 $0x15E00, s0;
	[dreg:$0x1e] =	wrdreg s20  }
0x4a: {  	s23 =	sadd.s32 s28, s5;
	[dreg:$0x1f] =	wrdreg s0  }
0x4b: {  	s26 =	sadd.s32 s28, s9;
	[smem:$0x7F1] =	sst s23  }
0x4c: {  	s2 =	sadd.s32 s28, s11;
	[smem:$0x7DE] =	sst s26  }
0x4d: {  	s24 =	sadd.s32 s28, s3;
	[smem:$0x7E3] =	sst s2  }
0x4e: {  	s25 =	sadd.s32 s28, s4;
	[smem:$0x7F5] =	sst s24  }
0x4f: {  	s22 =	smul.u32 $0x61C000, s21;
	[smem:$0x7F6] =	sst s25  }
0x50: {  	[smem:$0x7FB] =	sst s29  }
0x51: {  	s13 =	sadd.s32 s28, s12;
	[smem:$0x7DD] =	sst s22  }
0x52: {  	s23 =	sadd.s32 s28, s29;
	[smem:$0x7E0] =	sst s13  }
0x53: {  	s26 =	sadd.s32 s28, s16;
	[smem:$0x7E1] =	sst s23  }
0x54: {  	p0 =	sne.s32 s21, $0x0;
	[smem:$0x7E2] =	sst s26  }
0x55: {  	s20 =	sxor.u32 $0x1, s21;
	s21 =	sadd.s32 s28, s31;
	s26 =	sld [smem:$0x7E7]  }
0x56: {  	s30 =	smov.u32 s31;
	s15 =	sadd.s32 s28, s6;
	[smem:$0x7F4] =	sst s21  }
0x57: {  	s31 =	sadd.s32 s28, s7;
	s0 =	sadd.s32 s28, s8;
	[smem:$0x7F7] =	sst s15  }
0x58: {  	s2 =	stileid.u32;
	s13 =	sadd.s32 s28, s18;
	[smem:$0x7F8] =	sst s31  }
0x59: {  	s22 =	sadd.s32 s28, s1;
	s23 =	sadd.s32 s28, s17;
	[smem:$0x7E4] =	sst s13  }
0x5a: {  	s28 =	smov.u32 s11;
	s20 =	smul.u32 $0x61C000, s20;
	[smem:$0x7E5] =	sst s23  }
0x5b: {  	s12 =	smul.u32 $0xC380, s2;
	[smem:$0x7FC] =	sst s28  }
0x5c: {  	s23 =	smul.u32 $0xC38, s2;
	s2 =	sadd.s32 $0x12C00, s14;
	[smem:$0x7E6] =	sst s20  }
0x5d: {  	s11 =	smov.u32 s22;
	s22 =	sadd.s32 $0x9600, s14;
	[smem:$0x7EB] =	sst s2  }
0x5e: {  	[smem:$0x7EE] =	sst s22  }
0x5f: {  	[smem:$0x7F2] =	sst s11  }
0x60: {  	s19 =	sadd.s32 s12, s19;
	s12 =	sadd.s32 $0x3200, s14;
	[smem:$0x7E9] =	sst s23  }
0x61: {  	s20 =	sadd.s32 $0x6400, s14;
	[smem:$0x7EC] =	sst s12  }
0x62: {  	[smem:$0x7ED] =	sst s20  }
0x63: {  	s13 =	smax.u32 s26, $0x1;
	[smem:$0x7FA] =	sst s19  }
0x64: {  	s26 =	sadd.s32 $0x48600, s14;
	[smem:$0x7E8] =	sst s13  }
0x65: {  	s23 =	sadd.s32 $0xC800, s14;
	[smem:$0x7EA] =	sst s26  }
0x66: {  	s22 =	simm.s32 $0x4;
	[smem:$0x7EF] =	sst s23  }
0x67: {  	s2 =	simm.s32 $0x0;
	s26 =	sadd.s32 $0xFA00, s14;
	s14 =	sld [smem:$0x7F1]  }
0x68: {  	s12 =	simm.s32 $0x2;
	s13 =	smov.u32 s0;
	[smem:$0x7F0] =	sst s26  }
0x69: {  	s23 =	simm.s32 $0x1C9F0;
	s26 =	simm.s32 $0x80;
	[smem:$0x7F9] =	sst s13  }
.LBB3_1:
0x6a: {  	[smem:$0x7DC] =	sst s2  }
0x6b: {  	s0 =	rddreg [dreg:$0x1f];
	s17 =	simm.s32 $0x1C970;
	s16 =	simm.s32 $0x0  }
0x6c: {  	[tilespmem:s17], [sflag:$0x4] =	stream.linear.gather [hbm4b:s0+s16], $0x80, $0x38;
	[tilespmem:$0x1FAF0] =	vst v63  }
0x6d: {  	_ =	swait.ge [sflag:s22], $0x80  }
0x6e: {  	[sflag:s22] =	ssyncset.done $0x0  }
0x6f: {  	s18 =	rddreg [dreg:$0x1e];
	[sflag:s22] =	ssyncadd.s32 $0xFFFFFF80  }
0x70: {  	[tilespmem:s23], [sflag:$0x4] =	stream.linear.gather [hbm4b:s18+s16], $0x1880, $0x38;
	[tilespmem:$0x1FAF0] =	vst v63  }
0x71: {  	_ =	swait.ge [sflag:s22], $0x1880  }
0x72: {  	[sflag:s22] =	ssyncset.done $0x0  }
0x73: {  	[sflag:s22] =	ssyncadd.s32 $0xFFFFE780  }
0x74: {  	[spmem:s11] =	stream.linear.scatter [tilespmem:s23], [sflag:$0x4], $0x1870, $0x38;
	[tilespmem:$0x1FAF0] =	vst v63  }
0x75: {  	_ =	swait.ge [sflag:s22], $0x1870  }
0x76: {  	[sflag:s22] =	ssyncset.done $0x0  }
0x77: {  	[sflag:s22] =	ssyncadd.s32 $0xFFFFE790  }
0x78: {  	[spmem:s10] =	stream.linear.scatter [tilespmem:s23], [sflag:$0x4], $0x1870, $0x38;
	[tilespmem:$0x1FAF0] =	vst v63  }
0x79: {  	_ =	swait.ge [sflag:s22], $0x1870  }
0x7a: {  	[sflag:s22] =	ssyncset.done $0x0  }
0x7b: {  	[sflag:s22] =	ssyncadd.s32 $0xFFFFE790  }
0x7c: {  	[spmem:s21] =	stream.linear.scatter [tilespmem:s23], [sflag:$0x4], $0x1870, $0x38;
	[tilespmem:$0x1FAF0] =	vst v63  }
0x7d: {  	_ =	swait.ge [sflag:s22], $0x1870  }
0x7e: {  	[sflag:s22] =	ssyncset.done $0x0  }
0x7f: {  	[sflag:s22] =	ssyncadd.s32 $0xFFFFE790  }
0x80: {  	[spmem:s24] =	stream.linear.scatter [tilespmem:s23], [sflag:$0x4], $0x1870, $0x38;
	[tilespmem:$0x1FAF0] =	vst v63  }
0x81: {  	_ =	swait.ge [sflag:s22], $0x1870  }
0x82: {  	[sflag:s22] =	ssyncset.done $0x0  }
0x83: {  	[sflag:s22] =	ssyncadd.s32 $0xFFFFE790  }
0x84: {  	[spmem:s25] =	stream.linear.scatter [tilespmem:s23], [sflag:$0x4], $0x1870, $0x38;
	[tilespmem:$0x1FAF0] =	vst v63  }
0x85: {  	_ =	swait.ge [sflag:s22], $0x1870  }
0x86: {  	[sflag:s22] =	ssyncset.done $0x0  }
0x87: {  	[sflag:s22] =	ssyncadd.s32 $0xFFFFE790  }
0x88: {  	[spmem:s14] =	stream.linear.scatter [tilespmem:s23], [sflag:$0x4], $0x1870, $0x38;
	[tilespmem:$0x1FAF0] =	vst v63  }
0x89: {  	_ =	swait.ge [sflag:s22], $0x1870  }
0x8a: {  	[sflag:s22] =	ssyncset.done $0x0  }
0x8b: {  	[sflag:s22] =	ssyncadd.s32 $0xFFFFE790  }
0x8c: {  	[spmem:s15] =	stream.linear.scatter [tilespmem:s23], [sflag:$0x4], $0x1870, $0x38;
	[tilespmem:$0x1FAF0] =	vst v63  }
0x8d: {  	_ =	swait.ge [sflag:s22], $0x1870  }
0x8e: {  	[sflag:s22] =	ssyncset.done $0x0  }
0x8f: {  	[sflag:s22] =	ssyncadd.s32 $0xFFFFE790  }
0x90: {  	[spmem:s31] =	stream.linear.scatter [tilespmem:s23], [sflag:$0x4], $0x1870, $0x38;
	[tilespmem:$0x1FAF0] =	vst v63  }
0x91: {  	_ =	swait.ge [sflag:s22], $0x1870  }
0x92: {  	[sflag:s22] =	ssyncset.done $0x0  }
0x93: {  	[sflag:s22] =	ssyncadd.s32 $0xFFFFE790  }
0x94: {  	[spmem:s13] =	stream.linear.scatter [tilespmem:s23], [sflag:$0x4], $0x1870, $0x38;
	[tilespmem:$0x1FAF0] =	vst v63  }
0x95: {  	_ =	swait.ge [sflag:s22], $0x1870  }
0x96: {  	[sflag:s22] =	ssyncset.done $0x0  }
0x97: {  	[sflag:s22] =	ssyncadd.s32 $0xFFFFE790  }
0x98: {  	s20 =	sadd.s32 $0x0, s19;
	s23 =	simm.s32 $0x19F70;
	[bflag:$0x0] =	sbarrier.arrive $0xFFFF  }
0x99: {  	[tilespmem:s23], [sflag:$0x4] =	stream.linear.gather [hbm4b:s20+s16], $0x880, $0x38;
	[tilespmem:$0x1FAF0] =	vst v63  }
0x9a: {  	_ =	swait.ge [sflag:s22], $0x880  }
0x9b: {  	[sflag:s22] =	ssyncset.done $0x0  }
0x9c: {  	[sflag:s22] =	ssyncadd.s32 $0xFFFFF780  }
0x9d: {  	[spmem:s1] =	stream.indirect.scatter.add.f32 [tilespmem:s17], [sflag:$0x1], $0x1, s23, s26, $0xb8;
	[tilespmem:$0x1FAF0] =	vst v63  }
0x9e: {  	s21 =	simm.s32 $0x19FF0  }
0x9f: {  	[spmem:s1] =	stream.indirect.scatter.add.f32 [tilespmem:s17], [sflag:$0x1], $0x1, s21, s26, $0xb8;
	[tilespmem:$0x1FAF0] =	vst v63  }
0xa0: {  	s24 =	simm.s32 $0x1A070  }
0xa1: {  	[spmem:s1] =	stream.indirect.scatter.add.f32 [tilespmem:s17], [sflag:$0x1], $0x1, s24, s26, $0xb8;
	[tilespmem:$0x1FAF0] =	vst v63  }
0xa2: {  	s25 =	simm.s32 $0x1A0F0  }
0xa3: {  	[spmem:s1] =	stream.indirect.scatter.add.f32 [tilespmem:s17], [sflag:$0x1], $0x1, s25, s26, $0xb8;
	[tilespmem:$0x1FAF0] =	vst v63  }
0xa4: {  	s16 =	simm.s32 $0x1A170  }
0xa5: {  	[spmem:s1] =	stream.indirect.scatter.add.f32 [tilespmem:s17], [sflag:$0x1], $0x1, s16, s26, $0xb8;
	[tilespmem:$0x1FAF0] =	vst v63  }
0xa6: {  	s25 =	simm.s32 $0x1A1F0  }
0xa7: {  	[spmem:s1] =	stream.indirect.scatter.add.f32 [tilespmem:s17], [sflag:$0x1], $0x1, s25, s26, $0xb8;
	[tilespmem:$0x1FAF0] =	vst v63  }
0xa8: {  	s21 =	smov.u32 s19;
	s19 =	simm.s32 $0x1A270  }
0xa9: {  	[spmem:s1] =	stream.indirect.scatter.add.f32 [tilespmem:s17], [sflag:$0x1], $0x1, s19, s26, $0xb8;
	[tilespmem:$0x1FAF0] =	vst v63  }
0xaa: {  	s31 =	simm.s32 $0x1A2F0  }
0xab: {  	[spmem:s1] =	stream.indirect.scatter.add.f32 [tilespmem:s17], [sflag:$0x1], $0x1, s31, s26, $0xb8;
	[tilespmem:$0x1FAF0] =	vst v63  }
0xac: {  	s10 =	simm.s32 $0x1A370  }
0xad: {  	[spmem:s1] =	stream.indirect.scatter.add.f32 [tilespmem:s17], [sflag:$0x1], $0x1, s10, s26, $0xb8;
	[tilespmem:$0x1FAF0] =	vst v63  }
0xae: {  	s29 =	simm.s32 $0x1A3F0  }
0xaf: {  	[spmem:s1] =	stream.indirect.scatter.add.f32 [tilespmem:s17], [sflag:$0x1], $0x1, s29, s26, $0xb8;
	[tilespmem:$0x1FAF0] =	vst v63  }
0xb0: {  	s2 =	simm.s32 $0x1A470  }
0xb1: {  	[spmem:s1] =	stream.indirect.scatter.add.f32 [tilespmem:s17], [sflag:$0x1], $0x1, s2, s26, $0xb8;
	[tilespmem:$0x1FAF0] =	vst v63  }
0xb2: {  	s18 =	simm.s32 $0x1A4F0  }
0xb3: {  	[spmem:s1] =	stream.indirect.scatter.add.f32 [tilespmem:s17], [sflag:$0x1], $0x1, s18, s26, $0xb8;
	[tilespmem:$0x1FAF0] =	vst v63  }
0xb4: {  	s28 =	simm.s32 $0x1A570  }
0xb5: {  	[spmem:s1] =	stream.indirect.scatter.add.f32 [tilespmem:s17], [sflag:$0x1], $0x1, s28, s26, $0xb8;
	[tilespmem:$0x1FAF0] =	vst v63  }
0xb6: {  	s11 =	simm.s32 $0x1A5F0  }
0xb7: {  	[spmem:s1] =	stream.indirect.scatter.add.f32 [tilespmem:s17], [sflag:$0x1], $0x1, s11, s26, $0xb8;
	[tilespmem:$0x1FAF0] =	vst v63  }
0xb8: {  	s20 =	simm.s32 $0x1A670  }
0xb9: {  	[spmem:s1] =	stream.indirect.scatter.add.f32 [tilespmem:s17], [sflag:$0x1], $0x1, s20, s26, $0xb8;
	[tilespmem:$0x1FAF0] =	vst v63  }
0xba: {  	s13 =	simm.s32 $0x1A6F0  }
0xbb: {  	[spmem:s1] =	stream.indirect.scatter.add.f32 [tilespmem:s17], [sflag:$0x1], $0x1, s13, s26, $0xb8;
	[tilespmem:$0x1FAF0] =	vst v63  }
0xbc: {  	s14 =	simm.s32 $0x1;
	s24 =	simm.s32 $0x1A770  }
0xbd: {  	[spmem:s1] =	stream.indirect.scatter.add.f32 [tilespmem:s17], [sflag:$0x1], $0x1, s24, s26, $0xb8;
	[tilespmem:$0x1FAF0] =	vst v63  }
0xbe: {  	_ =	swait.ge [sflag:s14], $0x880  }
0xbf: {  	s0 =	simm.s32 $0x110;
	[sflag:s14] =	ssyncset.done $0x0  }
.LBB3_2:
0xc0: {  	p1 =	sne.s32 s0, $0xC270  }
0xc1: {  	[sflag:s14] =	ssyncadd.s32 $0xFFFFF780;
	s14 =	smov.u32 s0;
	s0 =	sadd.s32 $0x110, s0  }
0xc2: {  	s15 =	simm.s32 $0x0;
	s14 =	sadd.s32 s14, s21  }
0xc3: {  	[tilespmem:s23], [sflag:$0x4] =	stream.linear.gather [hbm4b:s14+s15], $0x880, $0x38;
	[tilespmem:$0x1FAF0] =	vst v63  }
0xc4: {  	s14 =	simm.s32 $0x1  }
0xc5: {  	_ =	swait.ge [sflag:s22], $0x880  }
0xc6: {  	[sflag:s22] =	ssyncset.done $0x0  }
0xc7: {  	[sflag:s22] =	ssyncadd.s32 $0xFFFFF780  }
0xc8: {  	[spmem:s1] =	stream.indirect.scatter.add.f32 [tilespmem:s17], [sflag:$0x1], $0x1, s23, s26, $0xb8;
	[tilespmem:$0x1FAF0] =	vst v63  }
0xc9: {  	s15 =	simm.s32 $0x19FF0  }
0xca: {  	[spmem:s1] =	stream.indirect.scatter.add.f32 [tilespmem:s17], [sflag:$0x1], $0x1, s15, s26, $0xb8;
	[tilespmem:$0x1FAF0] =	vst v63  }
0xcb: {  	s15 =	simm.s32 $0x1A070  }
0xcc: {  	[spmem:s1] =	stream.indirect.scatter.add.f32 [tilespmem:s17], [sflag:$0x1], $0x1, s15, s26, $0xb8;
	[tilespmem:$0x1FAF0] =	vst v63  }
0xcd: {  	s15 =	simm.s32 $0x1A0F0  }
0xce: {  	[spmem:s1] =	stream.indirect.scatter.add.f32 [tilespmem:s17], [sflag:$0x1], $0x1, s15, s26, $0xb8;
	[tilespmem:$0x1FAF0] =	vst v63  }
0xcf: {  	_ = 	snop  }
0xd0: {  	[spmem:s1] =	stream.indirect.scatter.add.f32 [tilespmem:s17], [sflag:$0x1], $0x1, s16, s26, $0xb8;
	[tilespmem:$0x1FAF0] =	vst v63  }
0xd1: {  	_ = 	snop  }
0xd2: {  	[spmem:s1] =	stream.indirect.scatter.add.f32 [tilespmem:s17], [sflag:$0x1], $0x1, s25, s26, $0xb8;
	[tilespmem:$0x1FAF0] =	vst v63  }
0xd3: {  	_ = 	snop  }
0xd4: {  	[spmem:s1] =	stream.indirect.scatter.add.f32 [tilespmem:s17], [sflag:$0x1], $0x1, s19, s26, $0xb8;
	[tilespmem:$0x1FAF0] =	vst v63  }
0xd5: {  	_ = 	snop  }
0xd6: {  	[spmem:s1] =	stream.indirect.scatter.add.f32 [tilespmem:s17], [sflag:$0x1], $0x1, s31, s26, $0xb8;
	[tilespmem:$0x1FAF0] =	vst v63  }
0xd7: {  	_ = 	snop  }
0xd8: {  	[spmem:s1] =	stream.indirect.scatter.add.f32 [tilespmem:s17], [sflag:$0x1], $0x1, s10, s26, $0xb8;
	[tilespmem:$0x1FAF0] =	vst v63  }
0xd9: {  	_ = 	snop  }
0xda: {  	[spmem:s1] =	stream.indirect.scatter.add.f32 [tilespmem:s17], [sflag:$0x1], $0x1, s29, s26, $0xb8;
	[tilespmem:$0x1FAF0] =	vst v63  }
0xdb: {  	_ = 	snop  }
0xdc: {  	[spmem:s1] =	stream.indirect.scatter.add.f32 [tilespmem:s17], [sflag:$0x1], $0x1, s2, s26, $0xb8;
	[tilespmem:$0x1FAF0] =	vst v63  }
0xdd: {  	_ = 	snop  }
0xde: {  	[spmem:s1] =	stream.indirect.scatter.add.f32 [tilespmem:s17], [sflag:$0x1], $0x1, s18, s26, $0xb8;
	[tilespmem:$0x1FAF0] =	vst v63  }
0xdf: {  	_ = 	snop  }
0xe0: {  	[spmem:s1] =	stream.indirect.scatter.add.f32 [tilespmem:s17], [sflag:$0x1], $0x1, s28, s26, $0xb8;
	[tilespmem:$0x1FAF0] =	vst v63  }
0xe1: {  	_ = 	snop  }
0xe2: {  	[spmem:s1] =	stream.indirect.scatter.add.f32 [tilespmem:s17], [sflag:$0x1], $0x1, s11, s26, $0xb8;
	[tilespmem:$0x1FAF0] =	vst v63  }
0xe3: {  	_ = 	snop  }
0xe4: {  	[spmem:s1] =	stream.indirect.scatter.add.f32 [tilespmem:s17], [sflag:$0x1], $0x1, s20, s26, $0xb8;
	[tilespmem:$0x1FAF0] =	vst v63  }
0xe5: {  	_ = 	snop  }
0xe6: {  	[spmem:s1] =	stream.indirect.scatter.add.f32 [tilespmem:s17], [sflag:$0x1], $0x1, s13, s26, $0xb8;
	[tilespmem:$0x1FAF0] =	vst v63  }
.Ltmp0:
0xe7: {  	_ = 	snop;
	(pc) =	sbr.rel @p1 .LBB3_2-.Ltmp0, $4  }
0xe8: {  	_ = 	snop  }
0xe9: {  	[spmem:s1] =	stream.indirect.scatter.add.f32 [tilespmem:s17], [sflag:$0x1], $0x1, s24, s26, $0xb8;
	[tilespmem:$0x1FAF0] =	vst v63  }
0xea: {  	_ =	swait.ge [sflag:s14], $0x880  }
0xeb: {  	[sflag:s14] =	ssyncset.done $0x0  }
0xec: {  	[sflag:s14] =	ssyncadd.s32 $0xFFFFF780  }
0xed: {  	[bflag:$0x0] =	sbarrier.arrive $0xFFFF  }
0xee: {  	s20 =	sld [smem:$0x7F2];
	_ =	sdelay $0x1  }
0xef: {  	s0 =	simm.s32 $0x1E270  }
0xf0: {  	[tilespmem:s0], [sflag:$0x4] =	stream.linear.gather [spmem:s20], $0x1870, $0x38;
	[tilespmem:$0x1FAF0] =	vst v63  }
0xf1: {  	_ =	swait.ge [sflag:s22], $0x1870  }
0xf2: {  	s14 =	simm.s32 $0x40;
	[sflag:s22] =	ssyncset.done $0x0  }
0xf3: {  	s13 =	simm.s32 $0x4;
	s0 =	simm.s32 $0x0;
	[sflag:s22] =	ssyncadd.s32 $0xFFFFE790  }
.LBB3_4:
0xf4: {  	p1 =	sne.s32 s14, $0x6180;
	v0 =	vld [tilespmem:s0+$0x1E270];
	_ =	sdelay $0x4  }
0xf5: {  	v1 =	vshrl.u32 v0, $0x1;
	v0 =	vmul.f32 $5.000000000e-01, v0  }
0xf6: {  	v1 =	vsub.s32 $0x5F3759DF, v1  }
0xf7: {  	v2 =	vmul.f32 v1, v0;
	_ =	sdelay $0x1  }
0xf8: {  	v2 =	vmul.f32 v1, v2;
	_ =	sdelay $0x1  }
0xf9: {  	v2 =	vsub.f32 $1.500000000e+00, v2;
	_ =	sdelay $0x1  }
0xfa: {  	v1 =	vmul.f32 v1, v2;
	_ =	sdelay $0x1  }
0xfb: {  	v2 =	vmul.f32 v1, v0;
	_ =	sdelay $0x1  }
0xfc: {  	v2 =	vmul.f32 v2, v1;
	_ =	sdelay $0x1  }
0xfd: {  	v2 =	vsub.f32 $1.500000000e+00, v2;
	_ =	sdelay $0x1  }
0xfe: {  	v1 =	vmul.f32 v2, v1;
	_ =	sdelay $0x1  }
0xff: {  	v0 =	vmul.f32 v1, v0;
	_ =	sdelay $0x1  }
0x100: {  	v0 =	vmul.f32 v0, v1;
	_ =	sdelay $0x1  }
.Ltmp1:
0x101: {  	v0 =	vsub.f32 $1.500000000e+00, v0;
	(pc) =	sbr.rel @p1 .LBB3_4-.Ltmp1, $3  }
0x102: {  	_ = 	snop  }
0x103: {  	v0 =	vmul.f32 v0, v1;
	_ =	sdelay $0x1  }
0x104: {  	[tilespmem:s0+$0x1E270] =	vst v0;
	s0 =	sshra.s32 s14, $0x2;
	s14 =	sadd.s32 $0x40, s14  }
0x105: {  	v0 =	vld [tilespmem:s0+$0x1E270];
	_ =	sdelay $0x4  }
0x106: {  	v1 =	vshrl.u32 v0, $0x1;
	v0 =	vmul.f32 $5.000000000e-01, v0  }
0x107: {  	v1 =	vsub.s32 $0x5F3759DF, v1  }
0x108: {  	v2 =	vmul.f32 v1, v0;
	_ =	sdelay $0x1  }
0x109: {  	v2 =	vmul.f32 v1, v2;
	_ =	sdelay $0x1  }
0x10a: {  	v2 =	vsub.f32 $1.500000000e+00, v2;
	_ =	sdelay $0x1  }
0x10b: {  	v1 =	vmul.f32 v1, v2;
	_ =	sdelay $0x1  }
0x10c: {  	v2 =	vmul.f32 v1, v0;
	_ =	sdelay $0x1  }
0x10d: {  	v2 =	vmul.f32 v2, v1;
	_ =	sdelay $0x1  }
0x10e: {  	v2 =	vsub.f32 $1.500000000e+00, v2;
	_ =	sdelay $0x1  }
0x10f: {  	v1 =	vmul.f32 v2, v1;
	_ =	sdelay $0x1  }
0x110: {  	v0 =	vmul.f32 v1, v0;
	_ =	sdelay $0x1  }
0x111: {  	v0 =	vmul.f32 v0, v1;
	_ =	sdelay $0x1  }
0x112: {  	v0 =	vsub.f32 $1.500000000e+00, v0;
	_ =	sdelay $0x1  }
0x113: {  	s1 =	sld [smem:$0x7EA];
	v0 =	vmul.f32 v0, v1;
	_ =	sdelay $0x1  }
0x114: {  	s14 =	simm.s32 @!p0 $0x1E270;
	[tilespmem:s0+$0x1E270] =	vst v0;
	s0 =	simm.s32 @!p0 $0x0  }
0x115: {  	[hbm4b:s1+s0] =	stream.linear.scatter @!p0 [tilespmem:s14], [sflag:$0x4], $0x1870, $0x38;
	[tilespmem:$0x1FAF0] =	vst v63  }
0x116: {  	s0 =	simm.s32 @!p0 $0x4  }
0x117: {  	_ =	swait.ge @!p0 [sflag:s0], $0x1870  }
0x118: {  	s31 =	sld [smem:$0x7EB]  }
0x119: {  	[sflag:s0] =	ssyncset.done @!p0 $0x0  }
0x11a: {  	s25 =	simm.s32 $0x0;
	s22 =	simm.s32 $0x1C9F0;
	[sflag:s0] =	ssyncadd.s32 @!p0 $0xFFFFE790  }
0x11b: {  	[tilespmem:s22], [sflag:$0x4] =	stream.linear.gather [hbm4b:s31+s25], $0x1870, $0x38;
	[tilespmem:$0x1FAF0] =	vst v63  }
0x11c: {  	_ =	swait.ge [sflag:s13], $0x1870  }
0x11d: {  	s29 =	sld [smem:$0x7FB]  }
0x11e: {  	s18 =	rddreg [dreg:$0x10]  }
0x11f: {  	[sflag:s13] =	ssyncset.done $0x0;
	s28 =	sld [smem:$0x7FC]  }
0x120: {  	s16 =	sld [smem:$0x7FD];
	[sflag:s13] =	ssyncadd.s32 $0xFFFFE790  }
0x121: {  	s2 =	rddreg [dreg:$0x3]  }
0x122: {  	s11 =	rddreg [dreg:$0xc]  }
0x123: {  	s14 =	simm.s32 $0x40;
	s0 =	simm.s32 $0x0;
	s10 =	rddreg [dreg:$0xd]  }
.LBB3_6:
0x124: {  	p1 =	sne.s32 s14, $0x6180;
	v0 =	vld [tilespmem:s0+$0x1C9F0]  }
0x125: {  	v1 =	vld [tilespmem:s0+$0x1E270];
	_ =	sdelay $0x2  }
.Ltmp2:
0x126: {  	(pc) =	sbr.rel @p1 .LBB3_6-.Ltmp2, $3  }
0x127: {  	v0 =	vmax.f32 v0, $0.0e+00  }
0x128: {  	v0 =	vmul.f32 v1, v0;
	_ =	sdelay $0x1  }
0x129: {  	[tilespmem:s0+$0x1C9F0] =	vst v0;
	s0 =	sshra.s32 s14, $0x2;
	s14 =	sadd.s32 $0x40, s14  }
0x12a: {  	v0 =	vld [tilespmem:s0+$0x1C9F0]  }
0x12b: {  	v1 =	vld [tilespmem:s0+$0x1E270];
	_ =	sdelay $0x3  }
0x12c: {  	v0 =	vmax.f32 v0, $0.0e+00  }
0x12d: {  	s25 =	sld [smem:$0x7DE];
	v0 =	vmul.f32 v1, v0;
	_ =	sdelay $0x1  }
0x12e: {  	[tilespmem:s0+$0x1C9F0] =	vst v0  }
0x12f: {  	[spmem:s25] =	stream.linear.scatter [tilespmem:s22], [sflag:$0x4], $0x1870, $0x38;
	[tilespmem:$0x1FAF0] =	vst v63  }
0x130: {  	_ =	swait.ge [sflag:s13], $0x1870  }
0x131: {  	[sflag:s13] =	ssyncset.done $0x0  }
0x132: {  	s31 =	simm.s32 $0x0;
	s1 =	rddreg [dreg:$0x1c];
	[sflag:s13] =	ssyncadd.s32 $0xFFFFE790  }
0x133: {  	[tilespmem:s22], [sflag:$0x4] =	stream.linear.gather [hbm4b:s1+s31], $0x1870, $0x38;
	[tilespmem:$0x1FAF0] =	vst v63  }
0x134: {  	_ =	swait.ge [sflag:s13], $0x1870  }
0x135: {  	[sflag:s13] =	ssyncset.done $0x0  }
0x136: {  	s14 =	simm.s32 $0x40;
	s0 =	simm.s32 $0x0;
	[sflag:s13] =	ssyncadd.s32 $0xFFFFE790  }
.LBB3_8:
0x137: {  	p1 =	sne.s32 s14, $0x6180;
	v0 =	vld [tilespmem:s0+$0x1C9F0]  }
0x138: {  	v1 =	vld [tilespmem:s0+$0x1E270];
	_ =	sdelay $0x2  }
.Ltmp3:
0x139: {  	(pc) =	sbr.rel @p1 .LBB3_8-.Ltmp3, $3  }
0x13a: {  	v0 =	vmax.f32 v0, $0.0e+00  }
0x13b: {  	v0 =	vmul.f32 v1, v0;
	_ =	sdelay $0x1  }
0x13c: {  	[tilespmem:s0+$0x1C9F0] =	vst v0;
	s0 =	sshra.s32 s14, $0x2;
	s14 =	sadd.s32 $0x40, s14  }
0x13d: {  	v0 =	vld [tilespmem:s0+$0x1C9F0]  }
0x13e: {  	v1 =	vld [tilespmem:s0+$0x1E270];
	_ =	sdelay $0x3  }
0x13f: {  	v0 =	vmax.f32 v0, $0.0e+00  }
0x140: {  	s25 =	sld [smem:$0x7DF];
	v0 =	vmul.f32 v1, v0;
	_ =	sdelay $0x1  }
0x141: {  	[tilespmem:s0+$0x1C9F0] =	vst v0  }
0x142: {  	[spmem:s25] =	stream.linear.scatter [tilespmem:s22], [sflag:$0x4], $0x1870, $0x38;
	[tilespmem:$0x1FAF0] =	vst v63  }
0x143: {  	_ =	swait.ge [sflag:s13], $0x1870  }
0x144: {  	s1 =	sld [smem:$0x7EC]  }
0x145: {  	[sflag:s13] =	ssyncset.done $0x0  }
0x146: {  	s31 =	simm.s32 $0x0;
	[sflag:s13] =	ssyncadd.s32 $0xFFFFE790  }
0x147: {  	[tilespmem:s22], [sflag:$0x4] =	stream.linear.gather [hbm4b:s1+s31], $0x1870, $0x38;
	[tilespmem:$0x1FAF0] =	vst v63  }
0x148: {  	_ =	swait.ge [sflag:s13], $0x1870  }
0x149: {  	[sflag:s13] =	ssyncset.done $0x0  }
0x14a: {  	s14 =	simm.s32 $0x40;
	s0 =	simm.s32 $0x0;
	[sflag:s13] =	ssyncadd.s32 $0xFFFFE790  }
.LBB3_10:
0x14b: {  	p1 =	sne.s32 s14, $0x6180;
	v0 =	vld [tilespmem:s0+$0x1C9F0]  }
0x14c: {  	v1 =	vld [tilespmem:s0+$0x1E270];
	_ =	sdelay $0x2  }
.Ltmp4:
0x14d: {  	(pc) =	sbr.rel @p1 .LBB3_10-.Ltmp4, $3  }
0x14e: {  	v0 =	vmax.f32 v0, $0.0e+00  }
0x14f: {  	v0 =	vmul.f32 v1, v0;
	_ =	sdelay $0x1  }
0x150: {  	[tilespmem:s0+$0x1C9F0] =	vst v0;
	s0 =	sshra.s32 s14, $0x2;
	s14 =	sadd.s32 $0x40, s14  }
0x151: {  	v0 =	vld [tilespmem:s0+$0x1C9F0]  }
0x152: {  	v1 =	vld [tilespmem:s0+$0x1E270];
	_ =	sdelay $0x3  }
0x153: {  	v0 =	vmax.f32 v0, $0.0e+00  }
0x154: {  	s25 =	sld [smem:$0x7E0];
	v0 =	vmul.f32 v1, v0;
	_ =	sdelay $0x1  }
0x155: {  	[tilespmem:s0+$0x1C9F0] =	vst v0  }
0x156: {  	[spmem:s25] =	stream.linear.scatter [tilespmem:s22], [sflag:$0x4], $0x1870, $0x38;
	[tilespmem:$0x1FAF0] =	vst v63  }
0x157: {  	_ =	swait.ge [sflag:s13], $0x1870  }
0x158: {  	s1 =	sld [smem:$0x7ED]  }
0x159: {  	[sflag:s13] =	ssyncset.done $0x0  }
0x15a: {  	s31 =	simm.s32 $0x0;
	[sflag:s13] =	ssyncadd.s32 $0xFFFFE790  }
0x15b: {  	[tilespmem:s22], [sflag:$0x4] =	stream.linear.gather [hbm4b:s1+s31], $0x1870, $0x38;
	[tilespmem:$0x1FAF0] =	vst v63  }
0x15c: {  	_ =	swait.ge [sflag:s13], $0x1870  }
0x15d: {  	[sflag:s13] =	ssyncset.done $0x0  }
0x15e: {  	s14 =	simm.s32 $0x40;
	s0 =	simm.s32 $0x0;
	[sflag:s13] =	ssyncadd.s32 $0xFFFFE790  }
.LBB3_12:
0x15f: {  	p1 =	sne.s32 s14, $0x6180;
	v0 =	vld [tilespmem:s0+$0x1C9F0]  }
0x160: {  	v1 =	vld [tilespmem:s0+$0x1E270];
	_ =	sdelay $0x2  }
.Ltmp5:
0x161: {  	(pc) =	sbr.rel @p1 .LBB3_12-.Ltmp5, $3  }
0x162: {  	v0 =	vmax.f32 v0, $0.0e+00  }
0x163: {  	v0 =	vmul.f32 v1, v0;
	_ =	sdelay $0x1  }
0x164: {  	[tilespmem:s0+$0x1C9F0] =	vst v0;
	s0 =	sshra.s32 s14, $0x2;
	s14 =	sadd.s32 $0x40, s14  }
0x165: {  	v0 =	vld [tilespmem:s0+$0x1C9F0]  }
0x166: {  	v1 =	vld [tilespmem:s0+$0x1E270];
	_ =	sdelay $0x3  }
0x167: {  	v0 =	vmax.f32 v0, $0.0e+00  }
0x168: {  	s25 =	sld [smem:$0x7E1];
	v0 =	vmul.f32 v1, v0;
	_ =	sdelay $0x1  }
0x169: {  	[tilespmem:s0+$0x1C9F0] =	vst v0  }
0x16a: {  	[spmem:s25] =	stream.linear.scatter [tilespmem:s22], [sflag:$0x4], $0x1870, $0x38;
	[tilespmem:$0x1FAF0] =	vst v63  }
0x16b: {  	_ =	swait.ge [sflag:s13], $0x1870  }
0x16c: {  	s1 =	sld [smem:$0x7EE]  }
0x16d: {  	[sflag:s13] =	ssyncset.done $0x0  }
0x16e: {  	s31 =	simm.s32 $0x0;
	[sflag:s13] =	ssyncadd.s32 $0xFFFFE790  }
0x16f: {  	[tilespmem:s22], [sflag:$0x4] =	stream.linear.gather [hbm4b:s1+s31], $0x1870, $0x38;
	[tilespmem:$0x1FAF0] =	vst v63  }
0x170: {  	_ =	swait.ge [sflag:s13], $0x1870  }
0x171: {  	[sflag:s13] =	ssyncset.done $0x0  }
0x172: {  	s14 =	simm.s32 $0x40;
	s0 =	simm.s32 $0x0;
	[sflag:s13] =	ssyncadd.s32 $0xFFFFE790  }
.LBB3_14:
0x173: {  	p1 =	sne.s32 s14, $0x6180;
	v0 =	vld [tilespmem:s0+$0x1C9F0]  }
0x174: {  	v1 =	vld [tilespmem:s0+$0x1E270];
	_ =	sdelay $0x2  }
.Ltmp6:
0x175: {  	(pc) =	sbr.rel @p1 .LBB3_14-.Ltmp6, $3  }
0x176: {  	v0 =	vmax.f32 v0, $0.0e+00  }
0x177: {  	v0 =	vmul.f32 v1, v0;
	_ =	sdelay $0x1  }
0x178: {  	[tilespmem:s0+$0x1C9F0] =	vst v0;
	s0 =	sshra.s32 s14, $0x2;
	s14 =	sadd.s32 $0x40, s14  }
0x179: {  	v0 =	vld [tilespmem:s0+$0x1C9F0]  }
0x17a: {  	v1 =	vld [tilespmem:s0+$0x1E270];
	_ =	sdelay $0x3  }
0x17b: {  	v0 =	vmax.f32 v0, $0.0e+00  }
0x17c: {  	s25 =	sld [smem:$0x7E2];
	v0 =	vmul.f32 v1, v0;
	_ =	sdelay $0x1  }
0x17d: {  	[tilespmem:s0+$0x1C9F0] =	vst v0  }
0x17e: {  	[spmem:s25] =	stream.linear.scatter [tilespmem:s22], [sflag:$0x4], $0x1870, $0x38;
	[tilespmem:$0x1FAF0] =	vst v63  }
0x17f: {  	_ =	swait.ge [sflag:s13], $0x1870  }
0x180: {  	s1 =	sld [smem:$0x7EF]  }
0x181: {  	[sflag:s13] =	ssyncset.done $0x0  }
0x182: {  	s31 =	simm.s32 $0x0;
	[sflag:s13] =	ssyncadd.s32 $0xFFFFE790  }
0x183: {  	[tilespmem:s22], [sflag:$0x4] =	stream.linear.gather [hbm4b:s1+s31], $0x1870, $0x38;
	[tilespmem:$0x1FAF0] =	vst v63  }
0x184: {  	_ =	swait.ge [sflag:s13], $0x1870  }
0x185: {  	[sflag:s13] =	ssyncset.done $0x0  }
0x186: {  	s14 =	simm.s32 $0x40;
	s0 =	simm.s32 $0x0;
	[sflag:s13] =	ssyncadd.s32 $0xFFFFE790  }
.LBB3_16:
0x187: {  	p1 =	sne.s32 s14, $0x6180;
	v0 =	vld [tilespmem:s0+$0x1C9F0]  }
0x188: {  	v1 =	vld [tilespmem:s0+$0x1E270];
	_ =	sdelay $0x2  }
.Ltmp7:
0x189: {  	(pc) =	sbr.rel @p1 .LBB3_16-.Ltmp7, $3  }
0x18a: {  	v0 =	vmax.f32 v0, $0.0e+00  }
0x18b: {  	v0 =	vmul.f32 v1, v0;
	_ =	sdelay $0x1  }
0x18c: {  	[tilespmem:s0+$0x1C9F0] =	vst v0;
	s0 =	sshra.s32 s14, $0x2;
	s14 =	sadd.s32 $0x40, s14  }
0x18d: {  	v0 =	vld [tilespmem:s0+$0x1C9F0]  }
0x18e: {  	v1 =	vld [tilespmem:s0+$0x1E270];
	_ =	sdelay $0x3  }
0x18f: {  	v0 =	vmax.f32 v0, $0.0e+00  }
0x190: {  	s25 =	sld [smem:$0x7E3];
	v0 =	vmul.f32 v1, v0;
	_ =	sdelay $0x1  }
0x191: {  	[tilespmem:s0+$0x1C9F0] =	vst v0  }
0x192: {  	[spmem:s25] =	stream.linear.scatter [tilespmem:s22], [sflag:$0x4], $0x1870, $0x38;
	[tilespmem:$0x1FAF0] =	vst v63  }
0x193: {  	_ =	swait.ge [sflag:s13], $0x1870  }
0x194: {  	s1 =	sld [smem:$0x7F0]  }
0x195: {  	[sflag:s13] =	ssyncset.done $0x0  }
0x196: {  	s31 =	simm.s32 $0x0;
	[sflag:s13] =	ssyncadd.s32 $0xFFFFE790  }
0x197: {  	[tilespmem:s22], [sflag:$0x4] =	stream.linear.gather [hbm4b:s1+s31], $0x1870, $0x38;
	[tilespmem:$0x1FAF0] =	vst v63  }
0x198: {  	_ =	swait.ge [sflag:s13], $0x1870  }
0x199: {  	[sflag:s13] =	ssyncset.done $0x0  }
0x19a: {  	s14 =	simm.s32 $0x40;
	s0 =	simm.s32 $0x0;
	[sflag:s13] =	ssyncadd.s32 $0xFFFFE790  }
.LBB3_18:
0x19b: {  	p1 =	sne.s32 s14, $0x6180;
	v0 =	vld [tilespmem:s0+$0x1C9F0]  }
0x19c: {  	v1 =	vld [tilespmem:s0+$0x1E270];
	_ =	sdelay $0x2  }
.Ltmp8:
0x19d: {  	(pc) =	sbr.rel @p1 .LBB3_18-.Ltmp8, $3  }
0x19e: {  	v0 =	vmax.f32 v0, $0.0e+00  }
0x19f: {  	v0 =	vmul.f32 v1, v0;
	_ =	sdelay $0x1  }
0x1a0: {  	[tilespmem:s0+$0x1C9F0] =	vst v0;
	s0 =	sshra.s32 s14, $0x2;
	s14 =	sadd.s32 $0x40, s14  }
0x1a1: {  	v0 =	vld [tilespmem:s0+$0x1C9F0]  }
0x1a2: {  	v1 =	vld [tilespmem:s0+$0x1E270];
	_ =	sdelay $0x3  }
0x1a3: {  	v0 =	vmax.f32 v0, $0.0e+00  }
0x1a4: {  	s25 =	sld [smem:$0x7E4];
	v0 =	vmul.f32 v1, v0;
	_ =	sdelay $0x1  }
0x1a5: {  	[tilespmem:s0+$0x1C9F0] =	vst v0  }
0x1a6: {  	[spmem:s25] =	stream.linear.scatter [tilespmem:s22], [sflag:$0x4], $0x1870, $0x38;
	[tilespmem:$0x1FAF0] =	vst v63  }
0x1a7: {  	_ =	swait.ge [sflag:s13], $0x1870  }
0x1a8: {  	[sflag:s13] =	ssyncset.done $0x0  }
0x1a9: {  	s31 =	simm.s32 $0x0;
	s1 =	rddreg [dreg:$0x13];
	[sflag:s13] =	ssyncadd.s32 $0xFFFFE790  }
0x1aa: {  	[tilespmem:s22], [sflag:$0x4] =	stream.linear.gather [hbm4b:s1+s31], $0x1870, $0x38;
	[tilespmem:$0x1FAF0] =	vst v63  }
0x1ab: {  	_ =	swait.ge [sflag:s13], $0x1870  }
0x1ac: {  	[sflag:s13] =	ssyncset.done $0x0  }
0x1ad: {  	s14 =	simm.s32 $0x40;
	s0 =	simm.s32 $0x0;
	[sflag:s13] =	ssyncadd.s32 $0xFFFFE790  }
.LBB3_20:
0x1ae: {  	p1 =	sne.s32 s14, $0x6180;
	v0 =	vld [tilespmem:s0+$0x1C9F0]  }
0x1af: {  	v1 =	vld [tilespmem:s0+$0x1E270];
	_ =	sdelay $0x2  }
.Ltmp9:
0x1b0: {  	(pc) =	sbr.rel @p1 .LBB3_20-.Ltmp9, $3  }
0x1b1: {  	v0 =	vmax.f32 v0, $0.0e+00  }
0x1b2: {  	v0 =	vmul.f32 v1, v0;
	_ =	sdelay $0x1  }
0x1b3: {  	[tilespmem:s0+$0x1C9F0] =	vst v0;
	s0 =	sshra.s32 s14, $0x2;
	s14 =	sadd.s32 $0x40, s14  }
0x1b4: {  	v0 =	vld [tilespmem:s0+$0x1C9F0]  }
0x1b5: {  	v1 =	vld [tilespmem:s0+$0x1E270];
	_ =	sdelay $0x3  }
0x1b6: {  	v0 =	vmax.f32 v0, $0.0e+00  }
0x1b7: {  	s31 =	sld [smem:$0x7E5];
	v0 =	vmul.f32 v1, v0;
	_ =	sdelay $0x1  }
0x1b8: {  	[tilespmem:s0+$0x1C9F0] =	vst v0  }
0x1b9: {  	[spmem:s31] =	stream.linear.scatter [tilespmem:s22], [sflag:$0x4], $0x1870, $0x38;
	[tilespmem:$0x1FAF0] =	vst v63  }
0x1ba: {  	_ =	swait.ge [sflag:s13], $0x1870  }
0x1bb: {  	[sflag:s13] =	ssyncset.done $0x0  }
0x1bc: {  	p1 =	por $0x0, $0x0;
	s19 =	simm.s32 $0x0;
	[sflag:s13] =	ssyncadd.s32 $0xFFFFE790  }
0x1bd: {  	s24 =	simm.s32 $0x0;
	s20 =	simm.s32 $0x0;
	[bflag:$0x0] =	sbarrier.arrive $0xFFFF  }
.LBB3_22:
0x1be: {  	s0 =	simm.s32 $0x1  }
0x1bf: {  	s14 =	smul.u32 $0x11, s20;
	s1 =	sld [smem:$0x7E9];
	s0 =	simm.s32 @!p1 $0x0  }
0x1c0: {  	[smem:$0x7D9] =	sst s20;
	s0 =	smul.u32 $0x2200, s0  }
0x1c1: {  	s17 =	sand.u32 $0x1, s20;
	s31 =	sld [smem:$0x7DD]  }
0x1c2: {  	s22 =	rddreg [dreg:$0x1d];
	s14 =	sadd.s32 s1, s14;
	s0 =	sshrl.u32 s0, $0x2  }
0x1c3: {  	s17 =	smul.u32 $0x880, s17;
	s14 =	sshll.u32 s14, $0x7;
	s25 =	sadd.s32 $0x19F70, s0  }
0x1c4: {  	s21 =	sadd.s32 s31, s14;
	s0 =	sor.u32 $0x1B070, s0;
	[dreg:$0xe] =	wrdreg s25  }
0x1c5: {  	s15 =	sshrl.u32 s21, $0x3;
	[dreg:$0xf] =	wrdreg s0  }
0x1c6: {  	s21 =	sadd.s32 $0x19F70, s17;
	s20 =	sadd.s32 s22, s15;
	s15 =	simm.s32 $0x0  }
0x1c7: {  	[tilespmem:s21], [sflag:$0x4] =	stream.linear.gather [hbm4b:s20+s15], $0x880, $0x38;
	[tilespmem:$0x1FAF0] =	vst v63  }
0x1c8: {  	_ =	swait.ge [sflag:s13], $0x880  }
0x1c9: {  	s23 =	sld [smem:$0x7E6];
	_ =	sdelay $0x2  }
0x1ca: {  	s0 =	sadd.s32 s23, s14  }
0x1cb: {  	[sflag:s13] =	ssyncset.done $0x0;
	s0 =	sshrl.u32 s0, $0x3  }
0x1cc: {  	s25 =	sor.u32 $0x1B070, s17;
	[sflag:s13] =	ssyncadd.s32 $0xFFFFF780;
	s0 =	sadd.s32 s22, s0  }
0x1cd: {  	[tilespmem:s25], [sflag:$0x4] =	stream.linear.gather [hbm4b:s0+s15], $0x880, $0x38;
	[tilespmem:$0x1FAF0] =	vst v63  }
0x1ce: {  	p2 =	slt.u32 s19, $0x2;
	_ =	swait.ge [sflag:s13], $0x880  }
0x1cf: {  	p2 =	por p2, p2;
	[sflag:s13] =	ssyncset.done $0x0  }
0x1d0: {  	s0 =	simm.s32 @!p2 $0x3;
	[sflag:s13] =	ssyncadd.s32 $0xFFFFF780  }
0x1d1: {  	s1 =	sshrl.u32 s24, $0x2;
	_ =	swait.ge @!p2 [sflag:s0], $0x400  }
0x1d2: {  	s17 =	sand.u32 $0x400, s1;
	s31 =	rddreg [dreg:$0xe];
	[sflag:s0] =	ssyncset.done @!p2 $0x0  }
0x1d3: {  	[sflag:s0] =	ssyncadd.s32 @!p2 $0xFFFFFC00;
	s0 =	sor.u32 $0x1C170, s17;
	s14 =	sadd.s32 $0x0, s31  }
0x1d4: {  	[tilespmem:s0], [sflag:$0x2] =	stream.indirect.gather [spmem:s9], $0x1, s14, s26, $0xb8;
	[tilespmem:$0x1FAF0] =	vst v63  }
0x1d5: {  	s20 =	sor.u32 $0x1C1F0, s17  }
0x1d6: {  	[tilespmem:s20], [sflag:$0x2] =	stream.indirect.gather [spmem:s11], $0x1, s14, s26, $0xb8;
	[tilespmem:$0x1FAF0] =	vst v63  }
0x1d7: {  	s21 =	sor.u32 $0x1C270, s17  }
0x1d8: {  	[tilespmem:s21], [sflag:$0x2] =	stream.indirect.gather [spmem:s10], $0x1, s14, s26, $0xb8;
	[tilespmem:$0x1FAF0] =	vst v63  }
0x1d9: {  	s22 =	sor.u32 $0x1C2F0, s17  }
0x1da: {  	[tilespmem:s22], [sflag:$0x2] =	stream.indirect.gather [spmem:s29], $0x1, s14, s26, $0xb8;
	[tilespmem:$0x1FAF0] =	vst v63  }
0x1db: {  	s23 =	sor.u32 $0x1C370, s17  }
0x1dc: {  	[tilespmem:s23], [sflag:$0x2] =	stream.indirect.gather [spmem:s16], $0x1, s14, s26, $0xb8;
	[tilespmem:$0x1FAF0] =	vst v63  }
0x1dd: {  	s31 =	smov.u32 s24;
	s24 =	sor.u32 $0x1C3F0, s17  }
0x1de: {  	[tilespmem:s24], [sflag:$0x2] =	stream.indirect.gather [spmem:s28], $0x1, s14, s26, $0xb8;
	[tilespmem:$0x1FAF0] =	vst v63  }
0x1df: {  	s25 =	sadd.s32 $0x1C470, s17  }
0x1e0: {  	[tilespmem:s25], [sflag:$0x2] =	stream.indirect.gather [spmem:s18], $0x1, s14, s26, $0xb8;
	[tilespmem:$0x1FAF0] =	vst v63  }
0x1e1: {  	s13 =	rddreg [dreg:$0x11];
	s18 =	smov.u32 s28;
	s28 =	sadd.s32 $0x1C4F0, s17  }
0x1e2: {  	[tilespmem:s28], [sflag:$0x2] =	stream.indirect.gather [spmem:s13], $0x1, s14, s26, $0xb8;
	[tilespmem:$0x1FAF0] =	vst v63  }
0x1e3: {  	_ =	swait.ge [sflag:s12], $0x80  }
0x1e4: {  	[sflag:s12] =	ssyncset.done $0x0  }
0x1e5: {  	[sflag:s12] =	ssyncadd.s32 $0xFFFFFF80  }
0x1e6: {  	_ =	swait.ge [sflag:s12], $0x80  }
0x1e7: {  	[sflag:s12] =	ssyncset.done $0x0  }
0x1e8: {  	[sflag:s12] =	ssyncadd.s32 $0xFFFFFF80  }
0x1e9: {  	_ =	swait.ge [sflag:s12], $0x80  }
0x1ea: {  	[sflag:s12] =	ssyncset.done $0x0  }
0x1eb: {  	[sflag:s12] =	ssyncadd.s32 $0xFFFFFF80  }
0x1ec: {  	_ =	swait.ge [sflag:s12], $0x80  }
0x1ed: {  	[sflag:s12] =	ssyncset.done $0x0  }
0x1ee: {  	[sflag:s12] =	ssyncadd.s32 $0xFFFFFF80  }
0x1ef: {  	_ =	swait.ge [sflag:s12], $0x80  }
0x1f0: {  	[sflag:s12] =	ssyncset.done $0x0  }
0x1f1: {  	[sflag:s12] =	ssyncadd.s32 $0xFFFFFF80  }
0x1f2: {  	_ =	swait.ge [sflag:s12], $0x80  }
0x1f3: {  	[sflag:s12] =	ssyncset.done $0x0  }
0x1f4: {  	[sflag:s12] =	ssyncadd.s32 $0xFFFFFF80  }
0x1f5: {  	_ =	swait.ge [sflag:s12], $0x80  }
0x1f6: {  	[sflag:s12] =	ssyncset.done $0x0  }
0x1f7: {  	[sflag:s12] =	ssyncadd.s32 $0xFFFFFF80  }
0x1f8: {  	_ =	swait.ge [sflag:s12], $0x80  }
0x1f9: {  	s17 =	rddreg [dreg:$0xf];
	[sflag:s12] =	ssyncset.done $0x0  }
0x1fa: {  	s13 =	smov.u32 s29;
	[sflag:s12] =	ssyncadd.s32 $0xFFFFFF80;
	s29 =	sadd.s32 $0x0, s17  }
0x1fb: {  	[spmem:s2] =	stream.indirect.scatter.add.f32 [tilespmem:s0], [sflag:$0x3], $0x1, s29, s26, $0xb8;
	[tilespmem:$0x1FAF0] =	vst v63  }
0x1fc: {  	_ = 	snop  }
0x1fd: {  	[spmem:s30] =	stream.indirect.scatter.add.f32 [tilespmem:s20], [sflag:$0x3], $0x1, s29, s26, $0xb8;
	[tilespmem:$0x1FAF0] =	vst v63  }
0x1fe: {  	_ = 	snop  }
0x1ff: {  	[spmem:s3] =	stream.indirect.scatter.add.f32 [tilespmem:s21], [sflag:$0x3], $0x1, s29, s26, $0xb8;
	[tilespmem:$0x1FAF0] =	vst v63  }
0x200: {  	_ = 	snop  }
0x201: {  	[spmem:s4] =	stream.indirect.scatter.add.f32 [tilespmem:s22], [sflag:$0x3], $0x1, s29, s26, $0xb8;
	[tilespmem:$0x1FAF0] =	vst v63  }
0x202: {  	_ = 	snop  }
0x203: {  	[spmem:s5] =	stream.indirect.scatter.add.f32 [tilespmem:s23], [sflag:$0x3], $0x1, s29, s26, $0xb8;
	[tilespmem:$0x1FAF0] =	vst v63  }
0x204: {  	s15 =	smov.u32 s10  }
0x205: {  	[spmem:s6] =	stream.indirect.scatter.add.f32 [tilespmem:s24], [sflag:$0x3], $0x1, s29, s26, $0xb8;
	[tilespmem:$0x1FAF0] =	vst v63  }
0x206: {  	s14 =	simm.s32 $0x400;
	[smem:$0x7DA] =	sst s19;
	s24 =	sadd.s32 $0x1, s19  }
0x207: {  	[smem:$0x7DB] =	sst s31;
	s20 =	simm.s32 $0x200;
	p6 =	slt.u32 s24, $0x2  }
0x208: {  	[spmem:s7] =	stream.indirect.scatter.add.f32 [tilespmem:s25], [sflag:$0x3], $0x1, s29, s26, $0xb8;
	[tilespmem:$0x1FAF0] =	vst v63  }
0x209: {  	s21 =	sadd.s32 $0x1, s24;
	s24 =	sadd.s32 $0x1000, s31;
	p2 =	por p6, p6  }
.LBB3_23:
0x20a: {  	[spmem:s8] =	stream.indirect.scatter.add.f32 [tilespmem:s28], [sflag:$0x3], $0x1, s29, s26, $0xb8;
	[tilespmem:$0x1FAF0] =	vst v63  }
0x20b: {  	s17 =	simm.s32 @!p2 $0x3  }
0x20c: {  	s23 =	sshrl.u32 s24, $0x2;
	s29 =	sshra.s32 s20, $0x2;
	_ =	swait.ge @!p2 [sflag:s17], $0x400  }
0x20d: {  	s28 =	sand.u32 $0x400, s23;
	s22 =	rddreg [dreg:$0xe];
	[sflag:s17] =	ssyncset.done @!p2 $0x0  }
0x20e: {  	[sflag:s17] =	ssyncadd.s32 @!p2 $0xFFFFFC00;
	s17 =	sor.u32 $0x1C170, s28;
	s1 =	sadd.s32 s29, s22  }
0x20f: {  	[tilespmem:s17], [sflag:$0x2] =	stream.indirect.gather [spmem:s9], $0x1, s1, s26, $0xb8;
	[tilespmem:$0x1FAF0] =	vst v63  }
0x210: {  	s10 =	smov.u32 s9;
	s9 =	smov.u32 s8  }
0x211: {  	s8 =	smov.u32 s7;
	s7 =	smov.u32 s6;
	s6 =	smov.u32 s5  }
0x212: {  	s5 =	smov.u32 s4;
	s4 =	smov.u32 s3;
	s3 =	sor.u32 $0x1C1F0, s28  }
0x213: {  	[tilespmem:s3], [sflag:$0x2] =	stream.indirect.gather [spmem:s11], $0x1, s1, s26, $0xb8;
	[tilespmem:$0x1FAF0] =	vst v63  }
0x214: {  	s25 =	sor.u32 $0x1C270, s28  }
0x215: {  	[tilespmem:s25], [sflag:$0x2] =	stream.indirect.gather [spmem:s15], $0x1, s1, s26, $0xb8;
	[tilespmem:$0x1FAF0] =	vst v63  }
0x216: {  	s31 =	sor.u32 $0x1C2F0, s28  }
0x217: {  	[tilespmem:s31], [sflag:$0x2] =	stream.indirect.gather [spmem:s13], $0x1, s1, s26, $0xb8;
	[tilespmem:$0x1FAF0] =	vst v63  }
0x218: {  	s0 =	smov.u32 s14;
	s23 =	sor.u32 $0x1C370, s28  }
0x219: {  	[tilespmem:s23], [sflag:$0x2] =	stream.indirect.gather [spmem:s16], $0x1, s1, s26, $0xb8;
	[tilespmem:$0x1FAF0] =	vst v63  }
0x21a: {  	s20 =	smov.u32 s0;
	s0 =	sor.u32 $0x1C3F0, s28  }
0x21b: {  	[tilespmem:s0], [sflag:$0x2] =	stream.indirect.gather [spmem:s18], $0x1, s1, s26, $0xb8;
	[tilespmem:$0x1FAF0] =	vst v63  }
0x21c: {  	s19 =	rddreg [dreg:$0x10];
	s22 =	sadd.s32 $0x1C470, s28  }
0x21d: {  	[tilespmem:s22], [sflag:$0x2] =	stream.indirect.gather [spmem:s19], $0x1, s1, s26, $0xb8;
	[tilespmem:$0x1FAF0] =	vst v63  }
0x21e: {  	s28 =	sadd.s32 $0x1C4F0, s28;
	s19 =	rddreg [dreg:$0x11]  }
0x21f: {  	[tilespmem:s28], [sflag:$0x2] =	stream.indirect.gather [spmem:s19], $0x1, s1, s26, $0xb8;
	[tilespmem:$0x1FAF0] =	vst v63  }
0x220: {  	_ =	swait.ge [sflag:s12], $0x80  }
0x221: {  	[sflag:s12] =	ssyncset.done $0x0  }
0x222: {  	[sflag:s12] =	ssyncadd.s32 $0xFFFFFF80  }
0x223: {  	_ =	swait.ge [sflag:s12], $0x80  }
0x224: {  	[sflag:s12] =	ssyncset.done $0x0  }
0x225: {  	[sflag:s12] =	ssyncadd.s32 $0xFFFFFF80  }
0x226: {  	_ =	swait.ge [sflag:s12], $0x80  }
0x227: {  	[sflag:s12] =	ssyncset.done $0x0  }
0x228: {  	[sflag:s12] =	ssyncadd.s32 $0xFFFFFF80  }
0x229: {  	_ =	swait.ge [sflag:s12], $0x80  }
0x22a: {  	[sflag:s12] =	ssyncset.done $0x0  }
0x22b: {  	[sflag:s12] =	ssyncadd.s32 $0xFFFFFF80  }
0x22c: {  	_ =	swait.ge [sflag:s12], $0x80  }
0x22d: {  	[sflag:s12] =	ssyncset.done $0x0  }
0x22e: {  	[sflag:s12] =	ssyncadd.s32 $0xFFFFFF80  }
0x22f: {  	_ =	swait.ge [sflag:s12], $0x80  }
0x230: {  	[sflag:s12] =	ssyncset.done $0x0  }
0x231: {  	[sflag:s12] =	ssyncadd.s32 $0xFFFFFF80  }
0x232: {  	_ =	swait.ge [sflag:s12], $0x80  }
0x233: {  	[sflag:s12] =	ssyncset.done $0x0  }
0x234: {  	[sflag:s12] =	ssyncadd.s32 $0xFFFFFF80  }
0x235: {  	_ =	swait.ge [sflag:s12], $0x80  }
0x236: {  	s19 =	rddreg [dreg:$0xf];
	[sflag:s12] =	ssyncset.done $0x0  }
0x237: {  	[sflag:s12] =	ssyncadd.s32 $0xFFFFFF80;
	s29 =	sadd.s32 s29, s19  }
0x238: {  	[spmem:s2] =	stream.indirect.scatter.add.f32 [tilespmem:s17], [sflag:$0x3], $0x1, s29, s26, $0xb8;
	[tilespmem:$0x1FAF0] =	vst v63  }
0x239: {  	_ = 	snop  }
0x23a: {  	[spmem:s30] =	stream.indirect.scatter.add.f32 [tilespmem:s3], [sflag:$0x3], $0x1, s29, s26, $0xb8;
	[tilespmem:$0x1FAF0] =	vst v63  }
0x23b: {  	s3 =	smov.u32 s4  }
0x23c: {  	[spmem:s3] =	stream.indirect.scatter.add.f32 [tilespmem:s25], [sflag:$0x3], $0x1, s29, s26, $0xb8;
	[tilespmem:$0x1FAF0] =	vst v63  }
0x23d: {  	s14 =	sadd.s32 $0x200, s14;
	s4 =	smov.u32 s5  }
0x23e: {  	[spmem:s4] =	stream.indirect.scatter.add.f32 [tilespmem:s31], [sflag:$0x3], $0x1, s29, s26, $0xb8;
	[tilespmem:$0x1FAF0] =	vst v63  }
0x23f: {  	p3 =	sne.s32 s14, $0x2200;
	s5 =	smov.u32 s6  }
0x240: {  	[spmem:s5] =	stream.indirect.scatter.add.f32 [tilespmem:s23], [sflag:$0x3], $0x1, s29, s26, $0xb8;
	[tilespmem:$0x1FAF0] =	vst v63  }
.Ltmp10:
0x241: {  	p4 =	slt.u32 s21, $0x2;
	s21 =	sadd.s32 $0x1, s21;
	(pc) =	sbr.rel @p3 .LBB3_23-.Ltmp10, $4  }
0x242: {  	s24 =	sadd.s32 $0x1000, s24;
	p2 =	por p4, p4;
	s6 =	smov.u32 s7  }
0x243: {  	[spmem:s6] =	stream.indirect.scatter.add.f32 [tilespmem:s0], [sflag:$0x3], $0x1, s29, s26, $0xb8;
	[tilespmem:$0x1FAF0] =	vst v63  }
0x244: {  	s7 =	smov.u32 s8;
	s8 =	smov.u32 s9;
	s9 =	smov.u32 s10  }
0x245: {  	[spmem:s7] =	stream.indirect.scatter.add.f32 [tilespmem:s22], [sflag:$0x3], $0x1, s29, s26, $0xb8;
	[tilespmem:$0x1FAF0] =	vst v63  }
0x246: {  	[spmem:s8] =	stream.indirect.scatter.add.f32 [tilespmem:s28], [sflag:$0x3], $0x1, s29, s26, $0xb8;
	[tilespmem:$0x1FAF0] =	vst v63  }
0x247: {  	s0 =	simm.s32 @!p2 $0x3  }
0x248: {  	s14 =	sshrl.u32 s24, $0x2;
	s17 =	sshra.s32 s20, $0x2;
	_ =	swait.ge @!p2 [sflag:s0], $0x400  }
0x249: {  	s14 =	sand.u32 $0x400, s14;
	s1 =	rddreg [dreg:$0xe];
	[sflag:s0] =	ssyncset.done @!p2 $0x0  }
0x24a: {  	s20 =	sor.u32 $0x1C170, s14;
	[sflag:s0] =	ssyncadd.s32 @!p2 $0xFFFFFC00;
	s1 =	sadd.s32 s17, s1  }
0x24b: {  	[tilespmem:s20], [sflag:$0x2] =	stream.indirect.gather [spmem:s9], $0x1, s1, s26, $0xb8;
	[tilespmem:$0x1FAF0] =	vst v63  }
0x24c: {  	s24 =	sor.u32 $0x1C1F0, s14  }
0x24d: {  	[tilespmem:s24], [sflag:$0x2] =	stream.indirect.gather [spmem:s11], $0x1, s1, s26, $0xb8;
	[tilespmem:$0x1FAF0] =	vst v63  }
0x24e: {  	s21 =	sor.u32 $0x1C270, s14  }
0x24f: {  	[tilespmem:s21], [sflag:$0x2] =	stream.indirect.gather [spmem:s15], $0x1, s1, s26, $0xb8;
	[tilespmem:$0x1FAF0] =	vst v63  }
0x250: {  	s22 =	sor.u32 $0x1C2F0, s14  }
0x251: {  	[tilespmem:s22], [sflag:$0x2] =	stream.indirect.gather [spmem:s13], $0x1, s1, s26, $0xb8;
	[tilespmem:$0x1FAF0] =	vst v63  }
0x252: {  	s23 =	sor.u32 $0x1C370, s14  }
0x253: {  	[tilespmem:s23], [sflag:$0x2] =	stream.indirect.gather [spmem:s16], $0x1, s1, s26, $0xb8;
	[tilespmem:$0x1FAF0] =	vst v63  }
0x254: {  	s31 =	sor.u32 $0x1C3F0, s14  }
0x255: {  	[tilespmem:s31], [sflag:$0x2] =	stream.indirect.gather [spmem:s18], $0x1, s1, s26, $0xb8;
	[tilespmem:$0x1FAF0] =	vst v63  }
0x256: {  	s28 =	smov.u32 s18;
	s25 =	sadd.s32 $0x1C470, s14;
	s18 =	rddreg [dreg:$0x10]  }
0x257: {  	[tilespmem:s25], [sflag:$0x2] =	stream.indirect.gather [spmem:s18], $0x1, s1, s26, $0xb8;
	[tilespmem:$0x1FAF0] =	vst v63  }
0x258: {  	s14 =	sadd.s32 $0x1C4F0, s14;
	s10 =	rddreg [dreg:$0x11]  }
0x259: {  	[tilespmem:s14], [sflag:$0x2] =	stream.indirect.gather [spmem:s10], $0x1, s1, s26, $0xb8;
	[tilespmem:$0x1FAF0] =	vst v63  }
0x25a: {  	_ =	swait.ge [sflag:s12], $0x80  }
0x25b: {  	[sflag:s12] =	ssyncset.done $0x0  }
0x25c: {  	[sflag:s12] =	ssyncadd.s32 $0xFFFFFF80  }
0x25d: {  	_ =	swait.ge [sflag:s12], $0x80  }
0x25e: {  	[sflag:s12] =	ssyncset.done $0x0  }
0x25f: {  	[sflag:s12] =	ssyncadd.s32 $0xFFFFFF80  }
0x260: {  	_ =	swait.ge [sflag:s12], $0x80  }
0x261: {  	[sflag:s12] =	ssyncset.done $0x0  }
0x262: {  	[sflag:s12] =	ssyncadd.s32 $0xFFFFFF80  }
0x263: {  	_ =	swait.ge [sflag:s12], $0x80  }
0x264: {  	[sflag:s12] =	ssyncset.done $0x0  }
0x265: {  	[sflag:s12] =	ssyncadd.s32 $0xFFFFFF80  }
0x266: {  	_ =	swait.ge [sflag:s12], $0x80  }
0x267: {  	[sflag:s12] =	ssyncset.done $0x0  }
0x268: {  	[sflag:s12] =	ssyncadd.s32 $0xFFFFFF80  }
0x269: {  	_ =	swait.ge [sflag:s12], $0x80  }
0x26a: {  	[sflag:s12] =	ssyncset.done $0x0  }
0x26b: {  	[sflag:s12] =	ssyncadd.s32 $0xFFFFFF80  }
0x26c: {  	_ =	swait.ge [sflag:s12], $0x80  }
0x26d: {  	[sflag:s12] =	ssyncset.done $0x0  }
0x26e: {  	[sflag:s12] =	ssyncadd.s32 $0xFFFFFF80  }
0x26f: {  	_ =	swait.ge [sflag:s12], $0x80  }
0x270: {  	s19 =	rddreg [dreg:$0xf];
	[sflag:s12] =	ssyncset.done $0x0  }
0x271: {  	s1 =	sadd.s32 s17, s19;
	[sflag:s12] =	ssyncadd.s32 $0xFFFFFF80  }
0x272: {  	[spmem:s2] =	stream.indirect.scatter.add.f32 [tilespmem:s20], [sflag:$0x3], $0x1, s1, s26, $0xb8;
	[tilespmem:$0x1FAF0] =	vst v63  }
0x273: {  	_ = 	snop  }
0x274: {  	[spmem:s30] =	stream.indirect.scatter.add.f32 [tilespmem:s24], [sflag:$0x3], $0x1, s1, s26, $0xb8;
	[tilespmem:$0x1FAF0] =	vst v63  }
0x275: {  	_ = 	snop  }
0x276: {  	[spmem:s3] =	stream.indirect.scatter.add.f32 [tilespmem:s21], [sflag:$0x3], $0x1, s1, s26, $0xb8;
	[tilespmem:$0x1FAF0] =	vst v63  }
0x277: {  	_ = 	snop  }
0x278: {  	[spmem:s4] =	stream.indirect.scatter.add.f32 [tilespmem:s22], [sflag:$0x3], $0x1, s1, s26, $0xb8;
	[tilespmem:$0x1FAF0] =	vst v63  }
0x279: {  	_ = 	snop  }
0x27a: {  	[spmem:s5] =	stream.indirect.scatter.add.f32 [tilespmem:s23], [sflag:$0x3], $0x1, s1, s26, $0xb8;
	[tilespmem:$0x1FAF0] =	vst v63  }
0x27b: {  	_ = 	snop  }
0x27c: {  	[spmem:s6] =	stream.indirect.scatter.add.f32 [tilespmem:s31], [sflag:$0x3], $0x1, s1, s26, $0xb8;
	[tilespmem:$0x1FAF0] =	vst v63  }
0x27d: {  	_ = 	snop  }
0x27e: {  	[spmem:s7] =	stream.indirect.scatter.add.f32 [tilespmem:s25], [sflag:$0x3], $0x1, s1, s26, $0xb8;
	[tilespmem:$0x1FAF0] =	vst v63  }
0x27f: {  	s25 =	sld [smem:$0x7D9];
	_ =	sdelay $0x2  }
0x280: {  	s20 =	sadd.s32 $0x1, s25  }
0x281: {  	s19 =	sld [smem:$0x7DA];
	p2 =	sne.s32 s20, $0xB8  }
.Ltmp11:
0x282: {  	s31 =	sld [smem:$0x7DB];
	(pc) =	sbr.rel @p2 .LBB3_22-.Ltmp11, $4  }
0x283: {  	_ = 	snop  }
0x284: {  	p1 =	por !p1, !p1;
	s29 =	smov.u32 s13;
	s13 =	simm.s32 $0x4  }
0x285: {  	s10 =	smov.u32 s15;
	s19 =	sadd.s32 $0x11, s19;
	s24 =	sadd.s32 $0x11000, s31  }
0x286: {  	[spmem:s8] =	stream.indirect.scatter.add.f32 [tilespmem:s14], [sflag:$0x3], $0x1, s1, s26, $0xb8;
	[tilespmem:$0x1FAF0] =	vst v63  }
0x287: {  	s0 =	simm.s32 $0x3  }
0x288: {  	_ =	swait.ge [sflag:s0], $0x400  }
0x289: {  	[sflag:s0] =	ssyncset.done $0x0  }
0x28a: {  	[sflag:s0] =	ssyncadd.s32 $0xFFFFFC00  }
0x28b: {  	_ =	swait.ge [sflag:s0], $0x400  }
0x28c: {  	[sflag:s0] =	ssyncset.done $0x0  }
0x28d: {  	[sflag:s0] =	ssyncadd.s32 $0xFFFFFC00  }
0x28e: {  	[bflag:$0x0] =	sbarrier.arrive $0xFFFF  }
0x28f: {  	s10 =	sld [smem:$0x7F3];
	_ =	sdelay $0x1  }
0x290: {  	s23 =	simm.s32 $0x1C9F0  }
0x291: {  	[tilespmem:s23], [sflag:$0x4] =	stream.linear.gather [spmem:s10], $0x1870, $0x38;
	[tilespmem:$0x1FAF0] =	vst v63  }
0x292: {  	_ =	swait.ge [sflag:s13], $0x1870  }
0x293: {  	s22 =	simm.s32 $0x4;
	[sflag:s13] =	ssyncset.done $0x0  }
0x294: {  	s1 =	simm.s32 $0x0;
	s14 =	rddreg [dreg:$0x14];
	[sflag:s13] =	ssyncadd.s32 $0xFFFFE790  }
0x295: {  	[hbm4b:s14+s1] =	stream.linear.scatter [tilespmem:s23], [sflag:$0x4], $0x1870, $0x38;
	[tilespmem:$0x1FAF0] =	vst v63  }
0x296: {  	_ =	swait.ge [sflag:s22], $0x1870  }
0x297: {  	s21 =	sld [smem:$0x7F4]  }
0x298: {  	[sflag:s22] =	ssyncset.done $0x0  }
0x299: {  	[sflag:s22] =	ssyncadd.s32 $0xFFFFE790  }
0x29a: {  	[tilespmem:s23], [sflag:$0x4] =	stream.linear.gather [spmem:s21], $0x1870, $0x38;
	[tilespmem:$0x1FAF0] =	vst v63  }
0x29b: {  	_ =	swait.ge [sflag:s22], $0x1870  }
0x29c: {  	[sflag:s22] =	ssyncset.done $0x0  }
0x29d: {  	s15 =	rddreg [dreg:$0x15];
	[sflag:s22] =	ssyncadd.s32 $0xFFFFE790  }
0x29e: {  	[hbm4b:s15+s1] =	stream.linear.scatter [tilespmem:s23], [sflag:$0x4], $0x1870, $0x38;
	[tilespmem:$0x1FAF0] =	vst v63  }
0x29f: {  	_ =	swait.ge [sflag:s22], $0x1870  }
0x2a0: {  	s24 =	sld [smem:$0x7F5]  }
0x2a1: {  	[sflag:s22] =	ssyncset.done $0x0  }
0x2a2: {  	[sflag:s22] =	ssyncadd.s32 $0xFFFFE790  }
0x2a3: {  	[tilespmem:s23], [sflag:$0x4] =	stream.linear.gather [spmem:s24], $0x1870, $0x38;
	[tilespmem:$0x1FAF0] =	vst v63  }
0x2a4: {  	_ =	swait.ge [sflag:s22], $0x1870  }
0x2a5: {  	[sflag:s22] =	ssyncset.done $0x0  }
0x2a6: {  	s16 =	rddreg [dreg:$0x16];
	[sflag:s22] =	ssyncadd.s32 $0xFFFFE790  }
0x2a7: {  	[hbm4b:s16+s1] =	stream.linear.scatter [tilespmem:s23], [sflag:$0x4], $0x1870, $0x38;
	[tilespmem:$0x1FAF0] =	vst v63  }
0x2a8: {  	_ =	swait.ge [sflag:s22], $0x1870  }
0x2a9: {  	s25 =	sld [smem:$0x7F6]  }
0x2aa: {  	[sflag:s22] =	ssyncset.done $0x0  }
0x2ab: {  	[sflag:s22] =	ssyncadd.s32 $0xFFFFE790  }
0x2ac: {  	[tilespmem:s23], [sflag:$0x4] =	stream.linear.gather [spmem:s25], $0x1870, $0x38;
	[tilespmem:$0x1FAF0] =	vst v63  }
0x2ad: {  	_ =	swait.ge [sflag:s22], $0x1870  }
0x2ae: {  	[sflag:s22] =	ssyncset.done $0x0  }
0x2af: {  	s17 =	rddreg [dreg:$0x17];
	[sflag:s22] =	ssyncadd.s32 $0xFFFFE790  }
0x2b0: {  	[hbm4b:s17+s1] =	stream.linear.scatter [tilespmem:s23], [sflag:$0x4], $0x1870, $0x38;
	[tilespmem:$0x1FAF0] =	vst v63  }
0x2b1: {  	_ =	swait.ge [sflag:s22], $0x1870  }
0x2b2: {  	s14 =	sld [smem:$0x7F1]  }
0x2b3: {  	[sflag:s22] =	ssyncset.done $0x0  }
0x2b4: {  	[sflag:s22] =	ssyncadd.s32 $0xFFFFE790  }
0x2b5: {  	[tilespmem:s23], [sflag:$0x4] =	stream.linear.gather [spmem:s14], $0x1870, $0x38;
	[tilespmem:$0x1FAF0] =	vst v63  }
0x2b6: {  	_ =	swait.ge [sflag:s22], $0x1870  }
0x2b7: {  	[sflag:s22] =	ssyncset.done $0x0  }
0x2b8: {  	s18 =	rddreg [dreg:$0x18];
	[sflag:s22] =	ssyncadd.s32 $0xFFFFE790  }
0x2b9: {  	[hbm4b:s18+s1] =	stream.linear.scatter [tilespmem:s23], [sflag:$0x4], $0x1870, $0x38;
	[tilespmem:$0x1FAF0] =	vst v63  }
0x2ba: {  	_ =	swait.ge [sflag:s22], $0x1870  }
0x2bb: {  	s15 =	sld [smem:$0x7F7]  }
0x2bc: {  	[sflag:s22] =	ssyncset.done $0x0  }
0x2bd: {  	[sflag:s22] =	ssyncadd.s32 $0xFFFFE790  }
0x2be: {  	[tilespmem:s23], [sflag:$0x4] =	stream.linear.gather [spmem:s15], $0x1870, $0x38;
	[tilespmem:$0x1FAF0] =	vst v63  }
0x2bf: {  	_ =	swait.ge [sflag:s22], $0x1870  }
0x2c0: {  	[sflag:s22] =	ssyncset.done $0x0  }
0x2c1: {  	s19 =	rddreg [dreg:$0x19];
	[sflag:s22] =	ssyncadd.s32 $0xFFFFE790  }
0x2c2: {  	[hbm4b:s19+s1] =	stream.linear.scatter [tilespmem:s23], [sflag:$0x4], $0x1870, $0x38;
	[tilespmem:$0x1FAF0] =	vst v63  }
0x2c3: {  	_ =	swait.ge [sflag:s22], $0x1870  }
0x2c4: {  	s31 =	sld [smem:$0x7F8]  }
0x2c5: {  	[sflag:s22] =	ssyncset.done $0x0  }
0x2c6: {  	[sflag:s22] =	ssyncadd.s32 $0xFFFFE790  }
0x2c7: {  	[tilespmem:s23], [sflag:$0x4] =	stream.linear.gather [spmem:s31], $0x1870, $0x38;
	[tilespmem:$0x1FAF0] =	vst v63  }
0x2c8: {  	_ =	swait.ge [sflag:s22], $0x1870  }
0x2c9: {  	[sflag:s22] =	ssyncset.done $0x0  }
0x2ca: {  	s20 =	rddreg [dreg:$0x1a];
	[sflag:s22] =	ssyncadd.s32 $0xFFFFE790  }
0x2cb: {  	[hbm4b:s20+s1] =	stream.linear.scatter [tilespmem:s23], [sflag:$0x4], $0x1870, $0x38;
	[tilespmem:$0x1FAF0] =	vst v63  }
0x2cc: {  	_ =	swait.ge [sflag:s22], $0x1870  }
0x2cd: {  	s13 =	sld [smem:$0x7F9]  }
0x2ce: {  	[sflag:s22] =	ssyncset.done $0x0  }
0x2cf: {  	[sflag:s22] =	ssyncadd.s32 $0xFFFFE790  }
0x2d0: {  	[tilespmem:s23], [sflag:$0x4] =	stream.linear.gather [spmem:s13], $0x1870, $0x38;
	[tilespmem:$0x1FAF0] =	vst v63  }
0x2d1: {  	_ =	swait.ge [sflag:s22], $0x1870  }
0x2d2: {  	[sflag:s22] =	ssyncset.done $0x0  }
0x2d3: {  	s28 =	rddreg [dreg:$0x1b];
	[sflag:s22] =	ssyncadd.s32 $0xFFFFE790  }
0x2d4: {  	[hbm4b:s28+s1] =	stream.linear.scatter [tilespmem:s23], [sflag:$0x4], $0x1870, $0x38;
	[tilespmem:$0x1FAF0] =	vst v63  }
0x2d5: {  	_ =	swait.ge [sflag:s22], $0x1870  }
0x2d6: {  	s2 =	sld [smem:$0x7DC]  }
0x2d7: {  	s29 =	sld [smem:$0x7E8];
	_ =	sdelay $0x1  }
0x2d8: {  	s2 =	sadd.s32 $0x1, s2  }
0x2d9: {  	p1 =	sne.s32 s2, s29  }
.Ltmp12:
0x2da: {  	_ = 	snop;
	(pc) =	sbr.rel @p1 .LBB3_1-.Ltmp12, $4  }
0x2db: {  	_ = 	snop  }
0x2dc: {  	[sflag:s22] =	ssyncset.done $0x0;
	s11 =	sld [smem:$0x7F2]  }
0x2dd: {  	s19 =	sld [smem:$0x7FA];
	[sflag:s22] =	ssyncadd.s32 $0xFFFFE790  }
0x2de: {  	s1 =	rddreg [dreg:$0x2]  }
0x2df: {  	_ =	sfence.sel $0x180000  }
0x2e0: {  	[bflag:$0x0] =	sbarrier.arrive $0xFFFF  }
0x2e1: {  	_ =	strace $0x90000047  }
0x2e2: {  	s0 =	stileid.u32;
	[bflag:$0x2] =	sbarrier.arrive $0xFFFF  }
0x2e3: {  	p0 =	sne.s32 s0, $0x0;
	s0 =	rddreg [dreg:$0x12]  }
0x2e4: {  	s0 =	sadd.s32 @!p0 $0x100000, s0  }
0x2e5: {  	[sflag:s0] =	ssyncadd.tile.s32 @!p0 $0x1;
	_ =	shalt  }
.Lfunc_end3:
_tile_overlayer_lowered:
.L_overlay_start_3:
0x2e6: {  	(tag) =	ssettag $0x3  }
0x2e7: {  	s0 =	rddreg [dreg:$0x0];
	s2 =	stileid.u32  }
0x2e8: {  	s1 =	rddreg [dreg:$0x1];
	p0 =	sne.s32 s2, $0x0  }
0x2e9: {  	s3 =	rddreg [dreg:$0x2];
	[bflag:$0x3] =	sbarrier.arrive $0xFFFF;
	s2 =	simm.s32 @!p0 $0x1C04  }
0x2ea: {  	[timem:s3], [sflag:s2] =	dma.local @!p0 [hbm:s0], s1  }
0x2eb: {  	s0 =	simm.s32 @!p0 $0x4  }
0x2ec: {  	_ =	swait.ge @!p0 [sflag:s0], s1  }
0x2ed: {  	s1 =	ssub.s32 @!p0 $0x0, s1;
	[sflag:s0] =	ssyncset.done @!p0 $0x0  }
0x2ee: {  	[sflag:s0] =	ssyncadd.s32 @!p0 s1  }
0x2ef: {  	[bflag:$0x3] =	sbarrier.arrive $0xFFFF  }
0x2f0: {  	_ =	shalt  }

</sc_bundles>
